<compile_context>
chip_gen: v7x
topology: tpu7x:2x2x1
jax: 0.10.2.dev20260603
libtpu: 0.0.44.dev20260713+nightly
codegen_flags: <defaults>
</compile_context>

<pallas_src>
import jax
import jax.numpy as jnp
from jax import lax
from jax.experimental import pallas as pl
from jax.experimental.pallas import tpu as pltpu
from jax.experimental.pallas import tpu_sc as plsc

_B = 4096
_CTX = 20
_S = 21
_EMB = 64
_LANES = 128
_VOCAB = 1000000
_NC = 2
_NS = 16
_NW = _NC * _NS
_BPW = _B // _NW
_CB = 16384

_SC_PARAMS = pltpu.CompilerParams(needs_layout_passes=False,
                                  use_tc_tiling_on_sc=False)


_NB2 = 31
_SPLIT = _NB2 * _CB


def _tr_body(x_ref, out_ref):
  out_ref[:, 0:_EMB] = x_ref[...].T
  out_ref[:, _EMB:_LANES] = jnp.zeros((_CB, _LANES - _EMB), jnp.float32)


def _tr2_body(x1_ref, x2_ref, out_ref):
  out_ref[:, 0:_EMB] = x1_ref[...].T
  out_ref[:, _EMB:_LANES] = x2_ref[...].T


def _to_rows(xt):
  n = xt.shape[1]
  nb = (n + _CB - 1) // _CB
  return pl.pallas_call(
      _tr_body,
      out_shape=jax.ShapeDtypeStruct((nb * _CB, _LANES), jnp.float32),
      grid=(nb,),
      in_specs=[pl.BlockSpec((_EMB, _CB), lambda i: (0, i))],
      out_specs=pl.BlockSpec((_CB, _LANES), lambda i: (i, 0)),
  )(xt)


def _to_rows_packed(xt):
  return pl.pallas_call(
      _tr2_body,
      out_shape=jax.ShapeDtypeStruct((_SPLIT, _LANES), jnp.float32),
      grid=(_NB2,),
      in_specs=[pl.BlockSpec((_EMB, _CB), lambda i: (0, i)),
                pl.BlockSpec((_EMB, _CB), lambda i: (0, i + _NB2))],
      out_specs=pl.BlockSpec((_CB, _LANES), lambda i: (i, 0)),
  )(xt, xt)


def _sc1_body(d_hbm, w_hbm, docs_hbm, ctxs_hbm, h_hbm,
              idx_a, idx_b, ident_v, ctxi_v, rows_a, rows_b, acc_spm,
              sem_a, sem_b):
  sid = lax.axis_index("s")
  wid = sid * _NC + lax.axis_index("c")
  base = wid * _BPW
  iota = lax.iota(jnp.int32, 16)
  sbase = sid * _BPW

  for j in range(_BPW // 16):
    ident_v[pl.ds(j * 16, 16)] = iota + (sbase + j * 16)

  idx = (idx_a, idx_b)
  rows = (rows_a, rows_b)
  sems = (sem_a, sem_b)

  pltpu.sync_copy(docs_hbm.at[pl.ds(base, _BPW)], idx_a)
  pltpu.async_copy(d_hbm.at[idx_a], rows_a, sem_a)
  pltpu.sync_copy(ctxs_hbm.at[pl.ds(base, _BPW), :], ctxi_v)

  def build_idx(c, dst):
    cc = jnp.zeros((16,), jnp.int32) + c
    for j in range(_BPW // 16):
      dst[pl.ds(j * 16, 16)] = plsc.load_gather(ctxi_v, [j * 16 + iota, cc])

  build_idx(0, idx_b)
  pltpu.make_async_copy(d_hbm.at[idx_a], rows_a, sem_a).wait()
  pltpu.sync_copy(rows_a, acc_spm.at[pl.ds(sbase, _BPW)])
  pltpu.async_copy(w_hbm.at[idx_b], rows_b, sem_b)

  for c in range(_CTX):
    cur = (c + 1) % 2
    nxt = c % 2
    if c + 1 < _CTX:
      build_idx(c + 1, idx[nxt])
      pltpu.async_copy(w_hbm.at[idx[nxt]], rows[nxt], sems[nxt])
    pltpu.make_async_copy(w_hbm.at[idx[cur]], rows[cur], sems[cur]).wait()
    pltpu.sync_copy(rows[cur], acc_spm.at[ident_v], add=True)

  pltpu.sync_copy(acc_spm.at[pl.ds(sbase, _BPW)],
                  h_hbm.at[pl.ds(base, _BPW), :])


@jax.jit
def _sc1_call(d, w, docs, ctxs):
  mesh = plsc.VectorSubcoreMesh(
      core_axis_name="c", subcore_axis_name="s",
      num_cores=_NC, num_subcores=_NS)
  return pl.kernel(
      _sc1_body,
      out_type=jax.ShapeDtypeStruct((_B, _LANES), jnp.float32),
      mesh=mesh,
      compiler_params=_SC_PARAMS,
      scratch_types=[
          pltpu.VMEM((_BPW,), jnp.int32),
          pltpu.VMEM((_BPW,), jnp.int32),
          pltpu.VMEM((_BPW,), jnp.int32),
          pltpu.VMEM((_BPW, _CTX), jnp.int32),
          pltpu.VMEM((_BPW, _LANES), jnp.float32),
          pltpu.VMEM((_BPW, _LANES), jnp.float32),
          pltpu.VMEM_SHARED((_NS * _BPW, _LANES), jnp.float32),
          pltpu.SemaphoreType.DMA,
          pltpu.SemaphoreType.DMA,
      ],
  )(d, w, docs, ctxs)


def _sc2_body(h_hbm, wpt_hbm, y_hbm, out_hbm,
              yi_v, yidx_a, yidx_b, h_v, g_a, g_b, out_v, sem_a, sem_b):
  sid = lax.axis_index("s")
  wid = sid * _NC + lax.axis_index("c")
  base = wid * _BPW
  iota = lax.iota(jnp.int32, 16)
  lane15 = iota == 15

  yidx = (yidx_a, yidx_b)
  g = (g_a, g_b)
  sems = (sem_a, sem_b)

  pltpu.sync_copy(y_hbm.at[pl.ds(base, _BPW), :], yi_v)
  pltpu.sync_copy(h_hbm.at[pl.ds(base, _BPW), :], h_v)

  def build_idx(s, dst):
    ss = jnp.zeros((16,), jnp.int32) + s
    for j in range(_BPW // 16):
      yv = plsc.load_gather(yi_v, [j * 16 + iota, ss])
      dst[pl.ds(j * 16, 16)] = jnp.where(yv >= _SPLIT, yv - _SPLIT, yv)

  build_idx(0, yidx_a)
  pltpu.async_copy(wpt_hbm.at[yidx_a], g_a, sem_a)

  for s in range(_S):
    cur = s % 2
    nxt = (s + 1) % 2
    if s + 1 < _S:
      build_idx(s + 1, yidx[nxt])
      pltpu.async_copy(wpt_hbm.at[yidx[nxt]], g[nxt], sems[nxt])
    pltpu.make_async_copy(wpt_hbm.at[yidx[cur]], g[cur], sems[cur]).wait()

    gc = g[cur]
    ss = jnp.zeros((16,), jnp.int32) + s

    def dot_row(i, _):
      ii = jnp.zeros((16,), jnp.int32) + i
      acc_lo = h_v[i, pl.ds(0, 16)] * gc[i, pl.ds(0, 16)]
      acc_hi = h_v[i, pl.ds(0, 16)] * gc[i, pl.ds(_EMB, 16)]
      for j in range(1, _EMB // 16):
        sl = pl.ds(j * 16, 16)
        acc_lo = acc_lo + h_v[i, sl] * gc[i, pl.ds(j * 16, 16)]
        acc_hi = acc_hi + h_v[i, sl] * gc[i, pl.ds(_EMB + j * 16, 16)]
      yv = plsc.load_gather(yi_v, [ii, ss])
      acc = jnp.where(yv >= _SPLIT, acc_hi, acc_lo)
      csum = plsc.cumsum(acc)
      plsc.store_scatter(out_v, [ii, ss], csum, mask=lane15)
      return 0
    lax.fori_loop(0, _BPW, dot_row, 0)

  pltpu.sync_copy(out_v, out_hbm.at[pl.ds(base, _BPW), :])


@jax.jit
def _sc2_call(h, wpt, y):
  mesh = plsc.VectorSubcoreMesh(
      core_axis_name="c", subcore_axis_name="s",
      num_cores=_NC, num_subcores=_NS)
  return pl.kernel(
      _sc2_body,
      out_type=jax.ShapeDtypeStruct((_B, _S), jnp.float32),
      mesh=mesh,
      compiler_params=_SC_PARAMS,
      scratch_types=[
          pltpu.VMEM((_BPW, _S), jnp.int32),
          pltpu.VMEM((_BPW,), jnp.int32),
          pltpu.VMEM((_BPW,), jnp.int32),
          pltpu.VMEM((_BPW, _LANES), jnp.float32),
          pltpu.VMEM((_BPW, _LANES), jnp.float32),
          pltpu.VMEM((_BPW, _LANES), jnp.float32),
          pltpu.VMEM((_BPW, _S), jnp.float32),
          pltpu.SemaphoreType.DMA,
          pltpu.SemaphoreType.DMA,
      ],
  )(h, wpt, y)


def kernel(D, W, WP, ctxs, docs, y):
  w_lin = _to_rows(W.T)
  d_lin = _to_rows(D.T)
  h = _sc1_call(d_lin, w_lin, docs.astype(jnp.int32), ctxs.astype(jnp.int32))
  wpt = _to_rows_packed(WP)
  return _sc2_call(h, wpt, y.astype(jnp.int32))

# --- scband reference (transcript-rebuilt; emitter-appended) ---
"""Pipeline reference for scband-dmm-44839458570564 (READ-ONLY COPY).

The authoritative reference and input builder live on the scoring server;
editing this copy changes nothing except your own understanding.
"""

import jax, jax.numpy as jnp
import numpy as np

DOC_COUNT = 100000
VOCAB = 1000000
EMB = 64
B = 4096
CTX = 20
S = 21


def setup_inputs(seed: int = 0) -> dict:
    key = jax.random.key(seed)
    k1, k2, k3, k4, k5, k6 = jax.random.split(key, 6)
    D = jax.random.normal(k1, (DOC_COUNT, EMB), dtype=jnp.float32)
    W = jnp.concatenate(
        [jax.random.normal(k2, (VOCAB, EMB), dtype=jnp.float32),
         jnp.zeros((1, EMB), dtype=jnp.float32)], axis=0)
    WP = jax.random.normal(k3, (EMB, VOCAB), dtype=jnp.float32)
    ctxs = jax.random.randint(k4, (B, CTX), 0, VOCAB)
    docs = jax.random.randint(k5, (B,), 0, DOC_COUNT)
    y = jax.random.randint(k6, (B, S), 0, VOCAB)
    return {"D": D, "W": W, "WP": WP, "ctxs": ctxs, "docs": docs, "y": y}


def reference(D, W, WP, ctxs, docs, y):
    # Phase 1: input -> hidden. Gather doc vectors and sum context word vectors.
    h = D[docs, :] + jnp.sum(W[ctxs, :], axis=1)  # [B, EMB]
    # Phase 2: hidden -> output. Gather output word columns and batched matmul.
    wp_sel = WP[:, y]                      # [EMB, B, S]
    wp_sel = jnp.transpose(wp_sel, (1, 0, 2))  # [B, EMB, S]
    out = jnp.matmul(h[:, None, :], wp_sel)    # [B, 1, S]
    return jnp.squeeze(out, axis=1)            # [B, S]

if __name__ == "__main__":
    import jax
    _d = setup_inputs()
    print(jax.jit(kernel)(*tuple(_d.values())))

</pallas_src>

<mosaic_0001>
#map = affine_map<(d0, d1) -> (0, 0)>
#map1 = affine_map<(d0, d1) -> (0)>
module attributes {stable_mosaic.version = 14 : i64} {
  func.func @_sc1_body(%arg0: i32, %arg1: i32, %arg2: memref<114688x128xf32, #tpu.memory_space<hbm>>, %arg3: memref<1015808x128xf32, #tpu.memory_space<hbm>>, %arg4: memref<4096xi32, #tpu.memory_space<hbm>>, %arg5: memref<4096x20xi32, #tpu.memory_space<hbm>>, %arg6: memref<4096x128xf32, #tpu.memory_space<hbm>>, %arg7: memref<128xi32, #tpu.memory_space<vmem>>, %arg8: memref<128xi32, #tpu.memory_space<vmem>>, %arg9: memref<128xi32, #tpu.memory_space<vmem>>, %arg10: memref<128x20xi32, #tpu.memory_space<vmem>>, %arg11: memref<128x128xf32, #tpu.memory_space<vmem>>, %arg12: memref<128x128xf32, #tpu.memory_space<vmem>>, %arg13: memref<2048x128xf32, #tpu.memory_space<vmem_shared>>, %arg14: memref<!tpu.dma_semaphore, #tpu.memory_space<semaphore_mem>>, %arg15: memref<!tpu.dma_semaphore, #tpu.memory_space<semaphore_mem>>) attributes {dimension_semantics = [#tpu.dimension_semantics<core_parallel>, #tpu.dimension_semantics<subcore_parallel>], iteration_bounds = array<i64: 2, 16>, scalar_prefetch = 0 : i64, scratch_operands = 9 : i64, tpu.core_type = #tpu.core_type<sc_vector_subcore>, window_params = [{transform_indices = #map}, {transform_indices = #map}, {transform_indices = #map1}, {transform_indices = #map}, {transform_indices = #map}]} {
    %mul3A = arith.constant 2 : i32
    %mul3A_0 = arith.muli %arg1, %mul3A : i32
    %add3A = arith.addi %mul3A_0, %arg0 : i32
    %mul3A_1 = arith.constant 128 : i32
    %mul3A_2 = arith.muli %add3A, %mul3A_1 : i32
    %iota3A = tpu.iota {dimensions = array<i32: 0>} : vector<16xi32>
    %mul3A_3 = arith.constant 128 : i32
    %mul3A_4 = arith.muli %arg1, %mul3A_3 : i32
    %add3A_5 = arith.constant 0 : i32
    %add3A_6 = arith.addi %mul3A_4, %add3A_5 : i32
    %add3A_7 = vector.broadcast %add3A_6 : i32 to vector<16xi32>
    %add3A_8 = arith.addi %iota3A, %add3A_7 : vector<16xi32>
    %swap3A = arith.constant 0 : index
    %swap3A_9 = tpu.vector_load %arg9[%swap3A] {strides = array<i32>} : memref<128xi32, #tpu.memory_space<vmem>>, vector<16xi32>,
    tpu.vector_store %arg9[%swap3A], %add3A_8 {strides = array<i32>} : memref<128xi32, #tpu.memory_space<vmem>>, vector<16xi32>,
    %add3A_10 = arith.constant 16 : i32
    %add3A_11 = arith.addi %mul3A_4, %add3A_10 : i32
    %add3A_12 = vector.broadcast %add3A_11 : i32 to vector<16xi32>
    %add3A_13 = arith.addi %iota3A, %add3A_12 : vector<16xi32>
    %swap3A_14 = arith.constant 16 : index
    %swap3A_15 = tpu.vector_load %arg9[%swap3A_14] {strides = array<i32>} : memref<128xi32, #tpu.memory_space<vmem>>, vector<16xi32>,
    tpu.vector_store %arg9[%swap3A_14], %add3A_13 {strides = array<i32>} : memref<128xi32, #tpu.memory_space<vmem>>, vector<16xi32>,
    %add3A_16 = arith.constant 32 : i32
    %add3A_17 = arith.addi %mul3A_4, %add3A_16 : i32
    %add3A_18 = vector.broadcast %add3A_17 : i32 to vector<16xi32>
    %add3A_19 = arith.addi %iota3A, %add3A_18 : vector<16xi32>
    %swap3A_20 = arith.constant 32 : index
    %swap3A_21 = tpu.vector_load %arg9[%swap3A_20] {strides = array<i32>} : memref<128xi32, #tpu.memory_space<vmem>>, vector<16xi32>,
    tpu.vector_store %arg9[%swap3A_20], %add3A_19 {strides = array<i32>} : memref<128xi32, #tpu.memory_space<vmem>>, vector<16xi32>,
    %add3A_22 = arith.constant 48 : i32
    %add3A_23 = arith.addi %mul3A_4, %add3A_22 : i32
    %add3A_24 = vector.broadcast %add3A_23 : i32 to vector<16xi32>
    %add3A_25 = arith.addi %iota3A, %add3A_24 : vector<16xi32>
    %swap3A_26 = arith.constant 48 : index
    %swap3A_27 = tpu.vector_load %arg9[%swap3A_26] {strides = array<i32>} : memref<128xi32, #tpu.memory_space<vmem>>, vector<16xi32>,
    tpu.vector_store %arg9[%swap3A_26], %add3A_25 {strides = array<i32>} : memref<128xi32, #tpu.memory_space<vmem>>, vector<16xi32>,
    %add3A_28 = arith.constant 64 : i32
    %add3A_29 = arith.addi %mul3A_4, %add3A_28 : i32
    %add3A_30 = vector.broadcast %add3A_29 : i32 to vector<16xi32>
    %add3A_31 = arith.addi %iota3A, %add3A_30 : vector<16xi32>
    %swap3A_32 = arith.constant 64 : index
    %swap3A_33 = tpu.vector_load %arg9[%swap3A_32] {strides = array<i32>} : memref<128xi32, #tpu.memory_space<vmem>>, vector<16xi32>,
    tpu.vector_store %arg9[%swap3A_32], %add3A_31 {strides = array<i32>} : memref<128xi32, #tpu.memory_space<vmem>>, vector<16xi32>,
    %add3A_34 = arith.constant 80 : i32
    %add3A_35 = arith.addi %mul3A_4, %add3A_34 : i32
    %add3A_36 = vector.broadcast %add3A_35 : i32 to vector<16xi32>
    %add3A_37 = arith.addi %iota3A, %add3A_36 : vector<16xi32>
    %swap3A_38 = arith.constant 80 : index
    %swap3A_39 = tpu.vector_load %arg9[%swap3A_38] {strides = array<i32>} : memref<128xi32, #tpu.memory_space<vmem>>, vector<16xi32>,
    tpu.vector_store %arg9[%swap3A_38], %add3A_37 {strides = array<i32>} : memref<128xi32, #tpu.memory_space<vmem>>, vector<16xi32>,
    %add3A_40 = arith.constant 96 : i32
    %add3A_41 = arith.addi %mul3A_4, %add3A_40 : i32
    %add3A_42 = vector.broadcast %add3A_41 : i32 to vector<16xi32>
    %add3A_43 = arith.addi %iota3A, %add3A_42 : vector<16xi32>
    %swap3A_44 = arith.constant 96 : index
    %swap3A_45 = tpu.vector_load %arg9[%swap3A_44] {strides = array<i32>} : memref<128xi32, #tpu.memory_space<vmem>>, vector<16xi32>,
    tpu.vector_store %arg9[%swap3A_44], %add3A_43 {strides = array<i32>} : memref<128xi32, #tpu.memory_space<vmem>>, vector<16xi32>,
    %add3A_46 = arith.constant 112 : i32
    %add3A_47 = arith.addi %mul3A_4, %add3A_46 : i32
    %add3A_48 = vector.broadcast %add3A_47 : i32 to vector<16xi32>
    %add3A_49 = arith.addi %iota3A, %add3A_48 : vector<16xi32>
    %swap3A_50 = arith.constant 112 : index
    %swap3A_51 = tpu.vector_load %arg9[%swap3A_50] {strides = array<i32>} : memref<128xi32, #tpu.memory_space<vmem>>, vector<16xi32>,
    tpu.vector_store %arg9[%swap3A_50], %add3A_49 {strides = array<i32>} : memref<128xi32, #tpu.memory_space<vmem>>, vector<16xi32>,
    "tpu.region"() ({
      %run_scoped3A = tpu.sem_alloc : memref<!tpu.dma_semaphore, #tpu.memory_space<semaphore_mem>>
      %dma_start3A_1234 = tpu.memref_slice %arg4[%mul3A_2] : memref<4096xi32, #tpu.memory_space<hbm>> -> memref<128xi32, #tpu.memory_space<hbm>>
      %dma_start3A_1235 = tpu.memref_slice %arg4[%mul3A_2] : memref<4096xi32, #tpu.memory_space<hbm>> -> memref<128xi32, #tpu.memory_space<hbm>>
      tpu.enqueue_dma source(%dma_start3A_1235 : memref<128xi32, #tpu.memory_space<hbm>>) target(%arg7 : memref<128xi32, #tpu.memory_space<vmem>>) target_semaphore(%run_scoped3A : memref<!tpu.dma_semaphore, #tpu.memory_space<semaphore_mem>>)
      %dma_wait3A_1236 = tpu.memref_slice %arg4[%mul3A_2] : memref<4096xi32, #tpu.memory_space<hbm>> -> memref<128xi32, #tpu.memory_space<hbm>>
      %dma_wait3A_1237 = tpu.memref_slice %arg4[%mul3A_2] : memref<4096xi32, #tpu.memory_space<hbm>> -> memref<128xi32, #tpu.memory_space<hbm>>
      tpu.wait_dma2 semaphore(%run_scoped3A : memref<!tpu.dma_semaphore, #tpu.memory_space<semaphore_mem>>) src(%dma_wait3A_1237 : memref<128xi32, #tpu.memory_space<hbm>>) dst(%arg7 : memref<128xi32, #tpu.memory_space<vmem>>)
      tpu.yield
    }) : () -> ()
    %dma_start3A = arith.constant 0 : i32
    %dma_start3A_52 = arith.constant 0 : i32
    %dma_start3A_53 = tpu.memref_slice %arg2[%dma_start3A, %dma_start3A_52] : memref<114688x128xf32, #tpu.memory_space<hbm>> -> memref<114688x128xf32, #tpu.memory_space<hbm>>
    tpu.enqueue_indirect_dma source(%dma_start3A_53 : memref<114688x128xf32, #tpu.memory_space<hbm>>) target(%arg11 : memref<128x128xf32, #tpu.memory_space<vmem>>) offsets(%arg7 : memref<128xi32, #tpu.memory_space<vmem>>) semaphore(%arg14 : memref<!tpu.dma_semaphore, #tpu.memory_space<semaphore_mem>>)
    "tpu.region"() ({
      %run_scoped3A = tpu.sem_alloc : memref<!tpu.dma_semaphore, #tpu.memory_space<semaphore_mem>>
      %dma_start3A_1234 = arith.constant 0 : i32
      %dma_start3A_1235 = tpu.memref_slice %arg5[%mul3A_2, %dma_start3A_1234] : memref<4096x20xi32, #tpu.memory_space<hbm>> -> memref<128x20xi32, #tpu.memory_space<hbm>>
      %dma_start3A_1236 = arith.constant 0 : i32
      %dma_start3A_1237 = tpu.memref_slice %arg5[%mul3A_2, %dma_start3A_1236] : memref<4096x20xi32, #tpu.memory_space<hbm>> -> memref<128x20xi32, #tpu.memory_space<hbm>>
      tpu.enqueue_dma source(%dma_start3A_1237 : memref<128x20xi32, #tpu.memory_space<hbm>>) target(%arg10 : memref<128x20xi32, #tpu.memory_space<vmem>>) target_semaphore(%run_scoped3A : memref<!tpu.dma_semaphore, #tpu.memory_space<semaphore_mem>>)
      %dma_wait3A_1238 = arith.constant 0 : i32
      %dma_wait3A_1239 = tpu.memref_slice %arg5[%mul3A_2, %dma_wait3A_1238] : memref<4096x20xi32, #tpu.memory_space<hbm>> -> memref<128x20xi32, #tpu.memory_space<hbm>>
      %dma_wait3A_1240 = arith.constant 0 : i32
      %dma_wait3A_1241 = tpu.memref_slice %arg5[%mul3A_2, %dma_wait3A_1240] : memref<4096x20xi32, #tpu.memory_space<hbm>> -> memref<128x20xi32, #tpu.memory_space<hbm>>
      tpu.wait_dma2 semaphore(%run_scoped3A : memref<!tpu.dma_semaphore, #tpu.memory_space<semaphore_mem>>) src(%dma_wait3A_1241 : memref<128x20xi32, #tpu.memory_space<hbm>>) dst(%arg10 : memref<128x20xi32, #tpu.memory_space<vmem>>)
      tpu.yield
    }) : () -> ()
    %broadcast_in_dim3A = arith.constant 0 : i32
    %broadcast_in_dim3A_54 = vector.broadcast %broadcast_in_dim3A : i32 to vector<16xi32>
    %add3A_55 = arith.constant 0 : i32
    %add3A_56 = vector.broadcast %add3A_55 : i32 to vector<16xi32>
    %add3A_57 = arith.addi %broadcast_in_dim3A_54, %add3A_56 : vector<16xi32>
    %add3A_58 = arith.constant 0 : i32
    %add3A_59 = vector.broadcast %add3A_58 : i32 to vector<16xi32>
    %add3A_60 = arith.addi %add3A_59, %iota3A : vector<16xi32>
    %gather3A = tpu.vector_load_idx %arg10[%add3A_60, %add3A_57] : memref<128x20xi32, #tpu.memory_space<vmem>>[vector<16xi32>, vector<16xi32>], vector<16xi32>,
    %swap3A_61 = arith.constant 0 : index
    %swap3A_62 = tpu.vector_load %arg8[%swap3A_61] {strides = array<i32>} : memref<128xi32, #tpu.memory_space<vmem>>, vector<16xi32>,
    tpu.vector_store %arg8[%swap3A_61], %gather3A {strides = array<i32>} : memref<128xi32, #tpu.memory_space<vmem>>, vector<16xi32>,
    %add3A_63 = arith.constant 16 : i32
    %add3A_64 = vector.broadcast %add3A_63 : i32 to vector<16xi32>
    %add3A_65 = arith.addi %add3A_64, %iota3A : vector<16xi32>
    %gather3A_66 = tpu.vector_load_idx %arg10[%add3A_65, %add3A_57] : memref<128x20xi32, #tpu.memory_space<vmem>>[vector<16xi32>, vector<16xi32>], vector<16xi32>,
    %swap3A_67 = arith.constant 16 : index
    %swap3A_68 = tpu.vector_load %arg8[%swap3A_67] {strides = array<i32>} : memref<128xi32, #tpu.memory_space<vmem>>, vector<16xi32>,
    tpu.vector_store %arg8[%swap3A_67], %gather3A_66 {strides = array<i32>} : memref<128xi32, #tpu.memory_space<vmem>>, vector<16xi32>,
    %add3A_69 = arith.constant 32 : i32
    %add3A_70 = vector.broadcast %add3A_69 : i32 to vector<16xi32>
    %add3A_71 = arith.addi %add3A_70, %iota3A : vector<16xi32>
    %gather3A_72 = tpu.vector_load_idx %arg10[%add3A_71, %add3A_57] : memref<128x20xi32, #tpu.memory_space<vmem>>[vector<16xi32>, vector<16xi32>], vector<16xi32>,
    %swap3A_73 = arith.constant 32 : index
    %swap3A_74 = tpu.vector_load %arg8[%swap3A_73] {strides = array<i32>} : memref<128xi32, #tpu.memory_space<vmem>>, vector<16xi32>,
    tpu.vector_store %arg8[%swap3A_73], %gather3A_72 {strides = array<i32>} : memref<128xi32, #tpu.memory_space<vmem>>, vector<16xi32>,
    %add3A_75 = arith.constant 48 : i32
    %add3A_76 = vector.broadcast %add3A_75 : i32 to vector<16xi32>
    %add3A_77 = arith.addi %add3A_76, %iota3A : vector<16xi32>
    %gather3A_78 = tpu.vector_load_idx %arg10[%add3A_77, %add3A_57] : memref<128x20xi32, #tpu.memory_space<vmem>>[vector<16xi32>, vector<16xi32>], vector<16xi32>,
    %swap3A_79 = arith.constant 48 : index
    %swap3A_80 = tpu.vector_load %arg8[%swap3A_79] {strides = array<i32>} : memref<128xi32, #tpu.memory_space<vmem>>, vector<16xi32>,
    tpu.vector_store %arg8[%swap3A_79], %gather3A_78 {strides = array<i32>} : memref<128xi32, #tpu.memory_space<vmem>>, vector<16xi32>,
    %add3A_81 = arith.constant 64 : i32
    %add3A_82 = vector.broadcast %add3A_81 : i32 to vector<16xi32>
    %add3A_83 = arith.addi %add3A_82, %iota3A : vector<16xi32>
    %gather3A_84 = tpu.vector_load_idx %arg10[%add3A_83, %add3A_57] : memref<128x20xi32, #tpu.memory_space<vmem>>[vector<16xi32>, vector<16xi32>], vector<16xi32>,
    %swap3A_85 = arith.constant 64 : index
    %swap3A_86 = tpu.vector_load %arg8[%swap3A_85] {strides = array<i32>} : memref<128xi32, #tpu.memory_space<vmem>>, vector<16xi32>,
    tpu.vector_store %arg8[%swap3A_85], %gather3A_84 {strides = array<i32>} : memref<128xi32, #tpu.memory_space<vmem>>, vector<16xi32>,
    %add3A_87 = arith.constant 80 : i32
    %add3A_88 = vector.broadcast %add3A_87 : i32 to vector<16xi32>
    %add3A_89 = arith.addi %add3A_88, %iota3A : vector<16xi32>
    %gather3A_90 = tpu.vector_load_idx %arg10[%add3A_89, %add3A_57] : memref<128x20xi32, #tpu.memory_space<vmem>>[vector<16xi32>, vector<16xi32>], vector<16xi32>,
    %swap3A_91 = arith.constant 80 : index
    %swap3A_92 = tpu.vector_load %arg8[%swap3A_91] {strides = array<i32>} : memref<128xi32, #tpu.memory_space<vmem>>, vector<16xi32>,
    tpu.vector_store %arg8[%swap3A_91], %gather3A_90 {strides = array<i32>} : memref<128xi32, #tpu.memory_space<vmem>>, vector<16xi32>,
    %add3A_93 = arith.constant 96 : i32
    %add3A_94 = vector.broadcast %add3A_93 : i32 to vector<16xi32>
    %add3A_95 = arith.addi %add3A_94, %iota3A : vector<16xi32>
    %gather3A_96 = tpu.vector_load_idx %arg10[%add3A_95, %add3A_57] : memref<128x20xi32, #tpu.memory_space<vmem>>[vector<16xi32>, vector<16xi32>], vector<16xi32>,
    %swap3A_97 = arith.constant 96 : index
    %swap3A_98 = tpu.vector_load %arg8[%swap3A_97] {strides = array<i32>} : memref<128xi32, #tpu.memory_space<vmem>>, vector<16xi32>,
    tpu.vector_store %arg8[%swap3A_97], %gather3A_96 {strides = array<i32>} : memref<128xi32, #tpu.memory_space<vmem>>, vector<16xi32>,
    %add3A_99 = arith.constant 112 : i32
    %add3A_100 = vector.broadcast %add3A_99 : i32 to vector<16xi32>
    %add3A_101 = arith.addi %add3A_100, %iota3A : vector<16xi32>
    %gather3A_102 = tpu.vector_load_idx %arg10[%add3A_101, %add3A_57] : memref<128x20xi32, #tpu.memory_space<vmem>>[vector<16xi32>, vector<16xi32>], vector<16xi32>,
    %swap3A_103 = arith.constant 112 : index
    %swap3A_104 = tpu.vector_load %arg8[%swap3A_103] {strides = array<i32>} : memref<128xi32, #tpu.memory_space<vmem>>, vector<16xi32>,
    tpu.vector_store %arg8[%swap3A_103], %gather3A_102 {strides = array<i32>} : memref<128xi32, #tpu.memory_space<vmem>>, vector<16xi32>,
    %dma_wait3A = arith.constant 0 : i32
    %dma_wait3A_105 = arith.constant 0 : i32
    %dma_wait3A_106 = tpu.memref_slice %arg2[%dma_wait3A, %dma_wait3A_105] : memref<114688x128xf32, #tpu.memory_space<hbm>> -> memref<114688x128xf32, #tpu.memory_space<hbm>>
    tpu.wait_indirect_dma semaphore(%arg14 : memref<!tpu.dma_semaphore, #tpu.memory_space<semaphore_mem>>) src(%dma_wait3A_106 : memref<114688x128xf32, #tpu.memory_space<hbm>>) dst(%arg11 : memref<128x128xf32, #tpu.memory_space<vmem>>)
    "tpu.region"() ({
      %run_scoped3A = tpu.sem_alloc : memref<!tpu.dma_semaphore, #tpu.memory_space<semaphore_mem>>
      %dma_start3A_1234 = arith.constant 0 : i32
      %dma_start3A_1235 = tpu.memref_slice %arg13[%mul3A_4, %dma_start3A_1234] : memref<2048x128xf32, #tpu.memory_space<vmem_shared>> -> memref<128x128xf32, #tpu.memory_space<vmem_shared>>
      %dma_start3A_1236 = arith.constant 0 : i32
      %dma_start3A_1237 = tpu.memref_slice %arg13[%mul3A_4, %dma_start3A_1236] : memref<2048x128xf32, #tpu.memory_space<vmem_shared>> -> memref<128x128xf32, #tpu.memory_space<vmem_shared>>
      tpu.enqueue_dma source(%arg11 : memref<128x128xf32, #tpu.memory_space<vmem>>) target(%dma_start3A_1237 : memref<128x128xf32, #tpu.memory_space<vmem_shared>>) target_semaphore(%run_scoped3A : memref<!tpu.dma_semaphore, #tpu.memory_space<semaphore_mem>>)
      %dma_wait3A_1238 = arith.constant 0 : i32
      %dma_wait3A_1239 = tpu.memref_slice %arg13[%mul3A_4, %dma_wait3A_1238] : memref<2048x128xf32, #tpu.memory_space<vmem_shared>> -> memref<128x128xf32, #tpu.memory_space<vmem_shared>>
      %dma_wait3A_1240 = arith.constant 0 : i32
      %dma_wait3A_1241 = tpu.memref_slice %arg13[%mul3A_4, %dma_wait3A_1240] : memref<2048x128xf32, #tpu.memory_space<vmem_shared>> -> memref<128x128xf32, #tpu.memory_space<vmem_shared>>
      tpu.wait_dma2 semaphore(%run_scoped3A : memref<!tpu.dma_semaphore, #tpu.memory_space<semaphore_mem>>) src(%arg11 : memref<128x128xf32, #tpu.memory_space<vmem>>) dst(%dma_wait3A_1241 : memref<128x128xf32, #tpu.memory_space<vmem_shared>>)
      tpu.yield
    }) : () -> ()
    %dma_start3A_107 = arith.constant 0 : i32
    %dma_start3A_108 = arith.constant 0 : i32
    %dma_start3A_109 = tpu.memref_slice %arg3[%dma_start3A_107, %dma_start3A_108] : memref<1015808x128xf32, #tpu.memory_space<hbm>> -> memref<1015808x128xf32, #tpu.memory_space<hbm>>
    tpu.enqueue_indirect_dma source(%dma_start3A_109 : memref<1015808x128xf32, #tpu.memory_space<hbm>>) target(%arg12 : memref<128x128xf32, #tpu.memory_space<vmem>>) offsets(%arg8 : memref<128xi32, #tpu.memory_space<vmem>>) semaphore(%arg15 : memref<!tpu.dma_semaphore, #tpu.memory_space<semaphore_mem>>)
    %broadcast_in_dim3A_110 = arith.constant 0 : i32
    %broadcast_in_dim3A_111 = vector.broadcast %broadcast_in_dim3A_110 : i32 to vector<16xi32>
    %add3A_112 = arith.constant 1 : i32
    %add3A_113 = vector.broadcast %add3A_112 : i32 to vector<16xi32>
    %add3A_114 = arith.addi %broadcast_in_dim3A_111, %add3A_113 : vector<16xi32>
    %add3A_115 = arith.constant 0 : i32
    %add3A_116 = vector.broadcast %add3A_115 : i32 to vector<16xi32>
    %add3A_117 = arith.addi %add3A_116, %iota3A : vector<16xi32>
    %gather3A_118 = tpu.vector_load_idx %arg10[%add3A_117, %add3A_114] : memref<128x20xi32, #tpu.memory_space<vmem>>[vector<16xi32>, vector<16xi32>], vector<16xi32>,
    %swap3A_119 = arith.constant 0 : index
    %swap3A_120 = tpu.vector_load %arg7[%swap3A_119] {strides = array<i32>} : memref<128xi32, #tpu.memory_space<vmem>>, vector<16xi32>,
    tpu.vector_store %arg7[%swap3A_119], %gather3A_118 {strides = array<i32>} : memref<128xi32, #tpu.memory_space<vmem>>, vector<16xi32>,
    %add3A_121 = arith.constant 16 : i32
    %add3A_122 = vector.broadcast %add3A_121 : i32 to vector<16xi32>
    %add3A_123 = arith.addi %add3A_122, %iota3A : vector<16xi32>
    %gather3A_124 = tpu.vector_load_idx %arg10[%add3A_123, %add3A_114] : memref<128x20xi32, #tpu.memory_space<vmem>>[vector<16xi32>, vector<16xi32>], vector<16xi32>,
    %swap3A_125 = arith.constant 16 : index
    %swap3A_126 = tpu.vector_load %arg7[%swap3A_125] {strides = array<i32>} : memref<128xi32, #tpu.memory_space<vmem>>, vector<16xi32>,
    tpu.vector_store %arg7[%swap3A_125], %gather3A_124 {strides = array<i32>} : memref<128xi32, #tpu.memory_space<vmem>>, vector<16xi32>,
    %add3A_127 = arith.constant 32 : i32
    %add3A_128 = vector.broadcast %add3A_127 : i32 to vector<16xi32>
    %add3A_129 = arith.addi %add3A_128, %iota3A : vector<16xi32>
    %gather3A_130 = tpu.vector_load_idx %arg10[%add3A_129, %add3A_114] : memref<128x20xi32, #tpu.memory_space<vmem>>[vector<16xi32>, vector<16xi32>], vector<16xi32>,
    %swap3A_131 = arith.constant 32 : index
    %swap3A_132 = tpu.vector_load %arg7[%swap3A_131] {strides = array<i32>} : memref<128xi32, #tpu.memory_space<vmem>>, vector<16xi32>,
    tpu.vector_store %arg7[%swap3A_131], %gather3A_130 {strides = array<i32>} : memref<128xi32, #tpu.memory_space<vmem>>, vector<16xi32>,
    %add3A_133 = arith.constant 48 : i32
    %add3A_134 = vector.broadcast %add3A_133 : i32 to vector<16xi32>
    %add3A_135 = arith.addi %add3A_134, %iota3A : vector<16xi32>
    %gather3A_136 = tpu.vector_load_idx %arg10[%add3A_135, %add3A_114] : memref<128x20xi32, #tpu.memory_space<vmem>>[vector<16xi32>, vector<16xi32>], vector<16xi32>,
    %swap3A_137 = arith.constant 48 : index
    %swap3A_138 = tpu.vector_load %arg7[%swap3A_137] {strides = array<i32>} : memref<128xi32, #tpu.memory_space<vmem>>, vector<16xi32>,
    tpu.vector_store %arg7[%swap3A_137], %gather3A_136 {strides = array<i32>} : memref<128xi32, #tpu.memory_space<vmem>>, vector<16xi32>,
    %add3A_139 = arith.constant 64 : i32
    %add3A_140 = vector.broadcast %add3A_139 : i32 to vector<16xi32>
    %add3A_141 = arith.addi %add3A_140, %iota3A : vector<16xi32>
    %gather3A_142 = tpu.vector_load_idx %arg10[%add3A_141, %add3A_114] : memref<128x20xi32, #tpu.memory_space<vmem>>[vector<16xi32>, vector<16xi32>], vector<16xi32>,
    %swap3A_143 = arith.constant 64 : index
    %swap3A_144 = tpu.vector_load %arg7[%swap3A_143] {strides = array<i32>} : memref<128xi32, #tpu.memory_space<vmem>>, vector<16xi32>,
    tpu.vector_store %arg7[%swap3A_143], %gather3A_142 {strides = array<i32>} : memref<128xi32, #tpu.memory_space<vmem>>, vector<16xi32>,
    %add3A_145 = arith.constant 80 : i32
    %add3A_146 = vector.broadcast %add3A_145 : i32 to vector<16xi32>
    %add3A_147 = arith.addi %add3A_146, %iota3A : vector<16xi32>
    %gather3A_148 = tpu.vector_load_idx %arg10[%add3A_147, %add3A_114] : memref<128x20xi32, #tpu.memory_space<vmem>>[vector<16xi32>, vector<16xi32>], vector<16xi32>,
    %swap3A_149 = arith.constant 80 : index
    %swap3A_150 = tpu.vector_load %arg7[%swap3A_149] {strides = array<i32>} : memref<128xi32, #tpu.memory_space<vmem>>, vector<16xi32>,
    tpu.vector_store %arg7[%swap3A_149], %gather3A_148 {strides = array<i32>} : memref<128xi32, #tpu.memory_space<vmem>>, vector<16xi32>,
    %add3A_151 = arith.constant 96 : i32
    %add3A_152 = vector.broadcast %add3A_151 : i32 to vector<16xi32>
    %add3A_153 = arith.addi %add3A_152, %iota3A : vector<16xi32>
    %gather3A_154 = tpu.vector_load_idx %arg10[%add3A_153, %add3A_114] : memref<128x20xi32, #tpu.memory_space<vmem>>[vector<16xi32>, vector<16xi32>], vector<16xi32>,
    %swap3A_155 = arith.constant 96 : index
    %swap3A_156 = tpu.vector_load %arg7[%swap3A_155] {strides = array<i32>} : memref<128xi32, #tpu.memory_space<vmem>>, vector<16xi32>,
    tpu.vector_store %arg7[%swap3A_155], %gather3A_154 {strides = array<i32>} : memref<128xi32, #tpu.memory_space<vmem>>, vector<16xi32>,
    %add3A_157 = arith.constant 112 : i32
    %add3A_158 = vector.broadcast %add3A_157 : i32 to vector<16xi32>
    %add3A_159 = arith.addi %add3A_158, %iota3A : vector<16xi32>
    %gather3A_160 = tpu.vector_load_idx %arg10[%add3A_159, %add3A_114] : memref<128x20xi32, #tpu.memory_space<vmem>>[vector<16xi32>, vector<16xi32>], vector<16xi32>,
    %swap3A_161 = arith.constant 112 : index
    %swap3A_162 = tpu.vector_load %arg7[%swap3A_161] {strides = array<i32>} : memref<128xi32, #tpu.memory_space<vmem>>, vector<16xi32>,
    tpu.vector_store %arg7[%swap3A_161], %gather3A_160 {strides = array<i32>} : memref<128xi32, #tpu.memory_space<vmem>>, vector<16xi32>,
    %dma_start3A_163 = arith.constant 0 : i32
    %dma_start3A_164 = arith.constant 0 : i32
    %dma_start3A_165 = tpu.memref_slice %arg3[%dma_start3A_163, %dma_start3A_164] : memref<1015808x128xf32, #tpu.memory_space<hbm>> -> memref<1015808x128xf32, #tpu.memory_space<hbm>>
    tpu.enqueue_indirect_dma source(%dma_start3A_165 : memref<1015808x128xf32, #tpu.memory_space<hbm>>) target(%arg11 : memref<128x128xf32, #tpu.memory_space<vmem>>) offsets(%arg7 : memref<128xi32, #tpu.memory_space<vmem>>) semaphore(%arg14 : memref<!tpu.dma_semaphore, #tpu.memory_space<semaphore_mem>>)
    %dma_wait3A_166 = arith.constant 0 : i32
    %dma_wait3A_167 = arith.constant 0 : i32
    %dma_wait3A_168 = tpu.memref_slice %arg3[%dma_wait3A_166, %dma_wait3A_167] : memref<1015808x128xf32, #tpu.memory_space<hbm>> -> memref<1015808x128xf32, #tpu.memory_space<hbm>>
    tpu.wait_indirect_dma semaphore(%arg15 : memref<!tpu.dma_semaphore, #tpu.memory_space<semaphore_mem>>) src(%dma_wait3A_168 : memref<1015808x128xf32, #tpu.memory_space<hbm>>) dst(%arg12 : memref<128x128xf32, #tpu.memory_space<vmem>>)
    "tpu.region"() ({
      %run_scoped3A = tpu.sem_alloc : memref<!tpu.dma_semaphore, #tpu.memory_space<semaphore_mem>>
      %dma_start3A_1234 = arith.constant 0 : i32
      %dma_start3A_1235 = arith.constant 0 : i32
      %dma_start3A_1236 = tpu.memref_slice %arg13[%dma_start3A_1234, %dma_start3A_1235] : memref<2048x128xf32, #tpu.memory_space<vmem_shared>> -> memref<2048x128xf32, #tpu.memory_space<vmem_shared>>
      tpu.enqueue_indirect_dma source(%arg12 : memref<128x128xf32, #tpu.memory_space<vmem>>) target(%dma_start3A_1236 : memref<2048x128xf32, #tpu.memory_space<vmem_shared>>) offsets(%arg9 : memref<128xi32, #tpu.memory_space<vmem>>) semaphore(%run_scoped3A : memref<!tpu.dma_semaphore, #tpu.memory_space<semaphore_mem>>) {add = true}
      %dma_wait3A_1237 = arith.constant 0 : i32
      %dma_wait3A_1238 = arith.constant 0 : i32
      %dma_wait3A_1239 = tpu.memref_slice %arg13[%dma_wait3A_1237, %dma_wait3A_1238] : memref<2048x128xf32, #tpu.memory_space<vmem_shared>> -> memref<2048x128xf32, #tpu.memory_space<vmem_shared>>
      tpu.wait_indirect_dma semaphore(%run_scoped3A : memref<!tpu.dma_semaphore, #tpu.memory_space<semaphore_mem>>) src(%arg12 : memref<128x128xf32, #tpu.memory_space<vmem>>) dst(%dma_wait3A_1239 : memref<2048x128xf32, #tpu.memory_space<vmem_shared>>)
      tpu.yield
    }) : () -> ()
    %broadcast_in_dim3A_169 = arith.constant 0 : i32
    %broadcast_in_dim3A_170 = vector.broadcast %broadcast_in_dim3A_169 : i32 to vector<16xi32>
    %add3A_171 = arith.constant 2 : i32
    %add3A_172 = vector.broadcast %add3A_171 : i32 to vector<16xi32>
    %add3A_173 = arith.addi %broadcast_in_dim3A_170, %add3A_172 : vector<16xi32>
    %add3A_174 = arith.constant 0 : i32
    %add3A_175 = vector.broadcast %add3A_174 : i32 to vector<16xi32>
    %add3A_176 = arith.addi %add3A_175, %iota3A : vector<16xi32>
    %gather3A_177 = tpu.vector_load_idx %arg10[%add3A_176, %add3A_173] : memref<128x20xi32, #tpu.memory_space<vmem>>[vector<16xi32>, vector<16xi32>], vector<16xi32>,
    %swap3A_178 = arith.constant 0 : index
    %swap3A_179 = tpu.vector_load %arg8[%swap3A_178] {strides = array<i32>} : memref<128xi32, #tpu.memory_space<vmem>>, vector<16xi32>,
    tpu.vector_store %arg8[%swap3A_178], %gather3A_177 {strides = array<i32>} : memref<128xi32, #tpu.memory_space<vmem>>, vector<16xi32>,
    %add3A_180 = arith.constant 16 : i32
    %add3A_181 = vector.broadcast %add3A_180 : i32 to vector<16xi32>
    %add3A_182 = arith.addi %add3A_181, %iota3A : vector<16xi32>
    %gather3A_183 = tpu.vector_load_idx %arg10[%add3A_182, %add3A_173] : memref<128x20xi32, #tpu.memory_space<vmem>>[vector<16xi32>, vector<16xi32>], vector<16xi32>,
    %swap3A_184 = arith.constant 16 : index
    %swap3A_185 = tpu.vector_load %arg8[%swap3A_184] {strides = array<i32>} : memref<128xi32, #tpu.memory_space<vmem>>, vector<16xi32>,
    tpu.vector_store %arg8[%swap3A_184], %gather3A_183 {strides = array<i32>} : memref<128xi32, #tpu.memory_space<vmem>>, vector<16xi32>,
    %add3A_186 = arith.constant 32 : i32
    %add3A_187 = vector.broadcast %add3A_186 : i32 to vector<16xi32>
    %add3A_188 = arith.addi %add3A_187, %iota3A : vector<16xi32>
    %gather3A_189 = tpu.vector_load_idx %arg10[%add3A_188, %add3A_173] : memref<128x20xi32, #tpu.memory_space<vmem>>[vector<16xi32>, vector<16xi32>], vector<16xi32>,
    %swap3A_190 = arith.constant 32 : index
    %swap3A_191 = tpu.vector_load %arg8[%swap3A_190] {strides = array<i32>} : memref<128xi32, #tpu.memory_space<vmem>>, vector<16xi32>,
    tpu.vector_store %arg8[%swap3A_190], %gather3A_189 {strides = array<i32>} : memref<128xi32, #tpu.memory_space<vmem>>, vector<16xi32>,
    %add3A_192 = arith.constant 48 : i32
    %add3A_193 = vector.broadcast %add3A_192 : i32 to vector<16xi32>
    %add3A_194 = arith.addi %add3A_193, %iota3A : vector<16xi32>
    %gather3A_195 = tpu.vector_load_idx %arg10[%add3A_194, %add3A_173] : memref<128x20xi32, #tpu.memory_space<vmem>>[vector<16xi32>, vector<16xi32>], vector<16xi32>,
    %swap3A_196 = arith.constant 48 : index
    %swap3A_197 = tpu.vector_load %arg8[%swap3A_196] {strides = array<i32>} : memref<128xi32, #tpu.memory_space<vmem>>, vector<16xi32>,
    tpu.vector_store %arg8[%swap3A_196], %gather3A_195 {strides = array<i32>} : memref<128xi32, #tpu.memory_space<vmem>>, vector<16xi32>,
    %add3A_198 = arith.constant 64 : i32
    %add3A_199 = vector.broadcast %add3A_198 : i32 to vector<16xi32>
    %add3A_200 = arith.addi %add3A_199, %iota3A : vector<16xi32>
    %gather3A_201 = tpu.vector_load_idx %arg10[%add3A_200, %add3A_173] : memref<128x20xi32, #tpu.memory_space<vmem>>[vector<16xi32>, vector<16xi32>], vector<16xi32>,
    %swap3A_202 = arith.constant 64 : index
    %swap3A_203 = tpu.vector_load %arg8[%swap3A_202] {strides = array<i32>} : memref<128xi32, #tpu.memory_space<vmem>>, vector<16xi32>,
    tpu.vector_store %arg8[%swap3A_202], %gather3A_201 {strides = array<i32>} : memref<128xi32, #tpu.memory_space<vmem>>, vector<16xi32>,
    %add3A_204 = arith.constant 80 : i32
    %add3A_205 = vector.broadcast %add3A_204 : i32 to vector<16xi32>
    %add3A_206 = arith.addi %add3A_205, %iota3A : vector<16xi32>
    %gather3A_207 = tpu.vector_load_idx %arg10[%add3A_206, %add3A_173] : memref<128x20xi32, #tpu.memory_space<vmem>>[vector<16xi32>, vector<16xi32>], vector<16xi32>,
    %swap3A_208 = arith.constant 80 : index
    %swap3A_209 = tpu.vector_load %arg8[%swap3A_208] {strides = array<i32>} : memref<128xi32, #tpu.memory_space<vmem>>, vector<16xi32>,
    tpu.vector_store %arg8[%swap3A_208], %gather3A_207 {strides = array<i32>} : memref<128xi32, #tpu.memory_space<vmem>>, vector<16xi32>,
    %add3A_210 = arith.constant 96 : i32
    %add3A_211 = vector.broadcast %add3A_210 : i32 to vector<16xi32>
    %add3A_212 = arith.addi %add3A_211, %iota3A : vector<16xi32>
    %gather3A_213 = tpu.vector_load_idx %arg10[%add3A_212, %add3A_173] : memref<128x20xi32, #tpu.memory_space<vmem>>[vector<16xi32>, vector<16xi32>], vector<16xi32>,
    %swap3A_214 = arith.constant 96 : index
    %swap3A_215 = tpu.vector_load %arg8[%swap3A_214] {strides = array<i32>} : memref<128xi32, #tpu.memory_space<vmem>>, vector<16xi32>,
    tpu.vector_store %arg8[%swap3A_214], %gather3A_213 {strides = array<i32>} : memref<128xi32, #tpu.memory_space<vmem>>, vector<16xi32>,
    %add3A_216 = arith.constant 112 : i32
    %add3A_217 = vector.broadcast %add3A_216 : i32 to vector<16xi32>
    %add3A_218 = arith.addi %add3A_217, %iota3A : vector<16xi32>
    %gather3A_219 = tpu.vector_load_idx %arg10[%add3A_218, %add3A_173] : memref<128x20xi32, #tpu.memory_space<vmem>>[vector<16xi32>, vector<16xi32>], vector<16xi32>,
    %swap3A_220 = arith.constant 112 : index
    %swap3A_221 = tpu.vector_load %arg8[%swap3A_220] {strides = array<i32>} : memref<128xi32, #tpu.memory_space<vmem>>, vector<16xi32>,
    tpu.vector_store %arg8[%swap3A_220], %gather3A_219 {strides = array<i32>} : memref<128xi32, #tpu.memory_space<vmem>>, vector<16xi32>,
    %dma_start3A_222 = arith.constant 0 : i32
    %dma_start3A_223 = arith.constant 0 : i32
    %dma_start3A_224 = tpu.memref_slice %arg3[%dma_start3A_222, %dma_start3A_223] : memref<1015808x128xf32, #tpu.memory_space<hbm>> -> memref<1015808x128xf32, #tpu.memory_space<hbm>>
    tpu.enqueue_indirect_dma source(%dma_start3A_224 : memref<1015808x128xf32, #tpu.memory_space<hbm>>) target(%arg12 : memref<128x128xf32, #tpu.memory_space<vmem>>) offsets(%arg8 : memref<128xi32, #tpu.memory_space<vmem>>) semaphore(%arg15 : memref<!tpu.dma_semaphore, #tpu.memory_space<semaphore_mem>>)
    %dma_wait3A_225 = arith.constant 0 : i32
    %dma_wait3A_226 = arith.constant 0 : i32
    %dma_wait3A_227 = tpu.memref_slice %arg3[%dma_wait3A_225, %dma_wait3A_226] : memref<1015808x128xf32, #tpu.memory_space<hbm>> -> memref<1015808x128xf32, #tpu.memory_space<hbm>>
    tpu.wait_indirect_dma semaphore(%arg14 : memref<!tpu.dma_semaphore, #tpu.memory_space<semaphore_mem>>) src(%dma_wait3A_227 : memref<1015808x128xf32, #tpu.memory_space<hbm>>) dst(%arg11 : memref<128x128xf32, #tpu.memory_space<vmem>>)
    "tpu.region"() ({
      %run_scoped3A = tpu.sem_alloc : memref<!tpu.dma_semaphore, #tpu.memory_space<semaphore_mem>>
      %dma_start3A_1234 = arith.constant 0 : i32
      %dma_start3A_1235 = arith.constant 0 : i32
      %dma_start3A_1236 = tpu.memref_slice %arg13[%dma_start3A_1234, %dma_start3A_1235] : memref<2048x128xf32, #tpu.memory_space<vmem_shared>> -> memref<2048x128xf32, #tpu.memory_space<vmem_shared>>
      tpu.enqueue_indirect_dma source(%arg11 : memref<128x128xf32, #tpu.memory_space<vmem>>) target(%dma_start3A_1236 : memref<2048x128xf32, #tpu.memory_space<vmem_shared>>) offsets(%arg9 : memref<128xi32, #tpu.memory_space<vmem>>) semaphore(%run_scoped3A : memref<!tpu.dma_semaphore, #tpu.memory_space<semaphore_mem>>) {add = true}
      %dma_wait3A_1237 = arith.constant 0 : i32
      %dma_wait3A_1238 = arith.constant 0 : i32
      %dma_wait3A_1239 = tpu.memref_slice %arg13[%dma_wait3A_1237, %dma_wait3A_1238] : memref<2048x128xf32, #tpu.memory_space<vmem_shared>> -> memref<2048x128xf32, #tpu.memory_space<vmem_shared>>
      tpu.wait_indirect_dma semaphore(%run_scoped3A : memref<!tpu.dma_semaphore, #tpu.memory_space<semaphore_mem>>) src(%arg11 : memref<128x128xf32, #tpu.memory_space<vmem>>) dst(%dma_wait3A_1239 : memref<2048x128xf32, #tpu.memory_space<vmem_shared>>)
      tpu.yield
    }) : () -> ()
    %broadcast_in_dim3A_228 = arith.constant 0 : i32
    %broadcast_in_dim3A_229 = vector.broadcast %broadcast_in_dim3A_228 : i32 to vector<16xi32>
    %add3A_230 = arith.constant 3 : i32
    %add3A_231 = vector.broadcast %add3A_230 : i32 to vector<16xi32>
    %add3A_232 = arith.addi %broadcast_in_dim3A_229, %add3A_231 : vector<16xi32>
    %add3A_233 = arith.constant 0 : i32
    %add3A_234 = vector.broadcast %add3A_233 : i32 to vector<16xi32>
    %add3A_235 = arith.addi %add3A_234, %iota3A : vector<16xi32>
    %gather3A_236 = tpu.vector_load_idx %arg10[%add3A_235, %add3A_232] : memref<128x20xi32, #tpu.memory_space<vmem>>[vector<16xi32>, vector<16xi32>], vector<16xi32>,
    %swap3A_237 = arith.constant 0 : index
    %swap3A_238 = tpu.vector_load %arg7[%swap3A_237] {strides = array<i32>} : memref<128xi32, #tpu.memory_space<vmem>>, vector<16xi32>,
    tpu.vector_store %arg7[%swap3A_237], %gather3A_236 {strides = array<i32>} : memref<128xi32, #tpu.memory_space<vmem>>, vector<16xi32>,
    %add3A_239 = arith.constant 16 : i32
    %add3A_240 = vector.broadcast %add3A_239 : i32 to vector<16xi32>
    %add3A_241 = arith.addi %add3A_240, %iota3A : vector<16xi32>
    %gather3A_242 = tpu.vector_load_idx %arg10[%add3A_241, %add3A_232] : memref<128x20xi32, #tpu.memory_space<vmem>>[vector<16xi32>, vector<16xi32>], vector<16xi32>,
    %swap3A_243 = arith.constant 16 : index
    %swap3A_244 = tpu.vector_load %arg7[%swap3A_243] {strides = array<i32>} : memref<128xi32, #tpu.memory_space<vmem>>, vector<16xi32>,
    tpu.vector_store %arg7[%swap3A_243], %gather3A_242 {strides = array<i32>} : memref<128xi32, #tpu.memory_space<vmem>>, vector<16xi32>,
    %add3A_245 = arith.constant 32 : i32
    %add3A_246 = vector.broadcast %add3A_245 : i32 to vector<16xi32>
    %add3A_247 = arith.addi %add3A_246, %iota3A : vector<16xi32>
    %gather3A_248 = tpu.vector_load_idx %arg10[%add3A_247, %add3A_232] : memref<128x20xi32, #tpu.memory_space<vmem>>[vector<16xi32>, vector<16xi32>], vector<16xi32>,
    %swap3A_249 = arith.constant 32 : index
    %swap3A_250 = tpu.vector_load %arg7[%swap3A_249] {strides = array<i32>} : memref<128xi32, #tpu.memory_space<vmem>>, vector<16xi32>,
    tpu.vector_store %arg7[%swap3A_249], %gather3A_248 {strides = array<i32>} : memref<128xi32, #tpu.memory_space<vmem>>, vector<16xi32>,
    %add3A_251 = arith.constant 48 : i32
    %add3A_252 = vector.broadcast %add3A_251 : i32 to vector<16xi32>
    %add3A_253 = arith.addi %add3A_252, %iota3A : vector<16xi32>
    %gather3A_254 = tpu.vector_load_idx %arg10[%add3A_253, %add3A_232] : memref<128x20xi32, #tpu.memory_space<vmem>>[vector<16xi32>, vector<16xi32>], vector<16xi32>,
    %swap3A_255 = arith.constant 48 : index
    %swap3A_256 = tpu.vector_load %arg7[%swap3A_255] {strides = array<i32>} : memref<128xi32, #tpu.memory_space<vmem>>, vector<16xi32>,
    tpu.vector_store %arg7[%swap3A_255], %gather3A_254 {strides = array<i32>} : memref<128xi32, #tpu.memory_space<vmem>>, vector<16xi32>,
    %add3A_257 = arith.constant 64 : i32
    %add3A_258 = vector.broadcast %add3A_257 : i32 to vector<16xi32>
    %add3A_259 = arith.addi %add3A_258, %iota3A : vector<16xi32>
    %gather3A_260 = tpu.vector_load_idx %arg10[%add3A_259, %add3A_232] : memref<128x20xi32, #tpu.memory_space<vmem>>[vector<16xi32>, vector<16xi32>], vector<16xi32>,
    %swap3A_261 = arith.constant 64 : index
    %swap3A_262 = tpu.vector_load %arg7[%swap3A_261] {strides = array<i32>} : memref<128xi32, #tpu.memory_space<vmem>>, vector<16xi32>,
    tpu.vector_store %arg7[%swap3A_261], %gather3A_260 {strides = array<i32>} : memref<128xi32, #tpu.memory_space<vmem>>, vector<16xi32>,
    %add3A_263 = arith.constant 80 : i32
    %add3A_264 = vector.broadcast %add3A_263 : i32 to vector<16xi32>
    %add3A_265 = arith.addi %add3A_264, %iota3A : vector<16xi32>
    %gather3A_266 = tpu.vector_load_idx %arg10[%add3A_265, %add3A_232] : memref<128x20xi32, #tpu.memory_space<vmem>>[vector<16xi32>, vector<16xi32>], vector<16xi32>,
    %swap3A_267 = arith.constant 80 : index
    %swap3A_268 = tpu.vector_load %arg7[%swap3A_267] {strides = array<i32>} : memref<128xi32, #tpu.memory_space<vmem>>, vector<16xi32>,
    tpu.vector_store %arg7[%swap3A_267], %gather3A_266 {strides = array<i32>} : memref<128xi32, #tpu.memory_space<vmem>>, vector<16xi32>,
    %add3A_269 = arith.constant 96 : i32
    %add3A_270 = vector.broadcast %add3A_269 : i32 to vector<16xi32>
    %add3A_271 = arith.addi %add3A_270, %iota3A : vector<16xi32>
    %gather3A_272 = tpu.vector_load_idx %arg10[%add3A_271, %add3A_232] : memref<128x20xi32, #tpu.memory_space<vmem>>[vector<16xi32>, vector<16xi32>], vector<16xi32>,
    %swap3A_273 = arith.constant 96 : index
    %swap3A_274 = tpu.vector_load %arg7[%swap3A_273] {strides = array<i32>} : memref<128xi32, #tpu.memory_space<vmem>>, vector<16xi32>,
    tpu.vector_store %arg7[%swap3A_273], %gather3A_272 {strides = array<i32>} : memref<128xi32, #tpu.memory_space<vmem>>, vector<16xi32>,
    %add3A_275 = arith.constant 112 : i32
    %add3A_276 = vector.broadcast %add3A_275 : i32 to vector<16xi32>
    %add3A_277 = arith.addi %add3A_276, %iota3A : vector<16xi32>
    %gather3A_278 = tpu.vector_load_idx %arg10[%add3A_277, %add3A_232] : memref<128x20xi32, #tpu.memory_space<vmem>>[vector<16xi32>, vector<16xi32>], vector<16xi32>,
    %swap3A_279 = arith.constant 112 : index
    %swap3A_280 = tpu.vector_load %arg7[%swap3A_279] {strides = array<i32>} : memref<128xi32, #tpu.memory_space<vmem>>, vector<16xi32>,
    tpu.vector_store %arg7[%swap3A_279], %gather3A_278 {strides = array<i32>} : memref<128xi32, #tpu.memory_space<vmem>>, vector<16xi32>,
    %dma_start3A_281 = arith.constant 0 : i32
    %dma_start3A_282 = arith.constant 0 : i32
    %dma_start3A_283 = tpu.memref_slice %arg3[%dma_start3A_281, %dma_start3A_282] : memref<1015808x128xf32, #tpu.memory_space<hbm>> -> memref<1015808x128xf32, #tpu.memory_space<hbm>>
    tpu.enqueue_indirect_dma source(%dma_start3A_283 : memref<1015808x128xf32, #tpu.memory_space<hbm>>) target(%arg11 : memref<128x128xf32, #tpu.memory_space<vmem>>) offsets(%arg7 : memref<128xi32, #tpu.memory_space<vmem>>) semaphore(%arg14 : memref<!tpu.dma_semaphore, #tpu.memory_space<semaphore_mem>>)
    %dma_wait3A_284 = arith.constant 0 : i32
    %dma_wait3A_285 = arith.constant 0 : i32
    %dma_wait3A_286 = tpu.memref_slice %arg3[%dma_wait3A_284, %dma_wait3A_285] : memref<1015808x128xf32, #tpu.memory_space<hbm>> -> memref<1015808x128xf32, #tpu.memory_space<hbm>>
    tpu.wait_indirect_dma semaphore(%arg15 : memref<!tpu.dma_semaphore, #tpu.memory_space<semaphore_mem>>) src(%dma_wait3A_286 : memref<1015808x128xf32, #tpu.memory_space<hbm>>) dst(%arg12 : memref<128x128xf32, #tpu.memory_space<vmem>>)
    "tpu.region"() ({
      %run_scoped3A = tpu.sem_alloc : memref<!tpu.dma_semaphore, #tpu.memory_space<semaphore_mem>>
      %dma_start3A_1234 = arith.constant 0 : i32
      %dma_start3A_1235 = arith.constant 0 : i32
      %dma_start3A_1236 = tpu.memref_slice %arg13[%dma_start3A_1234, %dma_start3A_1235] : memref<2048x128xf32, #tpu.memory_space<vmem_shared>> -> memref<2048x128xf32, #tpu.memory_space<vmem_shared>>
      tpu.enqueue_indirect_dma source(%arg12 : memref<128x128xf32, #tpu.memory_space<vmem>>) target(%dma_start3A_1236 : memref<2048x128xf32, #tpu.memory_space<vmem_shared>>) offsets(%arg9 : memref<128xi32, #tpu.memory_space<vmem>>) semaphore(%run_scoped3A : memref<!tpu.dma_semaphore, #tpu.memory_space<semaphore_mem>>) {add = true}
      %dma_wait3A_1237 = arith.constant 0 : i32
      %dma_wait3A_1238 = arith.constant 0 : i32
      %dma_wait3A_1239 = tpu.memref_slice %arg13[%dma_wait3A_1237, %dma_wait3A_1238] : memref<2048x128xf32, #tpu.memory_space<vmem_shared>> -> memref<2048x128xf32, #tpu.memory_space<vmem_shared>>
      tpu.wait_indirect_dma semaphore(%run_scoped3A : memref<!tpu.dma_semaphore, #tpu.memory_space<semaphore_mem>>) src(%arg12 : memref<128x128xf32, #tpu.memory_space<vmem>>) dst(%dma_wait3A_1239 : memref<2048x128xf32, #tpu.memory_space<vmem_shared>>)
      tpu.yield
    }) : () -> ()
    %broadcast_in_dim3A_287 = arith.constant 0 : i32
    %broadcast_in_dim3A_288 = vector.broadcast %broadcast_in_dim3A_287 : i32 to vector<16xi32>
    %add3A_289 = arith.constant 4 : i32
    %add3A_290 = vector.broadcast %add3A_289 : i32 to vector<16xi32>
    %add3A_291 = arith.addi %broadcast_in_dim3A_288, %add3A_290 : vector<16xi32>
    %add3A_292 = arith.constant 0 : i32
    %add3A_293 = vector.broadcast %add3A_292 : i32 to vector<16xi32>
    %add3A_294 = arith.addi %add3A_293, %iota3A : vector<16xi32>
    %gather3A_295 = tpu.vector_load_idx %arg10[%add3A_294, %add3A_291] : memref<128x20xi32, #tpu.memory_space<vmem>>[vector<16xi32>, vector<16xi32>], vector<16xi32>,
    %swap3A_296 = arith.constant 0 : index
    %swap3A_297 = tpu.vector_load %arg8[%swap3A_296] {strides = array<i32>} : memref<128xi32, #tpu.memory_space<vmem>>, vector<16xi32>,
    tpu.vector_store %arg8[%swap3A_296], %gather3A_295 {strides = array<i32>} : memref<128xi32, #tpu.memory_space<vmem>>, vector<16xi32>,
    %add3A_298 = arith.constant 16 : i32
    %add3A_299 = vector.broadcast %add3A_298 : i32 to vector<16xi32>
    %add3A_300 = arith.addi %add3A_299, %iota3A : vector<16xi32>
    %gather3A_301 = tpu.vector_load_idx %arg10[%add3A_300, %add3A_291] : memref<128x20xi32, #tpu.memory_space<vmem>>[vector<16xi32>, vector<16xi32>], vector<16xi32>,
    %swap3A_302 = arith.constant 16 : index
    %swap3A_303 = tpu.vector_load %arg8[%swap3A_302] {strides = array<i32>} : memref<128xi32, #tpu.memory_space<vmem>>, vector<16xi32>,
    tpu.vector_store %arg8[%swap3A_302], %gather3A_301 {strides = array<i32>} : memref<128xi32, #tpu.memory_space<vmem>>, vector<16xi32>,
    %add3A_304 = arith.constant 32 : i32
    %add3A_305 = vector.broadcast %add3A_304 : i32 to vector<16xi32>
    %add3A_306 = arith.addi %add3A_305, %iota3A : vector<16xi32>
    %gather3A_307 = tpu.vector_load_idx %arg10[%add3A_306, %add3A_291] : memref<128x20xi32, #tpu.memory_space<vmem>>[vector<16xi32>, vector<16xi32>], vector<16xi32>,
    %swap3A_308 = arith.constant 32 : index
    %swap3A_309 = tpu.vector_load %arg8[%swap3A_308] {strides = array<i32>} : memref<128xi32, #tpu.memory_space<vmem>>, vector<16xi32>,
    tpu.vector_store %arg8[%swap3A_308], %gather3A_307 {strides = array<i32>} : memref<128xi32, #tpu.memory_space<vmem>>, vector<16xi32>,
    %add3A_310 = arith.constant 48 : i32
    %add3A_311 = vector.broadcast %add3A_310 : i32 to vector<16xi32>
    %add3A_312 = arith.addi %add3A_311, %iota3A : vector<16xi32>
    %gather3A_313 = tpu.vector_load_idx %arg10[%add3A_312, %add3A_291] : memref<128x20xi32, #tpu.memory_space<vmem>>[vector<16xi32>, vector<16xi32>], vector<16xi32>,
    %swap3A_314 = arith.constant 48 : index
    %swap3A_315 = tpu.vector_load %arg8[%swap3A_314] {strides = array<i32>} : memref<128xi32, #tpu.memory_space<vmem>>, vector<16xi32>,
    tpu.vector_store %arg8[%swap3A_314], %gather3A_313 {strides = array<i32>} : memref<128xi32, #tpu.memory_space<vmem>>, vector<16xi32>,
    %add3A_316 = arith.constant 64 : i32
    %add3A_317 = vector.broadcast %add3A_316 : i32 to vector<16xi32>
    %add3A_318 = arith.addi %add3A_317, %iota3A : vector<16xi32>
    %gather3A_319 = tpu.vector_load_idx %arg10[%add3A_318, %add3A_291] : memref<128x20xi32, #tpu.memory_space<vmem>>[vector<16xi32>, vector<16xi32>], vector<16xi32>,
    %swap3A_320 = arith.constant 64 : index
    %swap3A_321 = tpu.vector_load %arg8[%swap3A_320] {strides = array<i32>} : memref<128xi32, #tpu.memory_space<vmem>>, vector<16xi32>,
    tpu.vector_store %arg8[%swap3A_320], %gather3A_319 {strides = array<i32>} : memref<128xi32, #tpu.memory_space<vmem>>, vector<16xi32>,
    %add3A_322 = arith.constant 80 : i32
    %add3A_323 = vector.broadcast %add3A_322 : i32 to vector<16xi32>
    %add3A_324 = arith.addi %add3A_323, %iota3A : vector<16xi32>
    %gather3A_325 = tpu.vector_load_idx %arg10[%add3A_324, %add3A_291] : memref<128x20xi32, #tpu.memory_space<vmem>>[vector<16xi32>, vector<16xi32>], vector<16xi32>,
    %swap3A_326 = arith.constant 80 : index
    %swap3A_327 = tpu.vector_load %arg8[%swap3A_326] {strides = array<i32>} : memref<128xi32, #tpu.memory_space<vmem>>, vector<16xi32>,
    tpu.vector_store %arg8[%swap3A_326], %gather3A_325 {strides = array<i32>} : memref<128xi32, #tpu.memory_space<vmem>>, vector<16xi32>,
    %add3A_328 = arith.constant 96 : i32
    %add3A_329 = vector.broadcast %add3A_328 : i32 to vector<16xi32>
    %add3A_330 = arith.addi %add3A_329, %iota3A : vector<16xi32>
    %gather3A_331 = tpu.vector_load_idx %arg10[%add3A_330, %add3A_291] : memref<128x20xi32, #tpu.memory_space<vmem>>[vector<16xi32>, vector<16xi32>], vector<16xi32>,
    %swap3A_332 = arith.constant 96 : index
    %swap3A_333 = tpu.vector_load %arg8[%swap3A_332] {strides = array<i32>} : memref<128xi32, #tpu.memory_space<vmem>>, vector<16xi32>,
    tpu.vector_store %arg8[%swap3A_332], %gather3A_331 {strides = array<i32>} : memref<128xi32, #tpu.memory_space<vmem>>, vector<16xi32>,
    %add3A_334 = arith.constant 112 : i32
    %add3A_335 = vector.broadcast %add3A_334 : i32 to vector<16xi32>
    %add3A_336 = arith.addi %add3A_335, %iota3A : vector<16xi32>
    %gather3A_337 = tpu.vector_load_idx %arg10[%add3A_336, %add3A_291] : memref<128x20xi32, #tpu.memory_space<vmem>>[vector<16xi32>, vector<16xi32>], vector<16xi32>,
    %swap3A_338 = arith.constant 112 : index
    %swap3A_339 = tpu.vector_load %arg8[%swap3A_338] {strides = array<i32>} : memref<128xi32, #tpu.memory_space<vmem>>, vector<16xi32>,
    tpu.vector_store %arg8[%swap3A_338], %gather3A_337 {strides = array<i32>} : memref<128xi32, #tpu.memory_space<vmem>>, vector<16xi32>,
    %dma_start3A_340 = arith.constant 0 : i32
    %dma_start3A_341 = arith.constant 0 : i32
    %dma_start3A_342 = tpu.memref_slice %arg3[%dma_start3A_340, %dma_start3A_341] : memref<1015808x128xf32, #tpu.memory_space<hbm>> -> memref<1015808x128xf32, #tpu.memory_space<hbm>>
    tpu.enqueue_indirect_dma source(%dma_start3A_342 : memref<1015808x128xf32, #tpu.memory_space<hbm>>) target(%arg12 : memref<128x128xf32, #tpu.memory_space<vmem>>) offsets(%arg8 : memref<128xi32, #tpu.memory_space<vmem>>) semaphore(%arg15 : memref<!tpu.dma_semaphore, #tpu.memory_space<semaphore_mem>>)
    %dma_wait3A_343 = arith.constant 0 : i32
    %dma_wait3A_344 = arith.constant 0 : i32
    %dma_wait3A_345 = tpu.memref_slice %arg3[%dma_wait3A_343, %dma_wait3A_344] : memref<1015808x128xf32, #tpu.memory_space<hbm>> -> memref<1015808x128xf32, #tpu.memory_space<hbm>>
    tpu.wait_indirect_dma semaphore(%arg14 : memref<!tpu.dma_semaphore, #tpu.memory_space<semaphore_mem>>) src(%dma_wait3A_345 : memref<1015808x128xf32, #tpu.memory_space<hbm>>) dst(%arg11 : memref<128x128xf32, #tpu.memory_space<vmem>>)
    "tpu.region"() ({
      %run_scoped3A = tpu.sem_alloc : memref<!tpu.dma_semaphore, #tpu.memory_space<semaphore_mem>>
      %dma_start3A_1234 = arith.constant 0 : i32
      %dma_start3A_1235 = arith.constant 0 : i32
      %dma_start3A_1236 = tpu.memref_slice %arg13[%dma_start3A_1234, %dma_start3A_1235] : memref<2048x128xf32, #tpu.memory_space<vmem_shared>> -> memref<2048x128xf32, #tpu.memory_space<vmem_shared>>
      tpu.enqueue_indirect_dma source(%arg11 : memref<128x128xf32, #tpu.memory_space<vmem>>) target(%dma_start3A_1236 : memref<2048x128xf32, #tpu.memory_space<vmem_shared>>) offsets(%arg9 : memref<128xi32, #tpu.memory_space<vmem>>) semaphore(%run_scoped3A : memref<!tpu.dma_semaphore, #tpu.memory_space<semaphore_mem>>) {add = true}
      %dma_wait3A_1237 = arith.constant 0 : i32
      %dma_wait3A_1238 = arith.constant 0 : i32
      %dma_wait3A_1239 = tpu.memref_slice %arg13[%dma_wait3A_1237, %dma_wait3A_1238] : memref<2048x128xf32, #tpu.memory_space<vmem_shared>> -> memref<2048x128xf32, #tpu.memory_space<vmem_shared>>
      tpu.wait_indirect_dma semaphore(%run_scoped3A : memref<!tpu.dma_semaphore, #tpu.memory_space<semaphore_mem>>) src(%arg11 : memref<128x128xf32, #tpu.memory_space<vmem>>) dst(%dma_wait3A_1239 : memref<2048x128xf32, #tpu.memory_space<vmem_shared>>)
      tpu.yield
    }) : () -> ()
    %broadcast_in_dim3A_346 = arith.constant 0 : i32
    %broadcast_in_dim3A_347 = vector.broadcast %broadcast_in_dim3A_346 : i32 to vector<16xi32>
    %add3A_348 = arith.constant 5 : i32
    %add3A_349 = vector.broadcast %add3A_348 : i32 to vector<16xi32>
    %add3A_350 = arith.addi %broadcast_in_dim3A_347, %add3A_349 : vector<16xi32>
    %add3A_351 = arith.constant 0 : i32
    %add3A_352 = vector.broadcast %add3A_351 : i32 to vector<16xi32>
    %add3A_353 = arith.addi %add3A_352, %iota3A : vector<16xi32>
    %gather3A_354 = tpu.vector_load_idx %arg10[%add3A_353, %add3A_350] : memref<128x20xi32, #tpu.memory_space<vmem>>[vector<16xi32>, vector<16xi32>], vector<16xi32>,
    %swap3A_355 = arith.constant 0 : index
    %swap3A_356 = tpu.vector_load %arg7[%swap3A_355] {strides = array<i32>} : memref<128xi32, #tpu.memory_space<vmem>>, vector<16xi32>,
    tpu.vector_store %arg7[%swap3A_355], %gather3A_354 {strides = array<i32>} : memref<128xi32, #tpu.memory_space<vmem>>, vector<16xi32>,
    %add3A_357 = arith.constant 16 : i32
    %add3A_358 = vector.broadcast %add3A_357 : i32 to vector<16xi32>
    %add3A_359 = arith.addi %add3A_358, %iota3A : vector<16xi32>
    %gather3A_360 = tpu.vector_load_idx %arg10[%add3A_359, %add3A_350] : memref<128x20xi32, #tpu.memory_space<vmem>>[vector<16xi32>, vector<16xi32>], vector<16xi32>,
    %swap3A_361 = arith.constant 16 : index
    %swap3A_362 = tpu.vector_load %arg7[%swap3A_361] {strides = array<i32>} : memref<128xi32, #tpu.memory_space<vmem>>, vector<16xi32>,
    tpu.vector_store %arg7[%swap3A_361], %gather3A_360 {strides = array<i32>} : memref<128xi32, #tpu.memory_space<vmem>>, vector<16xi32>,
    %add3A_363 = arith.constant 32 : i32
    %add3A_364 = vector.broadcast %add3A_363 : i32 to vector<16xi32>
    %add3A_365 = arith.addi %add3A_364, %iota3A : vector<16xi32>
    %gather3A_366 = tpu.vector_load_idx %arg10[%add3A_365, %add3A_350] : memref<128x20xi32, #tpu.memory_space<vmem>>[vector<16xi32>, vector<16xi32>], vector<16xi32>,
    %swap3A_367 = arith.constant 32 : index
    %swap3A_368 = tpu.vector_load %arg7[%swap3A_367] {strides = array<i32>} : memref<128xi32, #tpu.memory_space<vmem>>, vector<16xi32>,
    tpu.vector_store %arg7[%swap3A_367], %gather3A_366 {strides = array<i32>} : memref<128xi32, #tpu.memory_space<vmem>>, vector<16xi32>,
    %add3A_369 = arith.constant 48 : i32
    %add3A_370 = vector.broadcast %add3A_369 : i32 to vector<16xi32>
    %add3A_371 = arith.addi %add3A_370, %iota3A : vector<16xi32>
    %gather3A_372 = tpu.vector_load_idx %arg10[%add3A_371, %add3A_350] : memref<128x20xi32, #tpu.memory_space<vmem>>[vector<16xi32>, vector<16xi32>], vector<16xi32>,
    %swap3A_373 = arith.constant 48 : index
    %swap3A_374 = tpu.vector_load %arg7[%swap3A_373] {strides = array<i32>} : memref<128xi32, #tpu.memory_space<vmem>>, vector<16xi32>,
    tpu.vector_store %arg7[%swap3A_373], %gather3A_372 {strides = array<i32>} : memref<128xi32, #tpu.memory_space<vmem>>, vector<16xi32>,
    %add3A_375 = arith.constant 64 : i32
    %add3A_376 = vector.broadcast %add3A_375 : i32 to vector<16xi32>
    %add3A_377 = arith.addi %add3A_376, %iota3A : vector<16xi32>
    %gather3A_378 = tpu.vector_load_idx %arg10[%add3A_377, %add3A_350] : memref<128x20xi32, #tpu.memory_space<vmem>>[vector<16xi32>, vector<16xi32>], vector<16xi32>,
    %swap3A_379 = arith.constant 64 : index
    %swap3A_380 = tpu.vector_load %arg7[%swap3A_379] {strides = array<i32>} : memref<128xi32, #tpu.memory_space<vmem>>, vector<16xi32>,
    tpu.vector_store %arg7[%swap3A_379], %gather3A_378 {strides = array<i32>} : memref<128xi32, #tpu.memory_space<vmem>>, vector<16xi32>,
    %add3A_381 = arith.constant 80 : i32
    %add3A_382 = vector.broadcast %add3A_381 : i32 to vector<16xi32>
    %add3A_383 = arith.addi %add3A_382, %iota3A : vector<16xi32>
    %gather3A_384 = tpu.vector_load_idx %arg10[%add3A_383, %add3A_350] : memref<128x20xi32, #tpu.memory_space<vmem>>[vector<16xi32>, vector<16xi32>], vector<16xi32>,
    %swap3A_385 = arith.constant 80 : index
    %swap3A_386 = tpu.vector_load %arg7[%swap3A_385] {strides = array<i32>} : memref<128xi32, #tpu.memory_space<vmem>>, vector<16xi32>,
    tpu.vector_store %arg7[%swap3A_385], %gather3A_384 {strides = array<i32>} : memref<128xi32, #tpu.memory_space<vmem>>, vector<16xi32>,
    %add3A_387 = arith.constant 96 : i32
    %add3A_388 = vector.broadcast %add3A_387 : i32 to vector<16xi32>
    %add3A_389 = arith.addi %add3A_388, %iota3A : vector<16xi32>
    %gather3A_390 = tpu.vector_load_idx %arg10[%add3A_389, %add3A_350] : memref<128x20xi32, #tpu.memory_space<vmem>>[vector<16xi32>, vector<16xi32>], vector<16xi32>,
    %swap3A_391 = arith.constant 96 : index
    %swap3A_392 = tpu.vector_load %arg7[%swap3A_391] {strides = array<i32>} : memref<128xi32, #tpu.memory_space<vmem>>, vector<16xi32>,
    tpu.vector_store %arg7[%swap3A_391], %gather3A_390 {strides = array<i32>} : memref<128xi32, #tpu.memory_space<vmem>>, vector<16xi32>,
    %add3A_393 = arith.constant 112 : i32
    %add3A_394 = vector.broadcast %add3A_393 : i32 to vector<16xi32>
    %add3A_395 = arith.addi %add3A_394, %iota3A : vector<16xi32>
    %gather3A_396 = tpu.vector_load_idx %arg10[%add3A_395, %add3A_350] : memref<128x20xi32, #tpu.memory_space<vmem>>[vector<16xi32>, vector<16xi32>], vector<16xi32>,
    %swap3A_397 = arith.constant 112 : index
    %swap3A_398 = tpu.vector_load %arg7[%swap3A_397] {strides = array<i32>} : memref<128xi32, #tpu.memory_space<vmem>>, vector<16xi32>,
    tpu.vector_store %arg7[%swap3A_397], %gather3A_396 {strides = array<i32>} : memref<128xi32, #tpu.memory_space<vmem>>, vector<16xi32>,
    %dma_start3A_399 = arith.constant 0 : i32
    %dma_start3A_400 = arith.constant 0 : i32
    %dma_start3A_401 = tpu.memref_slice %arg3[%dma_start3A_399, %dma_start3A_400] : memref<1015808x128xf32, #tpu.memory_space<hbm>> -> memref<1015808x128xf32, #tpu.memory_space<hbm>>
    tpu.enqueue_indirect_dma source(%dma_start3A_401 : memref<1015808x128xf32, #tpu.memory_space<hbm>>) target(%arg11 : memref<128x128xf32, #tpu.memory_space<vmem>>) offsets(%arg7 : memref<128xi32, #tpu.memory_space<vmem>>) semaphore(%arg14 : memref<!tpu.dma_semaphore, #tpu.memory_space<semaphore_mem>>)
    %dma_wait3A_402 = arith.constant 0 : i32
    %dma_wait3A_403 = arith.constant 0 : i32
    %dma_wait3A_404 = tpu.memref_slice %arg3[%dma_wait3A_402, %dma_wait3A_403] : memref<1015808x128xf32, #tpu.memory_space<hbm>> -> memref<1015808x128xf32, #tpu.memory_space<hbm>>
    tpu.wait_indirect_dma semaphore(%arg15 : memref<!tpu.dma_semaphore, #tpu.memory_space<semaphore_mem>>) src(%dma_wait3A_404 : memref<1015808x128xf32, #tpu.memory_space<hbm>>) dst(%arg12 : memref<128x128xf32, #tpu.memory_space<vmem>>)
    "tpu.region"() ({
      %run_scoped3A = tpu.sem_alloc : memref<!tpu.dma_semaphore, #tpu.memory_space<semaphore_mem>>
      %dma_start3A_1234 = arith.constant 0 : i32
      %dma_start3A_1235 = arith.constant 0 : i32
      %dma_start3A_1236 = tpu.memref_slice %arg13[%dma_start3A_1234, %dma_start3A_1235] : memref<2048x128xf32, #tpu.memory_space<vmem_shared>> -> memref<2048x128xf32, #tpu.memory_space<vmem_shared>>
      tpu.enqueue_indirect_dma source(%arg12 : memref<128x128xf32, #tpu.memory_space<vmem>>) target(%dma_start3A_1236 : memref<2048x128xf32, #tpu.memory_space<vmem_shared>>) offsets(%arg9 : memref<128xi32, #tpu.memory_space<vmem>>) semaphore(%run_scoped3A : memref<!tpu.dma_semaphore, #tpu.memory_space<semaphore_mem>>) {add = true}
      %dma_wait3A_1237 = arith.constant 0 : i32
      %dma_wait3A_1238 = arith.constant 0 : i32
      %dma_wait3A_1239 = tpu.memref_slice %arg13[%dma_wait3A_1237, %dma_wait3A_1238] : memref<2048x128xf32, #tpu.memory_space<vmem_shared>> -> memref<2048x128xf32, #tpu.memory_space<vmem_shared>>
      tpu.wait_indirect_dma semaphore(%run_scoped3A : memref<!tpu.dma_semaphore, #tpu.memory_space<semaphore_mem>>) src(%arg12 : memref<128x128xf32, #tpu.memory_space<vmem>>) dst(%dma_wait3A_1239 : memref<2048x128xf32, #tpu.memory_space<vmem_shared>>)
      tpu.yield
    }) : () -> ()
    %broadcast_in_dim3A_405 = arith.constant 0 : i32
    %broadcast_in_dim3A_406 = vector.broadcast %broadcast_in_dim3A_405 : i32 to vector<16xi32>
    %add3A_407 = arith.constant 6 : i32
    %add3A_408 = vector.broadcast %add3A_407 : i32 to vector<16xi32>
    %add3A_409 = arith.addi %broadcast_in_dim3A_406, %add3A_408 : vector<16xi32>
    %add3A_410 = arith.constant 0 : i32
    %add3A_411 = vector.broadcast %add3A_410 : i32 to vector<16xi32>
    %add3A_412 = arith.addi %add3A_411, %iota3A : vector<16xi32>
    %gather3A_413 = tpu.vector_load_idx %arg10[%add3A_412, %add3A_409] : memref<128x20xi32, #tpu.memory_space<vmem>>[vector<16xi32>, vector<16xi32>], vector<16xi32>,
    %swap3A_414 = arith.constant 0 : index
    %swap3A_415 = tpu.vector_load %arg8[%swap3A_414] {strides = array<i32>} : memref<128xi32, #tpu.memory_space<vmem>>, vector<16xi32>,
    tpu.vector_store %arg8[%swap3A_414], %gather3A_413 {strides = array<i32>} : memref<128xi32, #tpu.memory_space<vmem>>, vector<16xi32>,
    %add3A_416 = arith.constant 16 : i32
    %add3A_417 = vector.broadcast %add3A_416 : i32 to vector<16xi32>
    %add3A_418 = arith.addi %add3A_417, %iota3A : vector<16xi32>
    %gather3A_419 = tpu.vector_load_idx %arg10[%add3A_418, %add3A_409] : memref<128x20xi32, #tpu.memory_space<vmem>>[vector<16xi32>, vector<16xi32>], vector<16xi32>,
    %swap3A_420 = arith.constant 16 : index
    %swap3A_421 = tpu.vector_load %arg8[%swap3A_420] {strides = array<i32>} : memref<128xi32, #tpu.memory_space<vmem>>, vector<16xi32>,
    tpu.vector_store %arg8[%swap3A_420], %gather3A_419 {strides = array<i32>} : memref<128xi32, #tpu.memory_space<vmem>>, vector<16xi32>,
    %add3A_422 = arith.constant 32 : i32
    %add3A_423 = vector.broadcast %add3A_422 : i32 to vector<16xi32>
    %add3A_424 = arith.addi %add3A_423, %iota3A : vector<16xi32>
    %gather3A_425 = tpu.vector_load_idx %arg10[%add3A_424, %add3A_409] : memref<128x20xi32, #tpu.memory_space<vmem>>[vector<16xi32>, vector<16xi32>], vector<16xi32>,
    %swap3A_426 = arith.constant 32 : index
    %swap3A_427 = tpu.vector_load %arg8[%swap3A_426] {strides = array<i32>} : memref<128xi32, #tpu.memory_space<vmem>>, vector<16xi32>,
    tpu.vector_store %arg8[%swap3A_426], %gather3A_425 {strides = array<i32>} : memref<128xi32, #tpu.memory_space<vmem>>, vector<16xi32>,
    %add3A_428 = arith.constant 48 : i32
    %add3A_429 = vector.broadcast %add3A_428 : i32 to vector<16xi32>
    %add3A_430 = arith.addi %add3A_429, %iota3A : vector<16xi32>
    %gather3A_431 = tpu.vector_load_idx %arg10[%add3A_430, %add3A_409] : memref<128x20xi32, #tpu.memory_space<vmem>>[vector<16xi32>, vector<16xi32>], vector<16xi32>,
    %swap3A_432 = arith.constant 48 : index
    %swap3A_433 = tpu.vector_load %arg8[%swap3A_432] {strides = array<i32>} : memref<128xi32, #tpu.memory_space<vmem>>, vector<16xi32>,
    tpu.vector_store %arg8[%swap3A_432], %gather3A_431 {strides = array<i32>} : memref<128xi32, #tpu.memory_space<vmem>>, vector<16xi32>,
    %add3A_434 = arith.constant 64 : i32
    %add3A_435 = vector.broadcast %add3A_434 : i32 to vector<16xi32>
    %add3A_436 = arith.addi %add3A_435, %iota3A : vector<16xi32>
    %gather3A_437 = tpu.vector_load_idx %arg10[%add3A_436, %add3A_409] : memref<128x20xi32, #tpu.memory_space<vmem>>[vector<16xi32>, vector<16xi32>], vector<16xi32>,
    %swap3A_438 = arith.constant 64 : index
    %swap3A_439 = tpu.vector_load %arg8[%swap3A_438] {strides = array<i32>} : memref<128xi32, #tpu.memory_space<vmem>>, vector<16xi32>,
    tpu.vector_store %arg8[%swap3A_438], %gather3A_437 {strides = array<i32>} : memref<128xi32, #tpu.memory_space<vmem>>, vector<16xi32>,
    %add3A_440 = arith.constant 80 : i32
    %add3A_441 = vector.broadcast %add3A_440 : i32 to vector<16xi32>
    %add3A_442 = arith.addi %add3A_441, %iota3A : vector<16xi32>
    %gather3A_443 = tpu.vector_load_idx %arg10[%add3A_442, %add3A_409] : memref<128x20xi32, #tpu.memory_space<vmem>>[vector<16xi32>, vector<16xi32>], vector<16xi32>,
    %swap3A_444 = arith.constant 80 : index
    %swap3A_445 = tpu.vector_load %arg8[%swap3A_444] {strides = array<i32>} : memref<128xi32, #tpu.memory_space<vmem>>, vector<16xi32>,
    tpu.vector_store %arg8[%swap3A_444], %gather3A_443 {strides = array<i32>} : memref<128xi32, #tpu.memory_space<vmem>>, vector<16xi32>,
    %add3A_446 = arith.constant 96 : i32
    %add3A_447 = vector.broadcast %add3A_446 : i32 to vector<16xi32>
    %add3A_448 = arith.addi %add3A_447, %iota3A : vector<16xi32>
    %gather3A_449 = tpu.vector_load_idx %arg10[%add3A_448, %add3A_409] : memref<128x20xi32, #tpu.memory_space<vmem>>[vector<16xi32>, vector<16xi32>], vector<16xi32>,
    %swap3A_450 = arith.constant 96 : index
    %swap3A_451 = tpu.vector_load %arg8[%swap3A_450] {strides = array<i32>} : memref<128xi32, #tpu.memory_space<vmem>>, vector<16xi32>,
    tpu.vector_store %arg8[%swap3A_450], %gather3A_449 {strides = array<i32>} : memref<128xi32, #tpu.memory_space<vmem>>, vector<16xi32>,
    %add3A_452 = arith.constant 112 : i32
    %add3A_453 = vector.broadcast %add3A_452 : i32 to vector<16xi32>
    %add3A_454 = arith.addi %add3A_453, %iota3A : vector<16xi32>
    %gather3A_455 = tpu.vector_load_idx %arg10[%add3A_454, %add3A_409] : memref<128x20xi32, #tpu.memory_space<vmem>>[vector<16xi32>, vector<16xi32>], vector<16xi32>,
    %swap3A_456 = arith.constant 112 : index
    %swap3A_457 = tpu.vector_load %arg8[%swap3A_456] {strides = array<i32>} : memref<128xi32, #tpu.memory_space<vmem>>, vector<16xi32>,
    tpu.vector_store %arg8[%swap3A_456], %gather3A_455 {strides = array<i32>} : memref<128xi32, #tpu.memory_space<vmem>>, vector<16xi32>,
    %dma_start3A_458 = arith.constant 0 : i32
    %dma_start3A_459 = arith.constant 0 : i32
    %dma_start3A_460 = tpu.memref_slice %arg3[%dma_start3A_458, %dma_start3A_459] : memref<1015808x128xf32, #tpu.memory_space<hbm>> -> memref<1015808x128xf32, #tpu.memory_space<hbm>>
    tpu.enqueue_indirect_dma source(%dma_start3A_460 : memref<1015808x128xf32, #tpu.memory_space<hbm>>) target(%arg12 : memref<128x128xf32, #tpu.memory_space<vmem>>) offsets(%arg8 : memref<128xi32, #tpu.memory_space<vmem>>) semaphore(%arg15 : memref<!tpu.dma_semaphore, #tpu.memory_space<semaphore_mem>>)
    %dma_wait3A_461 = arith.constant 0 : i32
    %dma_wait3A_462 = arith.constant 0 : i32
    %dma_wait3A_463 = tpu.memref_slice %arg3[%dma_wait3A_461, %dma_wait3A_462] : memref<1015808x128xf32, #tpu.memory_space<hbm>> -> memref<1015808x128xf32, #tpu.memory_space<hbm>>
    tpu.wait_indirect_dma semaphore(%arg14 : memref<!tpu.dma_semaphore, #tpu.memory_space<semaphore_mem>>) src(%dma_wait3A_463 : memref<1015808x128xf32, #tpu.memory_space<hbm>>) dst(%arg11 : memref<128x128xf32, #tpu.memory_space<vmem>>)
    "tpu.region"() ({
      %run_scoped3A = tpu.sem_alloc : memref<!tpu.dma_semaphore, #tpu.memory_space<semaphore_mem>>
      %dma_start3A_1234 = arith.constant 0 : i32
      %dma_start3A_1235 = arith.constant 0 : i32
      %dma_start3A_1236 = tpu.memref_slice %arg13[%dma_start3A_1234, %dma_start3A_1235] : memref<2048x128xf32, #tpu.memory_space<vmem_shared>> -> memref<2048x128xf32, #tpu.memory_space<vmem_shared>>
      tpu.enqueue_indirect_dma source(%arg11 : memref<128x128xf32, #tpu.memory_space<vmem>>) target(%dma_start3A_1236 : memref<2048x128xf32, #tpu.memory_space<vmem_shared>>) offsets(%arg9 : memref<128xi32, #tpu.memory_space<vmem>>) semaphore(%run_scoped3A : memref<!tpu.dma_semaphore, #tpu.memory_space<semaphore_mem>>) {add = true}
      %dma_wait3A_1237 = arith.constant 0 : i32
      %dma_wait3A_1238 = arith.constant 0 : i32
      %dma_wait3A_1239 = tpu.memref_slice %arg13[%dma_wait3A_1237, %dma_wait3A_1238] : memref<2048x128xf32, #tpu.memory_space<vmem_shared>> -> memref<2048x128xf32, #tpu.memory_space<vmem_shared>>
      tpu.wait_indirect_dma semaphore(%run_scoped3A : memref<!tpu.dma_semaphore, #tpu.memory_space<semaphore_mem>>) src(%arg11 : memref<128x128xf32, #tpu.memory_space<vmem>>) dst(%dma_wait3A_1239 : memref<2048x128xf32, #tpu.memory_space<vmem_shared>>)
      tpu.yield
    }) : () -> ()
    %broadcast_in_dim3A_464 = arith.constant 0 : i32
    %broadcast_in_dim3A_465 = vector.broadcast %broadcast_in_dim3A_464 : i32 to vector<16xi32>
    %add3A_466 = arith.constant 7 : i32
    %add3A_467 = vector.broadcast %add3A_466 : i32 to vector<16xi32>
    %add3A_468 = arith.addi %broadcast_in_dim3A_465, %add3A_467 : vector<16xi32>
    %add3A_469 = arith.constant 0 : i32
    %add3A_470 = vector.broadcast %add3A_469 : i32 to vector<16xi32>
    %add3A_471 = arith.addi %add3A_470, %iota3A : vector<16xi32>
    %gather3A_472 = tpu.vector_load_idx %arg10[%add3A_471, %add3A_468] : memref<128x20xi32, #tpu.memory_space<vmem>>[vector<16xi32>, vector<16xi32>], vector<16xi32>,
    %swap3A_473 = arith.constant 0 : index
    %swap3A_474 = tpu.vector_load %arg7[%swap3A_473] {strides = array<i32>} : memref<128xi32, #tpu.memory_space<vmem>>, vector<16xi32>,
    tpu.vector_store %arg7[%swap3A_473], %gather3A_472 {strides = array<i32>} : memref<128xi32, #tpu.memory_space<vmem>>, vector<16xi32>,
    %add3A_475 = arith.constant 16 : i32
    %add3A_476 = vector.broadcast %add3A_475 : i32 to vector<16xi32>
    %add3A_477 = arith.addi %add3A_476, %iota3A : vector<16xi32>
    %gather3A_478 = tpu.vector_load_idx %arg10[%add3A_477, %add3A_468] : memref<128x20xi32, #tpu.memory_space<vmem>>[vector<16xi32>, vector<16xi32>], vector<16xi32>,
    %swap3A_479 = arith.constant 16 : index
    %swap3A_480 = tpu.vector_load %arg7[%swap3A_479] {strides = array<i32>} : memref<128xi32, #tpu.memory_space<vmem>>, vector<16xi32>,
    tpu.vector_store %arg7[%swap3A_479], %gather3A_478 {strides = array<i32>} : memref<128xi32, #tpu.memory_space<vmem>>, vector<16xi32>,
    %add3A_481 = arith.constant 32 : i32
    %add3A_482 = vector.broadcast %add3A_481 : i32 to vector<16xi32>
    %add3A_483 = arith.addi %add3A_482, %iota3A : vector<16xi32>
    %gather3A_484 = tpu.vector_load_idx %arg10[%add3A_483, %add3A_468] : memref<128x20xi32, #tpu.memory_space<vmem>>[vector<16xi32>, vector<16xi32>], vector<16xi32>,
    %swap3A_485 = arith.constant 32 : index
    %swap3A_486 = tpu.vector_load %arg7[%swap3A_485] {strides = array<i32>} : memref<128xi32, #tpu.memory_space<vmem>>, vector<16xi32>,
    tpu.vector_store %arg7[%swap3A_485], %gather3A_484 {strides = array<i32>} : memref<128xi32, #tpu.memory_space<vmem>>, vector<16xi32>,
    %add3A_487 = arith.constant 48 : i32
    %add3A_488 = vector.broadcast %add3A_487 : i32 to vector<16xi32>
    %add3A_489 = arith.addi %add3A_488, %iota3A : vector<16xi32>
    %gather3A_490 = tpu.vector_load_idx %arg10[%add3A_489, %add3A_468] : memref<128x20xi32, #tpu.memory_space<vmem>>[vector<16xi32>, vector<16xi32>], vector<16xi32>,
    %swap3A_491 = arith.constant 48 : index
    %swap3A_492 = tpu.vector_load %arg7[%swap3A_491] {strides = array<i32>} : memref<128xi32, #tpu.memory_space<vmem>>, vector<16xi32>,
    tpu.vector_store %arg7[%swap3A_491], %gather3A_490 {strides = array<i32>} : memref<128xi32, #tpu.memory_space<vmem>>, vector<16xi32>,
    %add3A_493 = arith.constant 64 : i32
    %add3A_494 = vector.broadcast %add3A_493 : i32 to vector<16xi32>
    %add3A_495 = arith.addi %add3A_494, %iota3A : vector<16xi32>
    %gather3A_496 = tpu.vector_load_idx %arg10[%add3A_495, %add3A_468] : memref<128x20xi32, #tpu.memory_space<vmem>>[vector<16xi32>, vector<16xi32>], vector<16xi32>,
    %swap3A_497 = arith.constant 64 : index
    %swap3A_498 = tpu.vector_load %arg7[%swap3A_497] {strides = array<i32>} : memref<128xi32, #tpu.memory_space<vmem>>, vector<16xi32>,
    tpu.vector_store %arg7[%swap3A_497], %gather3A_496 {strides = array<i32>} : memref<128xi32, #tpu.memory_space<vmem>>, vector<16xi32>,
    %add3A_499 = arith.constant 80 : i32
    %add3A_500 = vector.broadcast %add3A_499 : i32 to vector<16xi32>
    %add3A_501 = arith.addi %add3A_500, %iota3A : vector<16xi32>
    %gather3A_502 = tpu.vector_load_idx %arg10[%add3A_501, %add3A_468] : memref<128x20xi32, #tpu.memory_space<vmem>>[vector<16xi32>, vector<16xi32>], vector<16xi32>,
    %swap3A_503 = arith.constant 80 : index
    %swap3A_504 = tpu.vector_load %arg7[%swap3A_503] {strides = array<i32>} : memref<128xi32, #tpu.memory_space<vmem>>, vector<16xi32>,
    tpu.vector_store %arg7[%swap3A_503], %gather3A_502 {strides = array<i32>} : memref<128xi32, #tpu.memory_space<vmem>>, vector<16xi32>,
    %add3A_505 = arith.constant 96 : i32
    %add3A_506 = vector.broadcast %add3A_505 : i32 to vector<16xi32>
    %add3A_507 = arith.addi %add3A_506, %iota3A : vector<16xi32>
    %gather3A_508 = tpu.vector_load_idx %arg10[%add3A_507, %add3A_468] : memref<128x20xi32, #tpu.memory_space<vmem>>[vector<16xi32>, vector<16xi32>], vector<16xi32>,
    %swap3A_509 = arith.constant 96 : index
    %swap3A_510 = tpu.vector_load %arg7[%swap3A_509] {strides = array<i32>} : memref<128xi32, #tpu.memory_space<vmem>>, vector<16xi32>,
    tpu.vector_store %arg7[%swap3A_509], %gather3A_508 {strides = array<i32>} : memref<128xi32, #tpu.memory_space<vmem>>, vector<16xi32>,
    %add3A_511 = arith.constant 112 : i32
    %add3A_512 = vector.broadcast %add3A_511 : i32 to vector<16xi32>
    %add3A_513 = arith.addi %add3A_512, %iota3A : vector<16xi32>
    %gather3A_514 = tpu.vector_load_idx %arg10[%add3A_513, %add3A_468] : memref<128x20xi32, #tpu.memory_space<vmem>>[vector<16xi32>, vector<16xi32>], vector<16xi32>,
    %swap3A_515 = arith.constant 112 : index
    %swap3A_516 = tpu.vector_load %arg7[%swap3A_515] {strides = array<i32>} : memref<128xi32, #tpu.memory_space<vmem>>, vector<16xi32>,
    tpu.vector_store %arg7[%swap3A_515], %gather3A_514 {strides = array<i32>} : memref<128xi32, #tpu.memory_space<vmem>>, vector<16xi32>,
    %dma_start3A_517 = arith.constant 0 : i32
    %dma_start3A_518 = arith.constant 0 : i32
    %dma_start3A_519 = tpu.memref_slice %arg3[%dma_start3A_517, %dma_start3A_518] : memref<1015808x128xf32, #tpu.memory_space<hbm>> -> memref<1015808x128xf32, #tpu.memory_space<hbm>>
    tpu.enqueue_indirect_dma source(%dma_start3A_519 : memref<1015808x128xf32, #tpu.memory_space<hbm>>) target(%arg11 : memref<128x128xf32, #tpu.memory_space<vmem>>) offsets(%arg7 : memref<128xi32, #tpu.memory_space<vmem>>) semaphore(%arg14 : memref<!tpu.dma_semaphore, #tpu.memory_space<semaphore_mem>>)
    %dma_wait3A_520 = arith.constant 0 : i32
    %dma_wait3A_521 = arith.constant 0 : i32
    %dma_wait3A_522 = tpu.memref_slice %arg3[%dma_wait3A_520, %dma_wait3A_521] : memref<1015808x128xf32, #tpu.memory_space<hbm>> -> memref<1015808x128xf32, #tpu.memory_space<hbm>>
    tpu.wait_indirect_dma semaphore(%arg15 : memref<!tpu.dma_semaphore, #tpu.memory_space<semaphore_mem>>) src(%dma_wait3A_522 : memref<1015808x128xf32, #tpu.memory_space<hbm>>) dst(%arg12 : memref<128x128xf32, #tpu.memory_space<vmem>>)
    "tpu.region"() ({
      %run_scoped3A = tpu.sem_alloc : memref<!tpu.dma_semaphore, #tpu.memory_space<semaphore_mem>>
      %dma_start3A_1234 = arith.constant 0 : i32
      %dma_start3A_1235 = arith.constant 0 : i32
      %dma_start3A_1236 = tpu.memref_slice %arg13[%dma_start3A_1234, %dma_start3A_1235] : memref<2048x128xf32, #tpu.memory_space<vmem_shared>> -> memref<2048x128xf32, #tpu.memory_space<vmem_shared>>
      tpu.enqueue_indirect_dma source(%arg12 : memref<128x128xf32, #tpu.memory_space<vmem>>) target(%dma_start3A_1236 : memref<2048x128xf32, #tpu.memory_space<vmem_shared>>) offsets(%arg9 : memref<128xi32, #tpu.memory_space<vmem>>) semaphore(%run_scoped3A : memref<!tpu.dma_semaphore, #tpu.memory_space<semaphore_mem>>) {add = true}
      %dma_wait3A_1237 = arith.constant 0 : i32
      %dma_wait3A_1238 = arith.constant 0 : i32
      %dma_wait3A_1239 = tpu.memref_slice %arg13[%dma_wait3A_1237, %dma_wait3A_1238] : memref<2048x128xf32, #tpu.memory_space<vmem_shared>> -> memref<2048x128xf32, #tpu.memory_space<vmem_shared>>
      tpu.wait_indirect_dma semaphore(%run_scoped3A : memref<!tpu.dma_semaphore, #tpu.memory_space<semaphore_mem>>) src(%arg12 : memref<128x128xf32, #tpu.memory_space<vmem>>) dst(%dma_wait3A_1239 : memref<2048x128xf32, #tpu.memory_space<vmem_shared>>)
      tpu.yield
    }) : () -> ()
    %broadcast_in_dim3A_523 = arith.constant 0 : i32
    %broadcast_in_dim3A_524 = vector.broadcast %broadcast_in_dim3A_523 : i32 to vector<16xi32>
    %add3A_525 = arith.constant 8 : i32
    %add3A_526 = vector.broadcast %add3A_525 : i32 to vector<16xi32>
    %add3A_527 = arith.addi %broadcast_in_dim3A_524, %add3A_526 : vector<16xi32>
    %add3A_528 = arith.constant 0 : i32
    %add3A_529 = vector.broadcast %add3A_528 : i32 to vector<16xi32>
    %add3A_530 = arith.addi %add3A_529, %iota3A : vector<16xi32>
    %gather3A_531 = tpu.vector_load_idx %arg10[%add3A_530, %add3A_527] : memref<128x20xi32, #tpu.memory_space<vmem>>[vector<16xi32>, vector<16xi32>], vector<16xi32>,
    %swap3A_532 = arith.constant 0 : index
    %swap3A_533 = tpu.vector_load %arg8[%swap3A_532] {strides = array<i32>} : memref<128xi32, #tpu.memory_space<vmem>>, vector<16xi32>,
    tpu.vector_store %arg8[%swap3A_532], %gather3A_531 {strides = array<i32>} : memref<128xi32, #tpu.memory_space<vmem>>, vector<16xi32>,
    %add3A_534 = arith.constant 16 : i32
    %add3A_535 = vector.broadcast %add3A_534 : i32 to vector<16xi32>
    %add3A_536 = arith.addi %add3A_535, %iota3A : vector<16xi32>
    %gather3A_537 = tpu.vector_load_idx %arg10[%add3A_536, %add3A_527] : memref<128x20xi32, #tpu.memory_space<vmem>>[vector<16xi32>, vector<16xi32>], vector<16xi32>,
    %swap3A_538 = arith.constant 16 : index
    %swap3A_539 = tpu.vector_load %arg8[%swap3A_538] {strides = array<i32>} : memref<128xi32, #tpu.memory_space<vmem>>, vector<16xi32>,
    tpu.vector_store %arg8[%swap3A_538], %gather3A_537 {strides = array<i32>} : memref<128xi32, #tpu.memory_space<vmem>>, vector<16xi32>,
    %add3A_540 = arith.constant 32 : i32
    %add3A_541 = vector.broadcast %add3A_540 : i32 to vector<16xi32>
    %add3A_542 = arith.addi %add3A_541, %iota3A : vector<16xi32>
    %gather3A_543 = tpu.vector_load_idx %arg10[%add3A_542, %add3A_527] : memref<128x20xi32, #tpu.memory_space<vmem>>[vector<16xi32>, vector<16xi32>], vector<16xi32>,
    %swap3A_544 = arith.constant 32 : index
    %swap3A_545 = tpu.vector_load %arg8[%swap3A_544] {strides = array<i32>} : memref<128xi32, #tpu.memory_space<vmem>>, vector<16xi32>,
    tpu.vector_store %arg8[%swap3A_544], %gather3A_543 {strides = array<i32>} : memref<128xi32, #tpu.memory_space<vmem>>, vector<16xi32>,
    %add3A_546 = arith.constant 48 : i32
    %add3A_547 = vector.broadcast %add3A_546 : i32 to vector<16xi32>
    %add3A_548 = arith.addi %add3A_547, %iota3A : vector<16xi32>
    %gather3A_549 = tpu.vector_load_idx %arg10[%add3A_548, %add3A_527] : memref<128x20xi32, #tpu.memory_space<vmem>>[vector<16xi32>, vector<16xi32>], vector<16xi32>,
    %swap3A_550 = arith.constant 48 : index
    %swap3A_551 = tpu.vector_load %arg8[%swap3A_550] {strides = array<i32>} : memref<128xi32, #tpu.memory_space<vmem>>, vector<16xi32>,
    tpu.vector_store %arg8[%swap3A_550], %gather3A_549 {strides = array<i32>} : memref<128xi32, #tpu.memory_space<vmem>>, vector<16xi32>,
    %add3A_552 = arith.constant 64 : i32
    %add3A_553 = vector.broadcast %add3A_552 : i32 to vector<16xi32>
    %add3A_554 = arith.addi %add3A_553, %iota3A : vector<16xi32>
    %gather3A_555 = tpu.vector_load_idx %arg10[%add3A_554, %add3A_527] : memref<128x20xi32, #tpu.memory_space<vmem>>[vector<16xi32>, vector<16xi32>], vector<16xi32>,
    %swap3A_556 = arith.constant 64 : index
    %swap3A_557 = tpu.vector_load %arg8[%swap3A_556] {strides = array<i32>} : memref<128xi32, #tpu.memory_space<vmem>>, vector<16xi32>,
    tpu.vector_store %arg8[%swap3A_556], %gather3A_555 {strides = array<i32>} : memref<128xi32, #tpu.memory_space<vmem>>, vector<16xi32>,
    %add3A_558 = arith.constant 80 : i32
    %add3A_559 = vector.broadcast %add3A_558 : i32 to vector<16xi32>
    %add3A_560 = arith.addi %add3A_559, %iota3A : vector<16xi32>
    %gather3A_561 = tpu.vector_load_idx %arg10[%add3A_560, %add3A_527] : memref<128x20xi32, #tpu.memory_space<vmem>>[vector<16xi32>, vector<16xi32>], vector<16xi32>,
    %swap3A_562 = arith.constant 80 : index
    %swap3A_563 = tpu.vector_load %arg8[%swap3A_562] {strides = array<i32>} : memref<128xi32, #tpu.memory_space<vmem>>, vector<16xi32>,
    tpu.vector_store %arg8[%swap3A_562], %gather3A_561 {strides = array<i32>} : memref<128xi32, #tpu.memory_space<vmem>>, vector<16xi32>,
    %add3A_564 = arith.constant 96 : i32
    %add3A_565 = vector.broadcast %add3A_564 : i32 to vector<16xi32>
    %add3A_566 = arith.addi %add3A_565, %iota3A : vector<16xi32>
    %gather3A_567 = tpu.vector_load_idx %arg10[%add3A_566, %add3A_527] : memref<128x20xi32, #tpu.memory_space<vmem>>[vector<16xi32>, vector<16xi32>], vector<16xi32>,
    %swap3A_568 = arith.constant 96 : index
    %swap3A_569 = tpu.vector_load %arg8[%swap3A_568] {strides = array<i32>} : memref<128xi32, #tpu.memory_space<vmem>>, vector<16xi32>,
    tpu.vector_store %arg8[%swap3A_568], %gather3A_567 {strides = array<i32>} : memref<128xi32, #tpu.memory_space<vmem>>, vector<16xi32>,
    %add3A_570 = arith.constant 112 : i32
    %add3A_571 = vector.broadcast %add3A_570 : i32 to vector<16xi32>
    %add3A_572 = arith.addi %add3A_571, %iota3A : vector<16xi32>
    %gather3A_573 = tpu.vector_load_idx %arg10[%add3A_572, %add3A_527] : memref<128x20xi32, #tpu.memory_space<vmem>>[vector<16xi32>, vector<16xi32>], vector<16xi32>,
    %swap3A_574 = arith.constant 112 : index
    %swap3A_575 = tpu.vector_load %arg8[%swap3A_574] {strides = array<i32>} : memref<128xi32, #tpu.memory_space<vmem>>, vector<16xi32>,
    tpu.vector_store %arg8[%swap3A_574], %gather3A_573 {strides = array<i32>} : memref<128xi32, #tpu.memory_space<vmem>>, vector<16xi32>,
    %dma_start3A_576 = arith.constant 0 : i32
    %dma_start3A_577 = arith.constant 0 : i32
    %dma_start3A_578 = tpu.memref_slice %arg3[%dma_start3A_576, %dma_start3A_577] : memref<1015808x128xf32, #tpu.memory_space<hbm>> -> memref<1015808x128xf32, #tpu.memory_space<hbm>>
    tpu.enqueue_indirect_dma source(%dma_start3A_578 : memref<1015808x128xf32, #tpu.memory_space<hbm>>) target(%arg12 : memref<128x128xf32, #tpu.memory_space<vmem>>) offsets(%arg8 : memref<128xi32, #tpu.memory_space<vmem>>) semaphore(%arg15 : memref<!tpu.dma_semaphore, #tpu.memory_space<semaphore_mem>>)
    %dma_wait3A_579 = arith.constant 0 : i32
    %dma_wait3A_580 = arith.constant 0 : i32
    %dma_wait3A_581 = tpu.memref_slice %arg3[%dma_wait3A_579, %dma_wait3A_580] : memref<1015808x128xf32, #tpu.memory_space<hbm>> -> memref<1015808x128xf32, #tpu.memory_space<hbm>>
    tpu.wait_indirect_dma semaphore(%arg14 : memref<!tpu.dma_semaphore, #tpu.memory_space<semaphore_mem>>) src(%dma_wait3A_581 : memref<1015808x128xf32, #tpu.memory_space<hbm>>) dst(%arg11 : memref<128x128xf32, #tpu.memory_space<vmem>>)
    "tpu.region"() ({
      %run_scoped3A = tpu.sem_alloc : memref<!tpu.dma_semaphore, #tpu.memory_space<semaphore_mem>>
      %dma_start3A_1234 = arith.constant 0 : i32
      %dma_start3A_1235 = arith.constant 0 : i32
      %dma_start3A_1236 = tpu.memref_slice %arg13[%dma_start3A_1234, %dma_start3A_1235] : memref<2048x128xf32, #tpu.memory_space<vmem_shared>> -> memref<2048x128xf32, #tpu.memory_space<vmem_shared>>
      tpu.enqueue_indirect_dma source(%arg11 : memref<128x128xf32, #tpu.memory_space<vmem>>) target(%dma_start3A_1236 : memref<2048x128xf32, #tpu.memory_space<vmem_shared>>) offsets(%arg9 : memref<128xi32, #tpu.memory_space<vmem>>) semaphore(%run_scoped3A : memref<!tpu.dma_semaphore, #tpu.memory_space<semaphore_mem>>) {add = true}
      %dma_wait3A_1237 = arith.constant 0 : i32
      %dma_wait3A_1238 = arith.constant 0 : i32
      %dma_wait3A_1239 = tpu.memref_slice %arg13[%dma_wait3A_1237, %dma_wait3A_1238] : memref<2048x128xf32, #tpu.memory_space<vmem_shared>> -> memref<2048x128xf32, #tpu.memory_space<vmem_shared>>
      tpu.wait_indirect_dma semaphore(%run_scoped3A : memref<!tpu.dma_semaphore, #tpu.memory_space<semaphore_mem>>) src(%arg11 : memref<128x128xf32, #tpu.memory_space<vmem>>) dst(%dma_wait3A_1239 : memref<2048x128xf32, #tpu.memory_space<vmem_shared>>)
      tpu.yield
    }) : () -> ()
    %broadcast_in_dim3A_582 = arith.constant 0 : i32
    %broadcast_in_dim3A_583 = vector.broadcast %broadcast_in_dim3A_582 : i32 to vector<16xi32>
    %add3A_584 = arith.constant 9 : i32
    %add3A_585 = vector.broadcast %add3A_584 : i32 to vector<16xi32>
    %add3A_586 = arith.addi %broadcast_in_dim3A_583, %add3A_585 : vector<16xi32>
    %add3A_587 = arith.constant 0 : i32
    %add3A_588 = vector.broadcast %add3A_587 : i32 to vector<16xi32>
    %add3A_589 = arith.addi %add3A_588, %iota3A : vector<16xi32>
    %gather3A_590 = tpu.vector_load_idx %arg10[%add3A_589, %add3A_586] : memref<128x20xi32, #tpu.memory_space<vmem>>[vector<16xi32>, vector<16xi32>], vector<16xi32>,
    %swap3A_591 = arith.constant 0 : index
    %swap3A_592 = tpu.vector_load %arg7[%swap3A_591] {strides = array<i32>} : memref<128xi32, #tpu.memory_space<vmem>>, vector<16xi32>,
    tpu.vector_store %arg7[%swap3A_591], %gather3A_590 {strides = array<i32>} : memref<128xi32, #tpu.memory_space<vmem>>, vector<16xi32>,
    %add3A_593 = arith.constant 16 : i32
    %add3A_594 = vector.broadcast %add3A_593 : i32 to vector<16xi32>
    %add3A_595 = arith.addi %add3A_594, %iota3A : vector<16xi32>
    %gather3A_596 = tpu.vector_load_idx %arg10[%add3A_595, %add3A_586] : memref<128x20xi32, #tpu.memory_space<vmem>>[vector<16xi32>, vector<16xi32>], vector<16xi32>,
    %swap3A_597 = arith.constant 16 : index
    %swap3A_598 = tpu.vector_load %arg7[%swap3A_597] {strides = array<i32>} : memref<128xi32, #tpu.memory_space<vmem>>, vector<16xi32>,
    tpu.vector_store %arg7[%swap3A_597], %gather3A_596 {strides = array<i32>} : memref<128xi32, #tpu.memory_space<vmem>>, vector<16xi32>,
    %add3A_599 = arith.constant 32 : i32
    %add3A_600 = vector.broadcast %add3A_599 : i32 to vector<16xi32>
    %add3A_601 = arith.addi %add3A_600, %iota3A : vector<16xi32>
    %gather3A_602 = tpu.vector_load_idx %arg10[%add3A_601, %add3A_586] : memref<128x20xi32, #tpu.memory_space<vmem>>[vector<16xi32>, vector<16xi32>], vector<16xi32>,
    %swap3A_603 = arith.constant 32 : index
    %swap3A_604 = tpu.vector_load %arg7[%swap3A_603] {strides = array<i32>} : memref<128xi32, #tpu.memory_space<vmem>>, vector<16xi32>,
    tpu.vector_store %arg7[%swap3A_603], %gather3A_602 {strides = array<i32>} : memref<128xi32, #tpu.memory_space<vmem>>, vector<16xi32>,
    %add3A_605 = arith.constant 48 : i32
    %add3A_606 = vector.broadcast %add3A_605 : i32 to vector<16xi32>
    %add3A_607 = arith.addi %add3A_606, %iota3A : vector<16xi32>
    %gather3A_608 = tpu.vector_load_idx %arg10[%add3A_607, %add3A_586] : memref<128x20xi32, #tpu.memory_space<vmem>>[vector<16xi32>, vector<16xi32>], vector<16xi32>,
    %swap3A_609 = arith.constant 48 : index
    %swap3A_610 = tpu.vector_load %arg7[%swap3A_609] {strides = array<i32>} : memref<128xi32, #tpu.memory_space<vmem>>, vector<16xi32>,
    tpu.vector_store %arg7[%swap3A_609], %gather3A_608 {strides = array<i32>} : memref<128xi32, #tpu.memory_space<vmem>>, vector<16xi32>,
    %add3A_611 = arith.constant 64 : i32
    %add3A_612 = vector.broadcast %add3A_611 : i32 to vector<16xi32>
    %add3A_613 = arith.addi %add3A_612, %iota3A : vector<16xi32>
    %gather3A_614 = tpu.vector_load_idx %arg10[%add3A_613, %add3A_586] : memref<128x20xi32, #tpu.memory_space<vmem>>[vector<16xi32>, vector<16xi32>], vector<16xi32>,
    %swap3A_615 = arith.constant 64 : index
    %swap3A_616 = tpu.vector_load %arg7[%swap3A_615] {strides = array<i32>} : memref<128xi32, #tpu.memory_space<vmem>>, vector<16xi32>,
    tpu.vector_store %arg7[%swap3A_615], %gather3A_614 {strides = array<i32>} : memref<128xi32, #tpu.memory_space<vmem>>, vector<16xi32>,
    %add3A_617 = arith.constant 80 : i32
    %add3A_618 = vector.broadcast %add3A_617 : i32 to vector<16xi32>
    %add3A_619 = arith.addi %add3A_618, %iota3A : vector<16xi32>
    %gather3A_620 = tpu.vector_load_idx %arg10[%add3A_619, %add3A_586] : memref<128x20xi32, #tpu.memory_space<vmem>>[vector<16xi32>, vector<16xi32>], vector<16xi32>,
    %swap3A_621 = arith.constant 80 : index
    %swap3A_622 = tpu.vector_load %arg7[%swap3A_621] {strides = array<i32>} : memref<128xi32, #tpu.memory_space<vmem>>, vector<16xi32>,
    tpu.vector_store %arg7[%swap3A_621], %gather3A_620 {strides = array<i32>} : memref<128xi32, #tpu.memory_space<vmem>>, vector<16xi32>,
    %add3A_623 = arith.constant 96 : i32
    %add3A_624 = vector.broadcast %add3A_623 : i32 to vector<16xi32>
    %add3A_625 = arith.addi %add3A_624, %iota3A : vector<16xi32>
    %gather3A_626 = tpu.vector_load_idx %arg10[%add3A_625, %add3A_586] : memref<128x20xi32, #tpu.memory_space<vmem>>[vector<16xi32>, vector<16xi32>], vector<16xi32>,
    %swap3A_627 = arith.constant 96 : index
    %swap3A_628 = tpu.vector_load %arg7[%swap3A_627] {strides = array<i32>} : memref<128xi32, #tpu.memory_space<vmem>>, vector<16xi32>,
    tpu.vector_store %arg7[%swap3A_627], %gather3A_626 {strides = array<i32>} : memref<128xi32, #tpu.memory_space<vmem>>, vector<16xi32>,
    %add3A_629 = arith.constant 112 : i32
    %add3A_630 = vector.broadcast %add3A_629 : i32 to vector<16xi32>
    %add3A_631 = arith.addi %add3A_630, %iota3A : vector<16xi32>
    %gather3A_632 = tpu.vector_load_idx %arg10[%add3A_631, %add3A_586] : memref<128x20xi32, #tpu.memory_space<vmem>>[vector<16xi32>, vector<16xi32>], vector<16xi32>,
    %swap3A_633 = arith.constant 112 : index
    %swap3A_634 = tpu.vector_load %arg7[%swap3A_633] {strides = array<i32>} : memref<128xi32, #tpu.memory_space<vmem>>, vector<16xi32>,
    tpu.vector_store %arg7[%swap3A_633], %gather3A_632 {strides = array<i32>} : memref<128xi32, #tpu.memory_space<vmem>>, vector<16xi32>,
    %dma_start3A_635 = arith.constant 0 : i32
    %dma_start3A_636 = arith.constant 0 : i32
    %dma_start3A_637 = tpu.memref_slice %arg3[%dma_start3A_635, %dma_start3A_636] : memref<1015808x128xf32, #tpu.memory_space<hbm>> -> memref<1015808x128xf32, #tpu.memory_space<hbm>>
    tpu.enqueue_indirect_dma source(%dma_start3A_637 : memref<1015808x128xf32, #tpu.memory_space<hbm>>) target(%arg11 : memref<128x128xf32, #tpu.memory_space<vmem>>) offsets(%arg7 : memref<128xi32, #tpu.memory_space<vmem>>) semaphore(%arg14 : memref<!tpu.dma_semaphore, #tpu.memory_space<semaphore_mem>>)
    %dma_wait3A_638 = arith.constant 0 : i32
    %dma_wait3A_639 = arith.constant 0 : i32
    %dma_wait3A_640 = tpu.memref_slice %arg3[%dma_wait3A_638, %dma_wait3A_639] : memref<1015808x128xf32, #tpu.memory_space<hbm>> -> memref<1015808x128xf32, #tpu.memory_space<hbm>>
    tpu.wait_indirect_dma semaphore(%arg15 : memref<!tpu.dma_semaphore, #tpu.memory_space<semaphore_mem>>) src(%dma_wait3A_640 : memref<1015808x128xf32, #tpu.memory_space<hbm>>) dst(%arg12 : memref<128x128xf32, #tpu.memory_space<vmem>>)
    "tpu.region"() ({
      %run_scoped3A = tpu.sem_alloc : memref<!tpu.dma_semaphore, #tpu.memory_space<semaphore_mem>>
      %dma_start3A_1234 = arith.constant 0 : i32
      %dma_start3A_1235 = arith.constant 0 : i32
      %dma_start3A_1236 = tpu.memref_slice %arg13[%dma_start3A_1234, %dma_start3A_1235] : memref<2048x128xf32, #tpu.memory_space<vmem_shared>> -> memref<2048x128xf32, #tpu.memory_space<vmem_shared>>
      tpu.enqueue_indirect_dma source(%arg12 : memref<128x128xf32, #tpu.memory_space<vmem>>) target(%dma_start3A_1236 : memref<2048x128xf32, #tpu.memory_space<vmem_shared>>) offsets(%arg9 : memref<128xi32, #tpu.memory_space<vmem>>) semaphore(%run_scoped3A : memref<!tpu.dma_semaphore, #tpu.memory_space<semaphore_mem>>) {add = true}
      %dma_wait3A_1237 = arith.constant 0 : i32
      %dma_wait3A_1238 = arith.constant 0 : i32
      %dma_wait3A_1239 = tpu.memref_slice %arg13[%dma_wait3A_1237, %dma_wait3A_1238] : memref<2048x128xf32, #tpu.memory_space<vmem_shared>> -> memref<2048x128xf32, #tpu.memory_space<vmem_shared>>
      tpu.wait_indirect_dma semaphore(%run_scoped3A : memref<!tpu.dma_semaphore, #tpu.memory_space<semaphore_mem>>) src(%arg12 : memref<128x128xf32, #tpu.memory_space<vmem>>) dst(%dma_wait3A_1239 : memref<2048x128xf32, #tpu.memory_space<vmem_shared>>)
      tpu.yield
    }) : () -> ()
    %broadcast_in_dim3A_641 = arith.constant 0 : i32
    %broadcast_in_dim3A_642 = vector.broadcast %broadcast_in_dim3A_641 : i32 to vector<16xi32>
    %add3A_643 = arith.constant 10 : i32
    %add3A_644 = vector.broadcast %add3A_643 : i32 to vector<16xi32>
    %add3A_645 = arith.addi %broadcast_in_dim3A_642, %add3A_644 : vector<16xi32>
    %add3A_646 = arith.constant 0 : i32
    %add3A_647 = vector.broadcast %add3A_646 : i32 to vector<16xi32>
    %add3A_648 = arith.addi %add3A_647, %iota3A : vector<16xi32>
    %gather3A_649 = tpu.vector_load_idx %arg10[%add3A_648, %add3A_645] : memref<128x20xi32, #tpu.memory_space<vmem>>[vector<16xi32>, vector<16xi32>], vector<16xi32>,
    %swap3A_650 = arith.constant 0 : index
    %swap3A_651 = tpu.vector_load %arg8[%swap3A_650] {strides = array<i32>} : memref<128xi32, #tpu.memory_space<vmem>>, vector<16xi32>,
    tpu.vector_store %arg8[%swap3A_650], %gather3A_649 {strides = array<i32>} : memref<128xi32, #tpu.memory_space<vmem>>, vector<16xi32>,
    %add3A_652 = arith.constant 16 : i32
    %add3A_653 = vector.broadcast %add3A_652 : i32 to vector<16xi32>
    %add3A_654 = arith.addi %add3A_653, %iota3A : vector<16xi32>
    %gather3A_655 = tpu.vector_load_idx %arg10[%add3A_654, %add3A_645] : memref<128x20xi32, #tpu.memory_space<vmem>>[vector<16xi32>, vector<16xi32>], vector<16xi32>,
    %swap3A_656 = arith.constant 16 : index
    %swap3A_657 = tpu.vector_load %arg8[%swap3A_656] {strides = array<i32>} : memref<128xi32, #tpu.memory_space<vmem>>, vector<16xi32>,
    tpu.vector_store %arg8[%swap3A_656], %gather3A_655 {strides = array<i32>} : memref<128xi32, #tpu.memory_space<vmem>>, vector<16xi32>,
    %add3A_658 = arith.constant 32 : i32
    %add3A_659 = vector.broadcast %add3A_658 : i32 to vector<16xi32>
    %add3A_660 = arith.addi %add3A_659, %iota3A : vector<16xi32>
    %gather3A_661 = tpu.vector_load_idx %arg10[%add3A_660, %add3A_645] : memref<128x20xi32, #tpu.memory_space<vmem>>[vector<16xi32>, vector<16xi32>], vector<16xi32>,
    %swap3A_662 = arith.constant 32 : index
    %swap3A_663 = tpu.vector_load %arg8[%swap3A_662] {strides = array<i32>} : memref<128xi32, #tpu.memory_space<vmem>>, vector<16xi32>,
    tpu.vector_store %arg8[%swap3A_662], %gather3A_661 {strides = array<i32>} : memref<128xi32, #tpu.memory_space<vmem>>, vector<16xi32>,
    %add3A_664 = arith.constant 48 : i32
    %add3A_665 = vector.broadcast %add3A_664 : i32 to vector<16xi32>
    %add3A_666 = arith.addi %add3A_665, %iota3A : vector<16xi32>
    %gather3A_667 = tpu.vector_load_idx %arg10[%add3A_666, %add3A_645] : memref<128x20xi32, #tpu.memory_space<vmem>>[vector<16xi32>, vector<16xi32>], vector<16xi32>,
    %swap3A_668 = arith.constant 48 : index
    %swap3A_669 = tpu.vector_load %arg8[%swap3A_668] {strides = array<i32>} : memref<128xi32, #tpu.memory_space<vmem>>, vector<16xi32>,
    tpu.vector_store %arg8[%swap3A_668], %gather3A_667 {strides = array<i32>} : memref<128xi32, #tpu.memory_space<vmem>>, vector<16xi32>,
    %add3A_670 = arith.constant 64 : i32
    %add3A_671 = vector.broadcast %add3A_670 : i32 to vector<16xi32>
    %add3A_672 = arith.addi %add3A_671, %iota3A : vector<16xi32>
    %gather3A_673 = tpu.vector_load_idx %arg10[%add3A_672, %add3A_645] : memref<128x20xi32, #tpu.memory_space<vmem>>[vector<16xi32>, vector<16xi32>], vector<16xi32>,
    %swap3A_674 = arith.constant 64 : index
    %swap3A_675 = tpu.vector_load %arg8[%swap3A_674] {strides = array<i32>} : memref<128xi32, #tpu.memory_space<vmem>>, vector<16xi32>,
    tpu.vector_store %arg8[%swap3A_674], %gather3A_673 {strides = array<i32>} : memref<128xi32, #tpu.memory_space<vmem>>, vector<16xi32>,
    %add3A_676 = arith.constant 80 : i32
    %add3A_677 = vector.broadcast %add3A_676 : i32 to vector<16xi32>
    %add3A_678 = arith.addi %add3A_677, %iota3A : vector<16xi32>
    %gather3A_679 = tpu.vector_load_idx %arg10[%add3A_678, %add3A_645] : memref<128x20xi32, #tpu.memory_space<vmem>>[vector<16xi32>, vector<16xi32>], vector<16xi32>,
    %swap3A_680 = arith.constant 80 : index
    %swap3A_681 = tpu.vector_load %arg8[%swap3A_680] {strides = array<i32>} : memref<128xi32, #tpu.memory_space<vmem>>, vector<16xi32>,
    tpu.vector_store %arg8[%swap3A_680], %gather3A_679 {strides = array<i32>} : memref<128xi32, #tpu.memory_space<vmem>>, vector<16xi32>,
    %add3A_682 = arith.constant 96 : i32
    %add3A_683 = vector.broadcast %add3A_682 : i32 to vector<16xi32>
    %add3A_684 = arith.addi %add3A_683, %iota3A : vector<16xi32>
    %gather3A_685 = tpu.vector_load_idx %arg10[%add3A_684, %add3A_645] : memref<128x20xi32, #tpu.memory_space<vmem>>[vector<16xi32>, vector<16xi32>], vector<16xi32>,
    %swap3A_686 = arith.constant 96 : index
    %swap3A_687 = tpu.vector_load %arg8[%swap3A_686] {strides = array<i32>} : memref<128xi32, #tpu.memory_space<vmem>>, vector<16xi32>,
    tpu.vector_store %arg8[%swap3A_686], %gather3A_685 {strides = array<i32>} : memref<128xi32, #tpu.memory_space<vmem>>, vector<16xi32>,
    %add3A_688 = arith.constant 112 : i32
    %add3A_689 = vector.broadcast %add3A_688 : i32 to vector<16xi32>
    %add3A_690 = arith.addi %add3A_689, %iota3A : vector<16xi32>
    %gather3A_691 = tpu.vector_load_idx %arg10[%add3A_690, %add3A_645] : memref<128x20xi32, #tpu.memory_space<vmem>>[vector<16xi32>, vector<16xi32>], vector<16xi32>,
    %swap3A_692 = arith.constant 112 : index
    %swap3A_693 = tpu.vector_load %arg8[%swap3A_692] {strides = array<i32>} : memref<128xi32, #tpu.memory_space<vmem>>, vector<16xi32>,
    tpu.vector_store %arg8[%swap3A_692], %gather3A_691 {strides = array<i32>} : memref<128xi32, #tpu.memory_space<vmem>>, vector<16xi32>,
    %dma_start3A_694 = arith.constant 0 : i32
    %dma_start3A_695 = arith.constant 0 : i32
    %dma_start3A_696 = tpu.memref_slice %arg3[%dma_start3A_694, %dma_start3A_695] : memref<1015808x128xf32, #tpu.memory_space<hbm>> -> memref<1015808x128xf32, #tpu.memory_space<hbm>>
    tpu.enqueue_indirect_dma source(%dma_start3A_696 : memref<1015808x128xf32, #tpu.memory_space<hbm>>) target(%arg12 : memref<128x128xf32, #tpu.memory_space<vmem>>) offsets(%arg8 : memref<128xi32, #tpu.memory_space<vmem>>) semaphore(%arg15 : memref<!tpu.dma_semaphore, #tpu.memory_space<semaphore_mem>>)
    %dma_wait3A_697 = arith.constant 0 : i32
    %dma_wait3A_698 = arith.constant 0 : i32
    %dma_wait3A_699 = tpu.memref_slice %arg3[%dma_wait3A_697, %dma_wait3A_698] : memref<1015808x128xf32, #tpu.memory_space<hbm>> -> memref<1015808x128xf32, #tpu.memory_space<hbm>>
    tpu.wait_indirect_dma semaphore(%arg14 : memref<!tpu.dma_semaphore, #tpu.memory_space<semaphore_mem>>) src(%dma_wait3A_699 : memref<1015808x128xf32, #tpu.memory_space<hbm>>) dst(%arg11 : memref<128x128xf32, #tpu.memory_space<vmem>>)
    "tpu.region"() ({
      %run_scoped3A = tpu.sem_alloc : memref<!tpu.dma_semaphore, #tpu.memory_space<semaphore_mem>>
      %dma_start3A_1234 = arith.constant 0 : i32
      %dma_start3A_1235 = arith.constant 0 : i32
      %dma_start3A_1236 = tpu.memref_slice %arg13[%dma_start3A_1234, %dma_start3A_1235] : memref<2048x128xf32, #tpu.memory_space<vmem_shared>> -> memref<2048x128xf32, #tpu.memory_space<vmem_shared>>
      tpu.enqueue_indirect_dma source(%arg11 : memref<128x128xf32, #tpu.memory_space<vmem>>) target(%dma_start3A_1236 : memref<2048x128xf32, #tpu.memory_space<vmem_shared>>) offsets(%arg9 : memref<128xi32, #tpu.memory_space<vmem>>) semaphore(%run_scoped3A : memref<!tpu.dma_semaphore, #tpu.memory_space<semaphore_mem>>) {add = true}
      %dma_wait3A_1237 = arith.constant 0 : i32
      %dma_wait3A_1238 = arith.constant 0 : i32
      %dma_wait3A_1239 = tpu.memref_slice %arg13[%dma_wait3A_1237, %dma_wait3A_1238] : memref<2048x128xf32, #tpu.memory_space<vmem_shared>> -> memref<2048x128xf32, #tpu.memory_space<vmem_shared>>
      tpu.wait_indirect_dma semaphore(%run_scoped3A : memref<!tpu.dma_semaphore, #tpu.memory_space<semaphore_mem>>) src(%arg11 : memref<128x128xf32, #tpu.memory_space<vmem>>) dst(%dma_wait3A_1239 : memref<2048x128xf32, #tpu.memory_space<vmem_shared>>)
      tpu.yield
    }) : () -> ()
    %broadcast_in_dim3A_700 = arith.constant 0 : i32
    %broadcast_in_dim3A_701 = vector.broadcast %broadcast_in_dim3A_700 : i32 to vector<16xi32>
    %add3A_702 = arith.constant 11 : i32
    %add3A_703 = vector.broadcast %add3A_702 : i32 to vector<16xi32>
    %add3A_704 = arith.addi %broadcast_in_dim3A_701, %add3A_703 : vector<16xi32>
    %add3A_705 = arith.constant 0 : i32
    %add3A_706 = vector.broadcast %add3A_705 : i32 to vector<16xi32>
    %add3A_707 = arith.addi %add3A_706, %iota3A : vector<16xi32>
    %gather3A_708 = tpu.vector_load_idx %arg10[%add3A_707, %add3A_704] : memref<128x20xi32, #tpu.memory_space<vmem>>[vector<16xi32>, vector<16xi32>], vector<16xi32>,
    %swap3A_709 = arith.constant 0 : index
    %swap3A_710 = tpu.vector_load %arg7[%swap3A_709] {strides = array<i32>} : memref<128xi32, #tpu.memory_space<vmem>>, vector<16xi32>,
    tpu.vector_store %arg7[%swap3A_709], %gather3A_708 {strides = array<i32>} : memref<128xi32, #tpu.memory_space<vmem>>, vector<16xi32>,
    %add3A_711 = arith.constant 16 : i32
    %add3A_712 = vector.broadcast %add3A_711 : i32 to vector<16xi32>
    %add3A_713 = arith.addi %add3A_712, %iota3A : vector<16xi32>
    %gather3A_714 = tpu.vector_load_idx %arg10[%add3A_713, %add3A_704] : memref<128x20xi32, #tpu.memory_space<vmem>>[vector<16xi32>, vector<16xi32>], vector<16xi32>,
    %swap3A_715 = arith.constant 16 : index
    %swap3A_716 = tpu.vector_load %arg7[%swap3A_715] {strides = array<i32>} : memref<128xi32, #tpu.memory_space<vmem>>, vector<16xi32>,
    tpu.vector_store %arg7[%swap3A_715], %gather3A_714 {strides = array<i32>} : memref<128xi32, #tpu.memory_space<vmem>>, vector<16xi32>,
    %add3A_717 = arith.constant 32 : i32
    %add3A_718 = vector.broadcast %add3A_717 : i32 to vector<16xi32>
    %add3A_719 = arith.addi %add3A_718, %iota3A : vector<16xi32>
    %gather3A_720 = tpu.vector_load_idx %arg10[%add3A_719, %add3A_704] : memref<128x20xi32, #tpu.memory_space<vmem>>[vector<16xi32>, vector<16xi32>], vector<16xi32>,
    %swap3A_721 = arith.constant 32 : index
    %swap3A_722 = tpu.vector_load %arg7[%swap3A_721] {strides = array<i32>} : memref<128xi32, #tpu.memory_space<vmem>>, vector<16xi32>,
    tpu.vector_store %arg7[%swap3A_721], %gather3A_720 {strides = array<i32>} : memref<128xi32, #tpu.memory_space<vmem>>, vector<16xi32>,
    %add3A_723 = arith.constant 48 : i32
    %add3A_724 = vector.broadcast %add3A_723 : i32 to vector<16xi32>
    %add3A_725 = arith.addi %add3A_724, %iota3A : vector<16xi32>
    %gather3A_726 = tpu.vector_load_idx %arg10[%add3A_725, %add3A_704] : memref<128x20xi32, #tpu.memory_space<vmem>>[vector<16xi32>, vector<16xi32>], vector<16xi32>,
    %swap3A_727 = arith.constant 48 : index
    %swap3A_728 = tpu.vector_load %arg7[%swap3A_727] {strides = array<i32>} : memref<128xi32, #tpu.memory_space<vmem>>, vector<16xi32>,
    tpu.vector_store %arg7[%swap3A_727], %gather3A_726 {strides = array<i32>} : memref<128xi32, #tpu.memory_space<vmem>>, vector<16xi32>,
    %add3A_729 = arith.constant 64 : i32
    %add3A_730 = vector.broadcast %add3A_729 : i32 to vector<16xi32>
    %add3A_731 = arith.addi %add3A_730, %iota3A : vector<16xi32>
    %gather3A_732 = tpu.vector_load_idx %arg10[%add3A_731, %add3A_704] : memref<128x20xi32, #tpu.memory_space<vmem>>[vector<16xi32>, vector<16xi32>], vector<16xi32>,
    %swap3A_733 = arith.constant 64 : index
    %swap3A_734 = tpu.vector_load %arg7[%swap3A_733] {strides = array<i32>} : memref<128xi32, #tpu.memory_space<vmem>>, vector<16xi32>,
    tpu.vector_store %arg7[%swap3A_733], %gather3A_732 {strides = array<i32>} : memref<128xi32, #tpu.memory_space<vmem>>, vector<16xi32>,
    %add3A_735 = arith.constant 80 : i32
    %add3A_736 = vector.broadcast %add3A_735 : i32 to vector<16xi32>
    %add3A_737 = arith.addi %add3A_736, %iota3A : vector<16xi32>
    %gather3A_738 = tpu.vector_load_idx %arg10[%add3A_737, %add3A_704] : memref<128x20xi32, #tpu.memory_space<vmem>>[vector<16xi32>, vector<16xi32>], vector<16xi32>,
    %swap3A_739 = arith.constant 80 : index
    %swap3A_740 = tpu.vector_load %arg7[%swap3A_739] {strides = array<i32>} : memref<128xi32, #tpu.memory_space<vmem>>, vector<16xi32>,
    tpu.vector_store %arg7[%swap3A_739], %gather3A_738 {strides = array<i32>} : memref<128xi32, #tpu.memory_space<vmem>>, vector<16xi32>,
    %add3A_741 = arith.constant 96 : i32
    %add3A_742 = vector.broadcast %add3A_741 : i32 to vector<16xi32>
    %add3A_743 = arith.addi %add3A_742, %iota3A : vector<16xi32>
    %gather3A_744 = tpu.vector_load_idx %arg10[%add3A_743, %add3A_704] : memref<128x20xi32, #tpu.memory_space<vmem>>[vector<16xi32>, vector<16xi32>], vector<16xi32>,
    %swap3A_745 = arith.constant 96 : index
    %swap3A_746 = tpu.vector_load %arg7[%swap3A_745] {strides = array<i32>} : memref<128xi32, #tpu.memory_space<vmem>>, vector<16xi32>,
    tpu.vector_store %arg7[%swap3A_745], %gather3A_744 {strides = array<i32>} : memref<128xi32, #tpu.memory_space<vmem>>, vector<16xi32>,
    %add3A_747 = arith.constant 112 : i32
    %add3A_748 = vector.broadcast %add3A_747 : i32 to vector<16xi32>
    %add3A_749 = arith.addi %add3A_748, %iota3A : vector<16xi32>
    %gather3A_750 = tpu.vector_load_idx %arg10[%add3A_749, %add3A_704] : memref<128x20xi32, #tpu.memory_space<vmem>>[vector<16xi32>, vector<16xi32>], vector<16xi32>,
    %swap3A_751 = arith.constant 112 : index
    %swap3A_752 = tpu.vector_load %arg7[%swap3A_751] {strides = array<i32>} : memref<128xi32, #tpu.memory_space<vmem>>, vector<16xi32>,
    tpu.vector_store %arg7[%swap3A_751], %gather3A_750 {strides = array<i32>} : memref<128xi32, #tpu.memory_space<vmem>>, vector<16xi32>,
    %dma_start3A_753 = arith.constant 0 : i32
    %dma_start3A_754 = arith.constant 0 : i32
    %dma_start3A_755 = tpu.memref_slice %arg3[%dma_start3A_753, %dma_start3A_754] : memref<1015808x128xf32, #tpu.memory_space<hbm>> -> memref<1015808x128xf32, #tpu.memory_space<hbm>>
    tpu.enqueue_indirect_dma source(%dma_start3A_755 : memref<1015808x128xf32, #tpu.memory_space<hbm>>) target(%arg11 : memref<128x128xf32, #tpu.memory_space<vmem>>) offsets(%arg7 : memref<128xi32, #tpu.memory_space<vmem>>) semaphore(%arg14 : memref<!tpu.dma_semaphore, #tpu.memory_space<semaphore_mem>>)
    %dma_wait3A_756 = arith.constant 0 : i32
    %dma_wait3A_757 = arith.constant 0 : i32
    %dma_wait3A_758 = tpu.memref_slice %arg3[%dma_wait3A_756, %dma_wait3A_757] : memref<1015808x128xf32, #tpu.memory_space<hbm>> -> memref<1015808x128xf32, #tpu.memory_space<hbm>>
    tpu.wait_indirect_dma semaphore(%arg15 : memref<!tpu.dma_semaphore, #tpu.memory_space<semaphore_mem>>) src(%dma_wait3A_758 : memref<1015808x128xf32, #tpu.memory_space<hbm>>) dst(%arg12 : memref<128x128xf32, #tpu.memory_space<vmem>>)
    "tpu.region"() ({
      %run_scoped3A = tpu.sem_alloc : memref<!tpu.dma_semaphore, #tpu.memory_space<semaphore_mem>>
      %dma_start3A_1234 = arith.constant 0 : i32
      %dma_start3A_1235 = arith.constant 0 : i32
      %dma_start3A_1236 = tpu.memref_slice %arg13[%dma_start3A_1234, %dma_start3A_1235] : memref<2048x128xf32, #tpu.memory_space<vmem_shared>> -> memref<2048x128xf32, #tpu.memory_space<vmem_shared>>
      tpu.enqueue_indirect_dma source(%arg12 : memref<128x128xf32, #tpu.memory_space<vmem>>) target(%dma_start3A_1236 : memref<2048x128xf32, #tpu.memory_space<vmem_shared>>) offsets(%arg9 : memref<128xi32, #tpu.memory_space<vmem>>) semaphore(%run_scoped3A : memref<!tpu.dma_semaphore, #tpu.memory_space<semaphore_mem>>) {add = true}
      %dma_wait3A_1237 = arith.constant 0 : i32
      %dma_wait3A_1238 = arith.constant 0 : i32
      %dma_wait3A_1239 = tpu.memref_slice %arg13[%dma_wait3A_1237, %dma_wait3A_1238] : memref<2048x128xf32, #tpu.memory_space<vmem_shared>> -> memref<2048x128xf32, #tpu.memory_space<vmem_shared>>
      tpu.wait_indirect_dma semaphore(%run_scoped3A : memref<!tpu.dma_semaphore, #tpu.memory_space<semaphore_mem>>) src(%arg12 : memref<128x128xf32, #tpu.memory_space<vmem>>) dst(%dma_wait3A_1239 : memref<2048x128xf32, #tpu.memory_space<vmem_shared>>)
      tpu.yield
    }) : () -> ()
    %broadcast_in_dim3A_759 = arith.constant 0 : i32
    %broadcast_in_dim3A_760 = vector.broadcast %broadcast_in_dim3A_759 : i32 to vector<16xi32>
    %add3A_761 = arith.constant 12 : i32
    %add3A_762 = vector.broadcast %add3A_761 : i32 to vector<16xi32>
    %add3A_763 = arith.addi %broadcast_in_dim3A_760, %add3A_762 : vector<16xi32>
    %add3A_764 = arith.constant 0 : i32
    %add3A_765 = vector.broadcast %add3A_764 : i32 to vector<16xi32>
    %add3A_766 = arith.addi %add3A_765, %iota3A : vector<16xi32>
    %gather3A_767 = tpu.vector_load_idx %arg10[%add3A_766, %add3A_763] : memref<128x20xi32, #tpu.memory_space<vmem>>[vector<16xi32>, vector<16xi32>], vector<16xi32>,
    %swap3A_768 = arith.constant 0 : index
    %swap3A_769 = tpu.vector_load %arg8[%swap3A_768] {strides = array<i32>} : memref<128xi32, #tpu.memory_space<vmem>>, vector<16xi32>,
    tpu.vector_store %arg8[%swap3A_768], %gather3A_767 {strides = array<i32>} : memref<128xi32, #tpu.memory_space<vmem>>, vector<16xi32>,
    %add3A_770 = arith.constant 16 : i32
    %add3A_771 = vector.broadcast %add3A_770 : i32 to vector<16xi32>
    %add3A_772 = arith.addi %add3A_771, %iota3A : vector<16xi32>
    %gather3A_773 = tpu.vector_load_idx %arg10[%add3A_772, %add3A_763] : memref<128x20xi32, #tpu.memory_space<vmem>>[vector<16xi32>, vector<16xi32>], vector<16xi32>,
    %swap3A_774 = arith.constant 16 : index
    %swap3A_775 = tpu.vector_load %arg8[%swap3A_774] {strides = array<i32>} : memref<128xi32, #tpu.memory_space<vmem>>, vector<16xi32>,
    tpu.vector_store %arg8[%swap3A_774], %gather3A_773 {strides = array<i32>} : memref<128xi32, #tpu.memory_space<vmem>>, vector<16xi32>,
    %add3A_776 = arith.constant 32 : i32
    %add3A_777 = vector.broadcast %add3A_776 : i32 to vector<16xi32>
    %add3A_778 = arith.addi %add3A_777, %iota3A : vector<16xi32>
    %gather3A_779 = tpu.vector_load_idx %arg10[%add3A_778, %add3A_763] : memref<128x20xi32, #tpu.memory_space<vmem>>[vector<16xi32>, vector<16xi32>], vector<16xi32>,
    %swap3A_780 = arith.constant 32 : index
    %swap3A_781 = tpu.vector_load %arg8[%swap3A_780] {strides = array<i32>} : memref<128xi32, #tpu.memory_space<vmem>>, vector<16xi32>,
    tpu.vector_store %arg8[%swap3A_780], %gather3A_779 {strides = array<i32>} : memref<128xi32, #tpu.memory_space<vmem>>, vector<16xi32>,
    %add3A_782 = arith.constant 48 : i32
    %add3A_783 = vector.broadcast %add3A_782 : i32 to vector<16xi32>
    %add3A_784 = arith.addi %add3A_783, %iota3A : vector<16xi32>
    %gather3A_785 = tpu.vector_load_idx %arg10[%add3A_784, %add3A_763] : memref<128x20xi32, #tpu.memory_space<vmem>>[vector<16xi32>, vector<16xi32>], vector<16xi32>,
    %swap3A_786 = arith.constant 48 : index
    %swap3A_787 = tpu.vector_load %arg8[%swap3A_786] {strides = array<i32>} : memref<128xi32, #tpu.memory_space<vmem>>, vector<16xi32>,
    tpu.vector_store %arg8[%swap3A_786], %gather3A_785 {strides = array<i32>} : memref<128xi32, #tpu.memory_space<vmem>>, vector<16xi32>,
    %add3A_788 = arith.constant 64 : i32
    %add3A_789 = vector.broadcast %add3A_788 : i32 to vector<16xi32>
    %add3A_790 = arith.addi %add3A_789, %iota3A : vector<16xi32>
    %gather3A_791 = tpu.vector_load_idx %arg10[%add3A_790, %add3A_763] : memref<128x20xi32, #tpu.memory_space<vmem>>[vector<16xi32>, vector<16xi32>], vector<16xi32>,
    %swap3A_792 = arith.constant 64 : index
    %swap3A_793 = tpu.vector_load %arg8[%swap3A_792] {strides = array<i32>} : memref<128xi32, #tpu.memory_space<vmem>>, vector<16xi32>,
    tpu.vector_store %arg8[%swap3A_792], %gather3A_791 {strides = array<i32>} : memref<128xi32, #tpu.memory_space<vmem>>, vector<16xi32>,
    %add3A_794 = arith.constant 80 : i32
    %add3A_795 = vector.broadcast %add3A_794 : i32 to vector<16xi32>
    %add3A_796 = arith.addi %add3A_795, %iota3A : vector<16xi32>
    %gather3A_797 = tpu.vector_load_idx %arg10[%add3A_796, %add3A_763] : memref<128x20xi32, #tpu.memory_space<vmem>>[vector<16xi32>, vector<16xi32>], vector<16xi32>,
    %swap3A_798 = arith.constant 80 : index
    %swap3A_799 = tpu.vector_load %arg8[%swap3A_798] {strides = array<i32>} : memref<128xi32, #tpu.memory_space<vmem>>, vector<16xi32>,
    tpu.vector_store %arg8[%swap3A_798], %gather3A_797 {strides = array<i32>} : memref<128xi32, #tpu.memory_space<vmem>>, vector<16xi32>,
    %add3A_800 = arith.constant 96 : i32
    %add3A_801 = vector.broadcast %add3A_800 : i32 to vector<16xi32>
    %add3A_802 = arith.addi %add3A_801, %iota3A : vector<16xi32>
    %gather3A_803 = tpu.vector_load_idx %arg10[%add3A_802, %add3A_763] : memref<128x20xi32, #tpu.memory_space<vmem>>[vector<16xi32>, vector<16xi32>], vector<16xi32>,
    %swap3A_804 = arith.constant 96 : index
    %swap3A_805 = tpu.vector_load %arg8[%swap3A_804] {strides = array<i32>} : memref<128xi32, #tpu.memory_space<vmem>>, vector<16xi32>,
    tpu.vector_store %arg8[%swap3A_804], %gather3A_803 {strides = array<i32>} : memref<128xi32, #tpu.memory_space<vmem>>, vector<16xi32>,
    %add3A_806 = arith.constant 112 : i32
    %add3A_807 = vector.broadcast %add3A_806 : i32 to vector<16xi32>
    %add3A_808 = arith.addi %add3A_807, %iota3A : vector<16xi32>
    %gather3A_809 = tpu.vector_load_idx %arg10[%add3A_808, %add3A_763] : memref<128x20xi32, #tpu.memory_space<vmem>>[vector<16xi32>, vector<16xi32>], vector<16xi32>,
    %swap3A_810 = arith.constant 112 : index
    %swap3A_811 = tpu.vector_load %arg8[%swap3A_810] {strides = array<i32>} : memref<128xi32, #tpu.memory_space<vmem>>, vector<16xi32>,
    tpu.vector_store %arg8[%swap3A_810], %gather3A_809 {strides = array<i32>} : memref<128xi32, #tpu.memory_space<vmem>>, vector<16xi32>,
    %dma_start3A_812 = arith.constant 0 : i32
    %dma_start3A_813 = arith.constant 0 : i32
    %dma_start3A_814 = tpu.memref_slice %arg3[%dma_start3A_812, %dma_start3A_813] : memref<1015808x128xf32, #tpu.memory_space<hbm>> -> memref<1015808x128xf32, #tpu.memory_space<hbm>>
    tpu.enqueue_indirect_dma source(%dma_start3A_814 : memref<1015808x128xf32, #tpu.memory_space<hbm>>) target(%arg12 : memref<128x128xf32, #tpu.memory_space<vmem>>) offsets(%arg8 : memref<128xi32, #tpu.memory_space<vmem>>) semaphore(%arg15 : memref<!tpu.dma_semaphore, #tpu.memory_space<semaphore_mem>>)
    %dma_wait3A_815 = arith.constant 0 : i32
    %dma_wait3A_816 = arith.constant 0 : i32
    %dma_wait3A_817 = tpu.memref_slice %arg3[%dma_wait3A_815, %dma_wait3A_816] : memref<1015808x128xf32, #tpu.memory_space<hbm>> -> memref<1015808x128xf32, #tpu.memory_space<hbm>>
    tpu.wait_indirect_dma semaphore(%arg14 : memref<!tpu.dma_semaphore, #tpu.memory_space<semaphore_mem>>) src(%dma_wait3A_817 : memref<1015808x128xf32, #tpu.memory_space<hbm>>) dst(%arg11 : memref<128x128xf32, #tpu.memory_space<vmem>>)
    "tpu.region"() ({
      %run_scoped3A = tpu.sem_alloc : memref<!tpu.dma_semaphore, #tpu.memory_space<semaphore_mem>>
      %dma_start3A_1234 = arith.constant 0 : i32
      %dma_start3A_1235 = arith.constant 0 : i32
      %dma_start3A_1236 = tpu.memref_slice %arg13[%dma_start3A_1234, %dma_start3A_1235] : memref<2048x128xf32, #tpu.memory_space<vmem_shared>> -> memref<2048x128xf32, #tpu.memory_space<vmem_shared>>
      tpu.enqueue_indirect_dma source(%arg11 : memref<128x128xf32, #tpu.memory_space<vmem>>) target(%dma_start3A_1236 : memref<2048x128xf32, #tpu.memory_space<vmem_shared>>) offsets(%arg9 : memref<128xi32, #tpu.memory_space<vmem>>) semaphore(%run_scoped3A : memref<!tpu.dma_semaphore, #tpu.memory_space<semaphore_mem>>) {add = true}
      %dma_wait3A_1237 = arith.constant 0 : i32
      %dma_wait3A_1238 = arith.constant 0 : i32
      %dma_wait3A_1239 = tpu.memref_slice %arg13[%dma_wait3A_1237, %dma_wait3A_1238] : memref<2048x128xf32, #tpu.memory_space<vmem_shared>> -> memref<2048x128xf32, #tpu.memory_space<vmem_shared>>
      tpu.wait_indirect_dma semaphore(%run_scoped3A : memref<!tpu.dma_semaphore, #tpu.memory_space<semaphore_mem>>) src(%arg11 : memref<128x128xf32, #tpu.memory_space<vmem>>) dst(%dma_wait3A_1239 : memref<2048x128xf32, #tpu.memory_space<vmem_shared>>)
      tpu.yield
    }) : () -> ()
    %broadcast_in_dim3A_818 = arith.constant 0 : i32
    %broadcast_in_dim3A_819 = vector.broadcast %broadcast_in_dim3A_818 : i32 to vector<16xi32>
    %add3A_820 = arith.constant 13 : i32
    %add3A_821 = vector.broadcast %add3A_820 : i32 to vector<16xi32>
    %add3A_822 = arith.addi %broadcast_in_dim3A_819, %add3A_821 : vector<16xi32>
    %add3A_823 = arith.constant 0 : i32
    %add3A_824 = vector.broadcast %add3A_823 : i32 to vector<16xi32>
    %add3A_825 = arith.addi %add3A_824, %iota3A : vector<16xi32>
    %gather3A_826 = tpu.vector_load_idx %arg10[%add3A_825, %add3A_822] : memref<128x20xi32, #tpu.memory_space<vmem>>[vector<16xi32>, vector<16xi32>], vector<16xi32>,
    %swap3A_827 = arith.constant 0 : index
    %swap3A_828 = tpu.vector_load %arg7[%swap3A_827] {strides = array<i32>} : memref<128xi32, #tpu.memory_space<vmem>>, vector<16xi32>,
    tpu.vector_store %arg7[%swap3A_827], %gather3A_826 {strides = array<i32>} : memref<128xi32, #tpu.memory_space<vmem>>, vector<16xi32>,
    %add3A_829 = arith.constant 16 : i32
    %add3A_830 = vector.broadcast %add3A_829 : i32 to vector<16xi32>
    %add3A_831 = arith.addi %add3A_830, %iota3A : vector<16xi32>
    %gather3A_832 = tpu.vector_load_idx %arg10[%add3A_831, %add3A_822] : memref<128x20xi32, #tpu.memory_space<vmem>>[vector<16xi32>, vector<16xi32>], vector<16xi32>,
    %swap3A_833 = arith.constant 16 : index
    %swap3A_834 = tpu.vector_load %arg7[%swap3A_833] {strides = array<i32>} : memref<128xi32, #tpu.memory_space<vmem>>, vector<16xi32>,
    tpu.vector_store %arg7[%swap3A_833], %gather3A_832 {strides = array<i32>} : memref<128xi32, #tpu.memory_space<vmem>>, vector<16xi32>,
    %add3A_835 = arith.constant 32 : i32
    %add3A_836 = vector.broadcast %add3A_835 : i32 to vector<16xi32>
    %add3A_837 = arith.addi %add3A_836, %iota3A : vector<16xi32>
    %gather3A_838 = tpu.vector_load_idx %arg10[%add3A_837, %add3A_822] : memref<128x20xi32, #tpu.memory_space<vmem>>[vector<16xi32>, vector<16xi32>], vector<16xi32>,
    %swap3A_839 = arith.constant 32 : index
    %swap3A_840 = tpu.vector_load %arg7[%swap3A_839] {strides = array<i32>} : memref<128xi32, #tpu.memory_space<vmem>>, vector<16xi32>,
    tpu.vector_store %arg7[%swap3A_839], %gather3A_838 {strides = array<i32>} : memref<128xi32, #tpu.memory_space<vmem>>, vector<16xi32>,
    %add3A_841 = arith.constant 48 : i32
    %add3A_842 = vector.broadcast %add3A_841 : i32 to vector<16xi32>
    %add3A_843 = arith.addi %add3A_842, %iota3A : vector<16xi32>
    %gather3A_844 = tpu.vector_load_idx %arg10[%add3A_843, %add3A_822] : memref<128x20xi32, #tpu.memory_space<vmem>>[vector<16xi32>, vector<16xi32>], vector<16xi32>,
    %swap3A_845 = arith.constant 48 : index
    %swap3A_846 = tpu.vector_load %arg7[%swap3A_845] {strides = array<i32>} : memref<128xi32, #tpu.memory_space<vmem>>, vector<16xi32>,
    tpu.vector_store %arg7[%swap3A_845], %gather3A_844 {strides = array<i32>} : memref<128xi32, #tpu.memory_space<vmem>>, vector<16xi32>,
    %add3A_847 = arith.constant 64 : i32
    %add3A_848 = vector.broadcast %add3A_847 : i32 to vector<16xi32>
    %add3A_849 = arith.addi %add3A_848, %iota3A : vector<16xi32>
    %gather3A_850 = tpu.vector_load_idx %arg10[%add3A_849, %add3A_822] : memref<128x20xi32, #tpu.memory_space<vmem>>[vector<16xi32>, vector<16xi32>], vector<16xi32>,
    %swap3A_851 = arith.constant 64 : index
    %swap3A_852 = tpu.vector_load %arg7[%swap3A_851] {strides = array<i32>} : memref<128xi32, #tpu.memory_space<vmem>>, vector<16xi32>,
    tpu.vector_store %arg7[%swap3A_851], %gather3A_850 {strides = array<i32>} : memref<128xi32, #tpu.memory_space<vmem>>, vector<16xi32>,
    %add3A_853 = arith.constant 80 : i32
    %add3A_854 = vector.broadcast %add3A_853 : i32 to vector<16xi32>
    %add3A_855 = arith.addi %add3A_854, %iota3A : vector<16xi32>
    %gather3A_856 = tpu.vector_load_idx %arg10[%add3A_855, %add3A_822] : memref<128x20xi32, #tpu.memory_space<vmem>>[vector<16xi32>, vector<16xi32>], vector<16xi32>,
    %swap3A_857 = arith.constant 80 : index
    %swap3A_858 = tpu.vector_load %arg7[%swap3A_857] {strides = array<i32>} : memref<128xi32, #tpu.memory_space<vmem>>, vector<16xi32>,
    tpu.vector_store %arg7[%swap3A_857], %gather3A_856 {strides = array<i32>} : memref<128xi32, #tpu.memory_space<vmem>>, vector<16xi32>,
    %add3A_859 = arith.constant 96 : i32
    %add3A_860 = vector.broadcast %add3A_859 : i32 to vector<16xi32>
    %add3A_861 = arith.addi %add3A_860, %iota3A : vector<16xi32>
    %gather3A_862 = tpu.vector_load_idx %arg10[%add3A_861, %add3A_822] : memref<128x20xi32, #tpu.memory_space<vmem>>[vector<16xi32>, vector<16xi32>], vector<16xi32>,
    %swap3A_863 = arith.constant 96 : index
    %swap3A_864 = tpu.vector_load %arg7[%swap3A_863] {strides = array<i32>} : memref<128xi32, #tpu.memory_space<vmem>>, vector<16xi32>,
    tpu.vector_store %arg7[%swap3A_863], %gather3A_862 {strides = array<i32>} : memref<128xi32, #tpu.memory_space<vmem>>, vector<16xi32>,
    %add3A_865 = arith.constant 112 : i32
    %add3A_866 = vector.broadcast %add3A_865 : i32 to vector<16xi32>
    %add3A_867 = arith.addi %add3A_866, %iota3A : vector<16xi32>
    %gather3A_868 = tpu.vector_load_idx %arg10[%add3A_867, %add3A_822] : memref<128x20xi32, #tpu.memory_space<vmem>>[vector<16xi32>, vector<16xi32>], vector<16xi32>,
    %swap3A_869 = arith.constant 112 : index
    %swap3A_870 = tpu.vector_load %arg7[%swap3A_869] {strides = array<i32>} : memref<128xi32, #tpu.memory_space<vmem>>, vector<16xi32>,
    tpu.vector_store %arg7[%swap3A_869], %gather3A_868 {strides = array<i32>} : memref<128xi32, #tpu.memory_space<vmem>>, vector<16xi32>,
    %dma_start3A_871 = arith.constant 0 : i32
    %dma_start3A_872 = arith.constant 0 : i32
    %dma_start3A_873 = tpu.memref_slice %arg3[%dma_start3A_871, %dma_start3A_872] : memref<1015808x128xf32, #tpu.memory_space<hbm>> -> memref<1015808x128xf32, #tpu.memory_space<hbm>>
    tpu.enqueue_indirect_dma source(%dma_start3A_873 : memref<1015808x128xf32, #tpu.memory_space<hbm>>) target(%arg11 : memref<128x128xf32, #tpu.memory_space<vmem>>) offsets(%arg7 : memref<128xi32, #tpu.memory_space<vmem>>) semaphore(%arg14 : memref<!tpu.dma_semaphore, #tpu.memory_space<semaphore_mem>>)
    %dma_wait3A_874 = arith.constant 0 : i32
    %dma_wait3A_875 = arith.constant 0 : i32
    %dma_wait3A_876 = tpu.memref_slice %arg3[%dma_wait3A_874, %dma_wait3A_875] : memref<1015808x128xf32, #tpu.memory_space<hbm>> -> memref<1015808x128xf32, #tpu.memory_space<hbm>>
    tpu.wait_indirect_dma semaphore(%arg15 : memref<!tpu.dma_semaphore, #tpu.memory_space<semaphore_mem>>) src(%dma_wait3A_876 : memref<1015808x128xf32, #tpu.memory_space<hbm>>) dst(%arg12 : memref<128x128xf32, #tpu.memory_space<vmem>>)
    "tpu.region"() ({
      %run_scoped3A = tpu.sem_alloc : memref<!tpu.dma_semaphore, #tpu.memory_space<semaphore_mem>>
      %dma_start3A_1234 = arith.constant 0 : i32
      %dma_start3A_1235 = arith.constant 0 : i32
      %dma_start3A_1236 = tpu.memref_slice %arg13[%dma_start3A_1234, %dma_start3A_1235] : memref<2048x128xf32, #tpu.memory_space<vmem_shared>> -> memref<2048x128xf32, #tpu.memory_space<vmem_shared>>
      tpu.enqueue_indirect_dma source(%arg12 : memref<128x128xf32, #tpu.memory_space<vmem>>) target(%dma_start3A_1236 : memref<2048x128xf32, #tpu.memory_space<vmem_shared>>) offsets(%arg9 : memref<128xi32, #tpu.memory_space<vmem>>) semaphore(%run_scoped3A : memref<!tpu.dma_semaphore, #tpu.memory_space<semaphore_mem>>) {add = true}
      %dma_wait3A_1237 = arith.constant 0 : i32
      %dma_wait3A_1238 = arith.constant 0 : i32
      %dma_wait3A_1239 = tpu.memref_slice %arg13[%dma_wait3A_1237, %dma_wait3A_1238] : memref<2048x128xf32, #tpu.memory_space<vmem_shared>> -> memref<2048x128xf32, #tpu.memory_space<vmem_shared>>
      tpu.wait_indirect_dma semaphore(%run_scoped3A : memref<!tpu.dma_semaphore, #tpu.memory_space<semaphore_mem>>) src(%arg12 : memref<128x128xf32, #tpu.memory_space<vmem>>) dst(%dma_wait3A_1239 : memref<2048x128xf32, #tpu.memory_space<vmem_shared>>)
      tpu.yield
    }) : () -> ()
    %broadcast_in_dim3A_877 = arith.constant 0 : i32
    %broadcast_in_dim3A_878 = vector.broadcast %broadcast_in_dim3A_877 : i32 to vector<16xi32>
    %add3A_879 = arith.constant 14 : i32
    %add3A_880 = vector.broadcast %add3A_879 : i32 to vector<16xi32>
    %add3A_881 = arith.addi %broadcast_in_dim3A_878, %add3A_880 : vector<16xi32>
    %add3A_882 = arith.constant 0 : i32
    %add3A_883 = vector.broadcast %add3A_882 : i32 to vector<16xi32>
    %add3A_884 = arith.addi %add3A_883, %iota3A : vector<16xi32>
    %gather3A_885 = tpu.vector_load_idx %arg10[%add3A_884, %add3A_881] : memref<128x20xi32, #tpu.memory_space<vmem>>[vector<16xi32>, vector<16xi32>], vector<16xi32>,
    %swap3A_886 = arith.constant 0 : index
    %swap3A_887 = tpu.vector_load %arg8[%swap3A_886] {strides = array<i32>} : memref<128xi32, #tpu.memory_space<vmem>>, vector<16xi32>,
    tpu.vector_store %arg8[%swap3A_886], %gather3A_885 {strides = array<i32>} : memref<128xi32, #tpu.memory_space<vmem>>, vector<16xi32>,
    %add3A_888 = arith.constant 16 : i32
    %add3A_889 = vector.broadcast %add3A_888 : i32 to vector<16xi32>
    %add3A_890 = arith.addi %add3A_889, %iota3A : vector<16xi32>
    %gather3A_891 = tpu.vector_load_idx %arg10[%add3A_890, %add3A_881] : memref<128x20xi32, #tpu.memory_space<vmem>>[vector<16xi32>, vector<16xi32>], vector<16xi32>,
    %swap3A_892 = arith.constant 16 : index
    %swap3A_893 = tpu.vector_load %arg8[%swap3A_892] {strides = array<i32>} : memref<128xi32, #tpu.memory_space<vmem>>, vector<16xi32>,
    tpu.vector_store %arg8[%swap3A_892], %gather3A_891 {strides = array<i32>} : memref<128xi32, #tpu.memory_space<vmem>>, vector<16xi32>,
    %add3A_894 = arith.constant 32 : i32
    %add3A_895 = vector.broadcast %add3A_894 : i32 to vector<16xi32>
    %add3A_896 = arith.addi %add3A_895, %iota3A : vector<16xi32>
    %gather3A_897 = tpu.vector_load_idx %arg10[%add3A_896, %add3A_881] : memref<128x20xi32, #tpu.memory_space<vmem>>[vector<16xi32>, vector<16xi32>], vector<16xi32>,
    %swap3A_898 = arith.constant 32 : index
    %swap3A_899 = tpu.vector_load %arg8[%swap3A_898] {strides = array<i32>} : memref<128xi32, #tpu.memory_space<vmem>>, vector<16xi32>,
    tpu.vector_store %arg8[%swap3A_898], %gather3A_897 {strides = array<i32>} : memref<128xi32, #tpu.memory_space<vmem>>, vector<16xi32>,
    %add3A_900 = arith.constant 48 : i32
    %add3A_901 = vector.broadcast %add3A_900 : i32 to vector<16xi32>
    %add3A_902 = arith.addi %add3A_901, %iota3A : vector<16xi32>
    %gather3A_903 = tpu.vector_load_idx %arg10[%add3A_902, %add3A_881] : memref<128x20xi32, #tpu.memory_space<vmem>>[vector<16xi32>, vector<16xi32>], vector<16xi32>,
    %swap3A_904 = arith.constant 48 : index
    %swap3A_905 = tpu.vector_load %arg8[%swap3A_904] {strides = array<i32>} : memref<128xi32, #tpu.memory_space<vmem>>, vector<16xi32>,
    tpu.vector_store %arg8[%swap3A_904], %gather3A_903 {strides = array<i32>} : memref<128xi32, #tpu.memory_space<vmem>>, vector<16xi32>,
    %add3A_906 = arith.constant 64 : i32
    %add3A_907 = vector.broadcast %add3A_906 : i32 to vector<16xi32>
    %add3A_908 = arith.addi %add3A_907, %iota3A : vector<16xi32>
    %gather3A_909 = tpu.vector_load_idx %arg10[%add3A_908, %add3A_881] : memref<128x20xi32, #tpu.memory_space<vmem>>[vector<16xi32>, vector<16xi32>], vector<16xi32>,
    %swap3A_910 = arith.constant 64 : index
    %swap3A_911 = tpu.vector_load %arg8[%swap3A_910] {strides = array<i32>} : memref<128xi32, #tpu.memory_space<vmem>>, vector<16xi32>,
    tpu.vector_store %arg8[%swap3A_910], %gather3A_909 {strides = array<i32>} : memref<128xi32, #tpu.memory_space<vmem>>, vector<16xi32>,
    %add3A_912 = arith.constant 80 : i32
    %add3A_913 = vector.broadcast %add3A_912 : i32 to vector<16xi32>
    %add3A_914 = arith.addi %add3A_913, %iota3A : vector<16xi32>
    %gather3A_915 = tpu.vector_load_idx %arg10[%add3A_914, %add3A_881] : memref<128x20xi32, #tpu.memory_space<vmem>>[vector<16xi32>, vector<16xi32>], vector<16xi32>,
    %swap3A_916 = arith.constant 80 : index
    %swap3A_917 = tpu.vector_load %arg8[%swap3A_916] {strides = array<i32>} : memref<128xi32, #tpu.memory_space<vmem>>, vector<16xi32>,
    tpu.vector_store %arg8[%swap3A_916], %gather3A_915 {strides = array<i32>} : memref<128xi32, #tpu.memory_space<vmem>>, vector<16xi32>,
    %add3A_918 = arith.constant 96 : i32
    %add3A_919 = vector.broadcast %add3A_918 : i32 to vector<16xi32>
    %add3A_920 = arith.addi %add3A_919, %iota3A : vector<16xi32>
    %gather3A_921 = tpu.vector_load_idx %arg10[%add3A_920, %add3A_881] : memref<128x20xi32, #tpu.memory_space<vmem>>[vector<16xi32>, vector<16xi32>], vector<16xi32>,
    %swap3A_922 = arith.constant 96 : index
    %swap3A_923 = tpu.vector_load %arg8[%swap3A_922] {strides = array<i32>} : memref<128xi32, #tpu.memory_space<vmem>>, vector<16xi32>,
    tpu.vector_store %arg8[%swap3A_922], %gather3A_921 {strides = array<i32>} : memref<128xi32, #tpu.memory_space<vmem>>, vector<16xi32>,
    %add3A_924 = arith.constant 112 : i32
    %add3A_925 = vector.broadcast %add3A_924 : i32 to vector<16xi32>
    %add3A_926 = arith.addi %add3A_925, %iota3A : vector<16xi32>
    %gather3A_927 = tpu.vector_load_idx %arg10[%add3A_926, %add3A_881] : memref<128x20xi32, #tpu.memory_space<vmem>>[vector<16xi32>, vector<16xi32>], vector<16xi32>,
    %swap3A_928 = arith.constant 112 : index
    %swap3A_929 = tpu.vector_load %arg8[%swap3A_928] {strides = array<i32>} : memref<128xi32, #tpu.memory_space<vmem>>, vector<16xi32>,
    tpu.vector_store %arg8[%swap3A_928], %gather3A_927 {strides = array<i32>} : memref<128xi32, #tpu.memory_space<vmem>>, vector<16xi32>,
    %dma_start3A_930 = arith.constant 0 : i32
    %dma_start3A_931 = arith.constant 0 : i32
    %dma_start3A_932 = tpu.memref_slice %arg3[%dma_start3A_930, %dma_start3A_931] : memref<1015808x128xf32, #tpu.memory_space<hbm>> -> memref<1015808x128xf32, #tpu.memory_space<hbm>>
    tpu.enqueue_indirect_dma source(%dma_start3A_932 : memref<1015808x128xf32, #tpu.memory_space<hbm>>) target(%arg12 : memref<128x128xf32, #tpu.memory_space<vmem>>) offsets(%arg8 : memref<128xi32, #tpu.memory_space<vmem>>) semaphore(%arg15 : memref<!tpu.dma_semaphore, #tpu.memory_space<semaphore_mem>>)
    %dma_wait3A_933 = arith.constant 0 : i32
    %dma_wait3A_934 = arith.constant 0 : i32
    %dma_wait3A_935 = tpu.memref_slice %arg3[%dma_wait3A_933, %dma_wait3A_934] : memref<1015808x128xf32, #tpu.memory_space<hbm>> -> memref<1015808x128xf32, #tpu.memory_space<hbm>>
    tpu.wait_indirect_dma semaphore(%arg14 : memref<!tpu.dma_semaphore, #tpu.memory_space<semaphore_mem>>) src(%dma_wait3A_935 : memref<1015808x128xf32, #tpu.memory_space<hbm>>) dst(%arg11 : memref<128x128xf32, #tpu.memory_space<vmem>>)
    "tpu.region"() ({
      %run_scoped3A = tpu.sem_alloc : memref<!tpu.dma_semaphore, #tpu.memory_space<semaphore_mem>>
      %dma_start3A_1234 = arith.constant 0 : i32
      %dma_start3A_1235 = arith.constant 0 : i32
      %dma_start3A_1236 = tpu.memref_slice %arg13[%dma_start3A_1234, %dma_start3A_1235] : memref<2048x128xf32, #tpu.memory_space<vmem_shared>> -> memref<2048x128xf32, #tpu.memory_space<vmem_shared>>
      tpu.enqueue_indirect_dma source(%arg11 : memref<128x128xf32, #tpu.memory_space<vmem>>) target(%dma_start3A_1236 : memref<2048x128xf32, #tpu.memory_space<vmem_shared>>) offsets(%arg9 : memref<128xi32, #tpu.memory_space<vmem>>) semaphore(%run_scoped3A : memref<!tpu.dma_semaphore, #tpu.memory_space<semaphore_mem>>) {add = true}
      %dma_wait3A_1237 = arith.constant 0 : i32
      %dma_wait3A_1238 = arith.constant 0 : i32
      %dma_wait3A_1239 = tpu.memref_slice %arg13[%dma_wait3A_1237, %dma_wait3A_1238] : memref<2048x128xf32, #tpu.memory_space<vmem_shared>> -> memref<2048x128xf32, #tpu.memory_space<vmem_shared>>
      tpu.wait_indirect_dma semaphore(%run_scoped3A : memref<!tpu.dma_semaphore, #tpu.memory_space<semaphore_mem>>) src(%arg11 : memref<128x128xf32, #tpu.memory_space<vmem>>) dst(%dma_wait3A_1239 : memref<2048x128xf32, #tpu.memory_space<vmem_shared>>)
      tpu.yield
    }) : () -> ()
    %broadcast_in_dim3A_936 = arith.constant 0 : i32
    %broadcast_in_dim3A_937 = vector.broadcast %broadcast_in_dim3A_936 : i32 to vector<16xi32>
    %add3A_938 = arith.constant 15 : i32
    %add3A_939 = vector.broadcast %add3A_938 : i32 to vector<16xi32>
    %add3A_940 = arith.addi %broadcast_in_dim3A_937, %add3A_939 : vector<16xi32>
    %add3A_941 = arith.constant 0 : i32
    %add3A_942 = vector.broadcast %add3A_941 : i32 to vector<16xi32>
    %add3A_943 = arith.addi %add3A_942, %iota3A : vector<16xi32>
    %gather3A_944 = tpu.vector_load_idx %arg10[%add3A_943, %add3A_940] : memref<128x20xi32, #tpu.memory_space<vmem>>[vector<16xi32>, vector<16xi32>], vector<16xi32>,
    %swap3A_945 = arith.constant 0 : index
    %swap3A_946 = tpu.vector_load %arg7[%swap3A_945] {strides = array<i32>} : memref<128xi32, #tpu.memory_space<vmem>>, vector<16xi32>,
    tpu.vector_store %arg7[%swap3A_945], %gather3A_944 {strides = array<i32>} : memref<128xi32, #tpu.memory_space<vmem>>, vector<16xi32>,
    %add3A_947 = arith.constant 16 : i32
    %add3A_948 = vector.broadcast %add3A_947 : i32 to vector<16xi32>
    %add3A_949 = arith.addi %add3A_948, %iota3A : vector<16xi32>
    %gather3A_950 = tpu.vector_load_idx %arg10[%add3A_949, %add3A_940] : memref<128x20xi32, #tpu.memory_space<vmem>>[vector<16xi32>, vector<16xi32>], vector<16xi32>,
    %swap3A_951 = arith.constant 16 : index
    %swap3A_952 = tpu.vector_load %arg7[%swap3A_951] {strides = array<i32>} : memref<128xi32, #tpu.memory_space<vmem>>, vector<16xi32>,
    tpu.vector_store %arg7[%swap3A_951], %gather3A_950 {strides = array<i32>} : memref<128xi32, #tpu.memory_space<vmem>>, vector<16xi32>,
    %add3A_953 = arith.constant 32 : i32
    %add3A_954 = vector.broadcast %add3A_953 : i32 to vector<16xi32>
    %add3A_955 = arith.addi %add3A_954, %iota3A : vector<16xi32>
    %gather3A_956 = tpu.vector_load_idx %arg10[%add3A_955, %add3A_940] : memref<128x20xi32, #tpu.memory_space<vmem>>[vector<16xi32>, vector<16xi32>], vector<16xi32>,
    %swap3A_957 = arith.constant 32 : index
    %swap3A_958 = tpu.vector_load %arg7[%swap3A_957] {strides = array<i32>} : memref<128xi32, #tpu.memory_space<vmem>>, vector<16xi32>,
    tpu.vector_store %arg7[%swap3A_957], %gather3A_956 {strides = array<i32>} : memref<128xi32, #tpu.memory_space<vmem>>, vector<16xi32>,
    %add3A_959 = arith.constant 48 : i32
    %add3A_960 = vector.broadcast %add3A_959 : i32 to vector<16xi32>
    %add3A_961 = arith.addi %add3A_960, %iota3A : vector<16xi32>
    %gather3A_962 = tpu.vector_load_idx %arg10[%add3A_961, %add3A_940] : memref<128x20xi32, #tpu.memory_space<vmem>>[vector<16xi32>, vector<16xi32>], vector<16xi32>,
    %swap3A_963 = arith.constant 48 : index
    %swap3A_964 = tpu.vector_load %arg7[%swap3A_963] {strides = array<i32>} : memref<128xi32, #tpu.memory_space<vmem>>, vector<16xi32>,
    tpu.vector_store %arg7[%swap3A_963], %gather3A_962 {strides = array<i32>} : memref<128xi32, #tpu.memory_space<vmem>>, vector<16xi32>,
    %add3A_965 = arith.constant 64 : i32
    %add3A_966 = vector.broadcast %add3A_965 : i32 to vector<16xi32>
    %add3A_967 = arith.addi %add3A_966, %iota3A : vector<16xi32>
    %gather3A_968 = tpu.vector_load_idx %arg10[%add3A_967, %add3A_940] : memref<128x20xi32, #tpu.memory_space<vmem>>[vector<16xi32>, vector<16xi32>], vector<16xi32>,
    %swap3A_969 = arith.constant 64 : index
    %swap3A_970 = tpu.vector_load %arg7[%swap3A_969] {strides = array<i32>} : memref<128xi32, #tpu.memory_space<vmem>>, vector<16xi32>,
    tpu.vector_store %arg7[%swap3A_969], %gather3A_968 {strides = array<i32>} : memref<128xi32, #tpu.memory_space<vmem>>, vector<16xi32>,
    %add3A_971 = arith.constant 80 : i32
    %add3A_972 = vector.broadcast %add3A_971 : i32 to vector<16xi32>
    %add3A_973 = arith.addi %add3A_972, %iota3A : vector<16xi32>
    %gather3A_974 = tpu.vector_load_idx %arg10[%add3A_973, %add3A_940] : memref<128x20xi32, #tpu.memory_space<vmem>>[vector<16xi32>, vector<16xi32>], vector<16xi32>,
    %swap3A_975 = arith.constant 80 : index
    %swap3A_976 = tpu.vector_load %arg7[%swap3A_975] {strides = array<i32>} : memref<128xi32, #tpu.memory_space<vmem>>, vector<16xi32>,
    tpu.vector_store %arg7[%swap3A_975], %gather3A_974 {strides = array<i32>} : memref<128xi32, #tpu.memory_space<vmem>>, vector<16xi32>,
    %add3A_977 = arith.constant 96 : i32
    %add3A_978 = vector.broadcast %add3A_977 : i32 to vector<16xi32>
    %add3A_979 = arith.addi %add3A_978, %iota3A : vector<16xi32>
    %gather3A_980 = tpu.vector_load_idx %arg10[%add3A_979, %add3A_940] : memref<128x20xi32, #tpu.memory_space<vmem>>[vector<16xi32>, vector<16xi32>], vector<16xi32>,
    %swap3A_981 = arith.constant 96 : index
    %swap3A_982 = tpu.vector_load %arg7[%swap3A_981] {strides = array<i32>} : memref<128xi32, #tpu.memory_space<vmem>>, vector<16xi32>,
    tpu.vector_store %arg7[%swap3A_981], %gather3A_980 {strides = array<i32>} : memref<128xi32, #tpu.memory_space<vmem>>, vector<16xi32>,
    %add3A_983 = arith.constant 112 : i32
    %add3A_984 = vector.broadcast %add3A_983 : i32 to vector<16xi32>
    %add3A_985 = arith.addi %add3A_984, %iota3A : vector<16xi32>
    %gather3A_986 = tpu.vector_load_idx %arg10[%add3A_985, %add3A_940] : memref<128x20xi32, #tpu.memory_space<vmem>>[vector<16xi32>, vector<16xi32>], vector<16xi32>,
    %swap3A_987 = arith.constant 112 : index
    %swap3A_988 = tpu.vector_load %arg7[%swap3A_987] {strides = array<i32>} : memref<128xi32, #tpu.memory_space<vmem>>, vector<16xi32>,
    tpu.vector_store %arg7[%swap3A_987], %gather3A_986 {strides = array<i32>} : memref<128xi32, #tpu.memory_space<vmem>>, vector<16xi32>,
    %dma_start3A_989 = arith.constant 0 : i32
    %dma_start3A_990 = arith.constant 0 : i32
    %dma_start3A_991 = tpu.memref_slice %arg3[%dma_start3A_989, %dma_start3A_990] : memref<1015808x128xf32, #tpu.memory_space<hbm>> -> memref<1015808x128xf32, #tpu.memory_space<hbm>>
    tpu.enqueue_indirect_dma source(%dma_start3A_991 : memref<1015808x128xf32, #tpu.memory_space<hbm>>) target(%arg11 : memref<128x128xf32, #tpu.memory_space<vmem>>) offsets(%arg7 : memref<128xi32, #tpu.memory_space<vmem>>) semaphore(%arg14 : memref<!tpu.dma_semaphore, #tpu.memory_space<semaphore_mem>>)
    %dma_wait3A_992 = arith.constant 0 : i32
    %dma_wait3A_993 = arith.constant 0 : i32
    %dma_wait3A_994 = tpu.memref_slice %arg3[%dma_wait3A_992, %dma_wait3A_993] : memref<1015808x128xf32, #tpu.memory_space<hbm>> -> memref<1015808x128xf32, #tpu.memory_space<hbm>>
    tpu.wait_indirect_dma semaphore(%arg15 : memref<!tpu.dma_semaphore, #tpu.memory_space<semaphore_mem>>) src(%dma_wait3A_994 : memref<1015808x128xf32, #tpu.memory_space<hbm>>) dst(%arg12 : memref<128x128xf32, #tpu.memory_space<vmem>>)
    "tpu.region"() ({
      %run_scoped3A = tpu.sem_alloc : memref<!tpu.dma_semaphore, #tpu.memory_space<semaphore_mem>>
      %dma_start3A_1234 = arith.constant 0 : i32
      %dma_start3A_1235 = arith.constant 0 : i32
      %dma_start3A_1236 = tpu.memref_slice %arg13[%dma_start3A_1234, %dma_start3A_1235] : memref<2048x128xf32, #tpu.memory_space<vmem_shared>> -> memref<2048x128xf32, #tpu.memory_space<vmem_shared>>
      tpu.enqueue_indirect_dma source(%arg12 : memref<128x128xf32, #tpu.memory_space<vmem>>) target(%dma_start3A_1236 : memref<2048x128xf32, #tpu.memory_space<vmem_shared>>) offsets(%arg9 : memref<128xi32, #tpu.memory_space<vmem>>) semaphore(%run_scoped3A : memref<!tpu.dma_semaphore, #tpu.memory_space<semaphore_mem>>) {add = true}
      %dma_wait3A_1237 = arith.constant 0 : i32
      %dma_wait3A_1238 = arith.constant 0 : i32
      %dma_wait3A_1239 = tpu.memref_slice %arg13[%dma_wait3A_1237, %dma_wait3A_1238] : memref<2048x128xf32, #tpu.memory_space<vmem_shared>> -> memref<2048x128xf32, #tpu.memory_space<vmem_shared>>
      tpu.wait_indirect_dma semaphore(%run_scoped3A : memref<!tpu.dma_semaphore, #tpu.memory_space<semaphore_mem>>) src(%arg12 : memref<128x128xf32, #tpu.memory_space<vmem>>) dst(%dma_wait3A_1239 : memref<2048x128xf32, #tpu.memory_space<vmem_shared>>)
      tpu.yield
    }) : () -> ()
    %broadcast_in_dim3A_995 = arith.constant 0 : i32
    %broadcast_in_dim3A_996 = vector.broadcast %broadcast_in_dim3A_995 : i32 to vector<16xi32>
    %add3A_997 = arith.constant 16 : i32
    %add3A_998 = vector.broadcast %add3A_997 : i32 to vector<16xi32>
    %add3A_999 = arith.addi %broadcast_in_dim3A_996, %add3A_998 : vector<16xi32>
    %add3A_1000 = arith.constant 0 : i32
    %add3A_1001 = vector.broadcast %add3A_1000 : i32 to vector<16xi32>
    %add3A_1002 = arith.addi %add3A_1001, %iota3A : vector<16xi32>
    %gather3A_1003 = tpu.vector_load_idx %arg10[%add3A_1002, %add3A_999] : memref<128x20xi32, #tpu.memory_space<vmem>>[vector<16xi32>, vector<16xi32>], vector<16xi32>,
    %swap3A_1004 = arith.constant 0 : index
    %swap3A_1005 = tpu.vector_load %arg8[%swap3A_1004] {strides = array<i32>} : memref<128xi32, #tpu.memory_space<vmem>>, vector<16xi32>,
    tpu.vector_store %arg8[%swap3A_1004], %gather3A_1003 {strides = array<i32>} : memref<128xi32, #tpu.memory_space<vmem>>, vector<16xi32>,
    %add3A_1006 = arith.constant 16 : i32
    %add3A_1007 = vector.broadcast %add3A_1006 : i32 to vector<16xi32>
    %add3A_1008 = arith.addi %add3A_1007, %iota3A : vector<16xi32>
    %gather3A_1009 = tpu.vector_load_idx %arg10[%add3A_1008, %add3A_999] : memref<128x20xi32, #tpu.memory_space<vmem>>[vector<16xi32>, vector<16xi32>], vector<16xi32>,
    %swap3A_1010 = arith.constant 16 : index
    %swap3A_1011 = tpu.vector_load %arg8[%swap3A_1010] {strides = array<i32>} : memref<128xi32, #tpu.memory_space<vmem>>, vector<16xi32>,
    tpu.vector_store %arg8[%swap3A_1010], %gather3A_1009 {strides = array<i32>} : memref<128xi32, #tpu.memory_space<vmem>>, vector<16xi32>,
    %add3A_1012 = arith.constant 32 : i32
    %add3A_1013 = vector.broadcast %add3A_1012 : i32 to vector<16xi32>
    %add3A_1014 = arith.addi %add3A_1013, %iota3A : vector<16xi32>
    %gather3A_1015 = tpu.vector_load_idx %arg10[%add3A_1014, %add3A_999] : memref<128x20xi32, #tpu.memory_space<vmem>>[vector<16xi32>, vector<16xi32>], vector<16xi32>,
    %swap3A_1016 = arith.constant 32 : index
    %swap3A_1017 = tpu.vector_load %arg8[%swap3A_1016] {strides = array<i32>} : memref<128xi32, #tpu.memory_space<vmem>>, vector<16xi32>,
    tpu.vector_store %arg8[%swap3A_1016], %gather3A_1015 {strides = array<i32>} : memref<128xi32, #tpu.memory_space<vmem>>, vector<16xi32>,
    %add3A_1018 = arith.constant 48 : i32
    %add3A_1019 = vector.broadcast %add3A_1018 : i32 to vector<16xi32>
    %add3A_1020 = arith.addi %add3A_1019, %iota3A : vector<16xi32>
    %gather3A_1021 = tpu.vector_load_idx %arg10[%add3A_1020, %add3A_999] : memref<128x20xi32, #tpu.memory_space<vmem>>[vector<16xi32>, vector<16xi32>], vector<16xi32>,
    %swap3A_1022 = arith.constant 48 : index
    %swap3A_1023 = tpu.vector_load %arg8[%swap3A_1022] {strides = array<i32>} : memref<128xi32, #tpu.memory_space<vmem>>, vector<16xi32>,
    tpu.vector_store %arg8[%swap3A_1022], %gather3A_1021 {strides = array<i32>} : memref<128xi32, #tpu.memory_space<vmem>>, vector<16xi32>,
    %add3A_1024 = arith.constant 64 : i32
    %add3A_1025 = vector.broadcast %add3A_1024 : i32 to vector<16xi32>
    %add3A_1026 = arith.addi %add3A_1025, %iota3A : vector<16xi32>
    %gather3A_1027 = tpu.vector_load_idx %arg10[%add3A_1026, %add3A_999] : memref<128x20xi32, #tpu.memory_space<vmem>>[vector<16xi32>, vector<16xi32>], vector<16xi32>,
    %swap3A_1028 = arith.constant 64 : index
    %swap3A_1029 = tpu.vector_load %arg8[%swap3A_1028] {strides = array<i32>} : memref<128xi32, #tpu.memory_space<vmem>>, vector<16xi32>,
    tpu.vector_store %arg8[%swap3A_1028], %gather3A_1027 {strides = array<i32>} : memref<128xi32, #tpu.memory_space<vmem>>, vector<16xi32>,
    %add3A_1030 = arith.constant 80 : i32
    %add3A_1031 = vector.broadcast %add3A_1030 : i32 to vector<16xi32>
    %add3A_1032 = arith.addi %add3A_1031, %iota3A : vector<16xi32>
    %gather3A_1033 = tpu.vector_load_idx %arg10[%add3A_1032, %add3A_999] : memref<128x20xi32, #tpu.memory_space<vmem>>[vector<16xi32>, vector<16xi32>], vector<16xi32>,
    %swap3A_1034 = arith.constant 80 : index
    %swap3A_1035 = tpu.vector_load %arg8[%swap3A_1034] {strides = array<i32>} : memref<128xi32, #tpu.memory_space<vmem>>, vector<16xi32>,
    tpu.vector_store %arg8[%swap3A_1034], %gather3A_1033 {strides = array<i32>} : memref<128xi32, #tpu.memory_space<vmem>>, vector<16xi32>,
    %add3A_1036 = arith.constant 96 : i32
    %add3A_1037 = vector.broadcast %add3A_1036 : i32 to vector<16xi32>
    %add3A_1038 = arith.addi %add3A_1037, %iota3A : vector<16xi32>
    %gather3A_1039 = tpu.vector_load_idx %arg10[%add3A_1038, %add3A_999] : memref<128x20xi32, #tpu.memory_space<vmem>>[vector<16xi32>, vector<16xi32>], vector<16xi32>,
    %swap3A_1040 = arith.constant 96 : index
    %swap3A_1041 = tpu.vector_load %arg8[%swap3A_1040] {strides = array<i32>} : memref<128xi32, #tpu.memory_space<vmem>>, vector<16xi32>,
    tpu.vector_store %arg8[%swap3A_1040], %gather3A_1039 {strides = array<i32>} : memref<128xi32, #tpu.memory_space<vmem>>, vector<16xi32>,
    %add3A_1042 = arith.constant 112 : i32
    %add3A_1043 = vector.broadcast %add3A_1042 : i32 to vector<16xi32>
    %add3A_1044 = arith.addi %add3A_1043, %iota3A : vector<16xi32>
    %gather3A_1045 = tpu.vector_load_idx %arg10[%add3A_1044, %add3A_999] : memref<128x20xi32, #tpu.memory_space<vmem>>[vector<16xi32>, vector<16xi32>], vector<16xi32>,
    %swap3A_1046 = arith.constant 112 : index
    %swap3A_1047 = tpu.vector_load %arg8[%swap3A_1046] {strides = array<i32>} : memref<128xi32, #tpu.memory_space<vmem>>, vector<16xi32>,
    tpu.vector_store %arg8[%swap3A_1046], %gather3A_1045 {strides = array<i32>} : memref<128xi32, #tpu.memory_space<vmem>>, vector<16xi32>,
    %dma_start3A_1048 = arith.constant 0 : i32
    %dma_start3A_1049 = arith.constant 0 : i32
    %dma_start3A_1050 = tpu.memref_slice %arg3[%dma_start3A_1048, %dma_start3A_1049] : memref<1015808x128xf32, #tpu.memory_space<hbm>> -> memref<1015808x128xf32, #tpu.memory_space<hbm>>
    tpu.enqueue_indirect_dma source(%dma_start3A_1050 : memref<1015808x128xf32, #tpu.memory_space<hbm>>) target(%arg12 : memref<128x128xf32, #tpu.memory_space<vmem>>) offsets(%arg8 : memref<128xi32, #tpu.memory_space<vmem>>) semaphore(%arg15 : memref<!tpu.dma_semaphore, #tpu.memory_space<semaphore_mem>>)
    %dma_wait3A_1051 = arith.constant 0 : i32
    %dma_wait3A_1052 = arith.constant 0 : i32
    %dma_wait3A_1053 = tpu.memref_slice %arg3[%dma_wait3A_1051, %dma_wait3A_1052] : memref<1015808x128xf32, #tpu.memory_space<hbm>> -> memref<1015808x128xf32, #tpu.memory_space<hbm>>
    tpu.wait_indirect_dma semaphore(%arg14 : memref<!tpu.dma_semaphore, #tpu.memory_space<semaphore_mem>>) src(%dma_wait3A_1053 : memref<1015808x128xf32, #tpu.memory_space<hbm>>) dst(%arg11 : memref<128x128xf32, #tpu.memory_space<vmem>>)
    "tpu.region"() ({
      %run_scoped3A = tpu.sem_alloc : memref<!tpu.dma_semaphore, #tpu.memory_space<semaphore_mem>>
      %dma_start3A_1234 = arith.constant 0 : i32
      %dma_start3A_1235 = arith.constant 0 : i32
      %dma_start3A_1236 = tpu.memref_slice %arg13[%dma_start3A_1234, %dma_start3A_1235] : memref<2048x128xf32, #tpu.memory_space<vmem_shared>> -> memref<2048x128xf32, #tpu.memory_space<vmem_shared>>
      tpu.enqueue_indirect_dma source(%arg11 : memref<128x128xf32, #tpu.memory_space<vmem>>) target(%dma_start3A_1236 : memref<2048x128xf32, #tpu.memory_space<vmem_shared>>) offsets(%arg9 : memref<128xi32, #tpu.memory_space<vmem>>) semaphore(%run_scoped3A : memref<!tpu.dma_semaphore, #tpu.memory_space<semaphore_mem>>) {add = true}
      %dma_wait3A_1237 = arith.constant 0 : i32
      %dma_wait3A_1238 = arith.constant 0 : i32
      %dma_wait3A_1239 = tpu.memref_slice %arg13[%dma_wait3A_1237, %dma_wait3A_1238] : memref<2048x128xf32, #tpu.memory_space<vmem_shared>> -> memref<2048x128xf32, #tpu.memory_space<vmem_shared>>
      tpu.wait_indirect_dma semaphore(%run_scoped3A : memref<!tpu.dma_semaphore, #tpu.memory_space<semaphore_mem>>) src(%arg11 : memref<128x128xf32, #tpu.memory_space<vmem>>) dst(%dma_wait3A_1239 : memref<2048x128xf32, #tpu.memory_space<vmem_shared>>)
      tpu.yield
    }) : () -> ()
    %broadcast_in_dim3A_1054 = arith.constant 0 : i32
    %broadcast_in_dim3A_1055 = vector.broadcast %broadcast_in_dim3A_1054 : i32 to vector<16xi32>
    %add3A_1056 = arith.constant 17 : i32
    %add3A_1057 = vector.broadcast %add3A_1056 : i32 to vector<16xi32>
    %add3A_1058 = arith.addi %broadcast_in_dim3A_1055, %add3A_1057 : vector<16xi32>
    %add3A_1059 = arith.constant 0 : i32
    %add3A_1060 = vector.broadcast %add3A_1059 : i32 to vector<16xi32>
    %add3A_1061 = arith.addi %add3A_1060, %iota3A : vector<16xi32>
    %gather3A_1062 = tpu.vector_load_idx %arg10[%add3A_1061, %add3A_1058] : memref<128x20xi32, #tpu.memory_space<vmem>>[vector<16xi32>, vector<16xi32>], vector<16xi32>,
    %swap3A_1063 = arith.constant 0 : index
    %swap3A_1064 = tpu.vector_load %arg7[%swap3A_1063] {strides = array<i32>} : memref<128xi32, #tpu.memory_space<vmem>>, vector<16xi32>,
    tpu.vector_store %arg7[%swap3A_1063], %gather3A_1062 {strides = array<i32>} : memref<128xi32, #tpu.memory_space<vmem>>, vector<16xi32>,
    %add3A_1065 = arith.constant 16 : i32
    %add3A_1066 = vector.broadcast %add3A_1065 : i32 to vector<16xi32>
    %add3A_1067 = arith.addi %add3A_1066, %iota3A : vector<16xi32>
    %gather3A_1068 = tpu.vector_load_idx %arg10[%add3A_1067, %add3A_1058] : memref<128x20xi32, #tpu.memory_space<vmem>>[vector<16xi32>, vector<16xi32>], vector<16xi32>,
    %swap3A_1069 = arith.constant 16 : index
    %swap3A_1070 = tpu.vector_load %arg7[%swap3A_1069] {strides = array<i32>} : memref<128xi32, #tpu.memory_space<vmem>>, vector<16xi32>,
    tpu.vector_store %arg7[%swap3A_1069], %gather3A_1068 {strides = array<i32>} : memref<128xi32, #tpu.memory_space<vmem>>, vector<16xi32>,
    %add3A_1071 = arith.constant 32 : i32
    %add3A_1072 = vector.broadcast %add3A_1071 : i32 to vector<16xi32>
    %add3A_1073 = arith.addi %add3A_1072, %iota3A : vector<16xi32>
    %gather3A_1074 = tpu.vector_load_idx %arg10[%add3A_1073, %add3A_1058] : memref<128x20xi32, #tpu.memory_space<vmem>>[vector<16xi32>, vector<16xi32>], vector<16xi32>,
    %swap3A_1075 = arith.constant 32 : index
    %swap3A_1076 = tpu.vector_load %arg7[%swap3A_1075] {strides = array<i32>} : memref<128xi32, #tpu.memory_space<vmem>>, vector<16xi32>,
    tpu.vector_store %arg7[%swap3A_1075], %gather3A_1074 {strides = array<i32>} : memref<128xi32, #tpu.memory_space<vmem>>, vector<16xi32>,
    %add3A_1077 = arith.constant 48 : i32
    %add3A_1078 = vector.broadcast %add3A_1077 : i32 to vector<16xi32>
    %add3A_1079 = arith.addi %add3A_1078, %iota3A : vector<16xi32>
    %gather3A_1080 = tpu.vector_load_idx %arg10[%add3A_1079, %add3A_1058] : memref<128x20xi32, #tpu.memory_space<vmem>>[vector<16xi32>, vector<16xi32>], vector<16xi32>,
    %swap3A_1081 = arith.constant 48 : index
    %swap3A_1082 = tpu.vector_load %arg7[%swap3A_1081] {strides = array<i32>} : memref<128xi32, #tpu.memory_space<vmem>>, vector<16xi32>,
    tpu.vector_store %arg7[%swap3A_1081], %gather3A_1080 {strides = array<i32>} : memref<128xi32, #tpu.memory_space<vmem>>, vector<16xi32>,
    %add3A_1083 = arith.constant 64 : i32
    %add3A_1084 = vector.broadcast %add3A_1083 : i32 to vector<16xi32>
    %add3A_1085 = arith.addi %add3A_1084, %iota3A : vector<16xi32>
    %gather3A_1086 = tpu.vector_load_idx %arg10[%add3A_1085, %add3A_1058] : memref<128x20xi32, #tpu.memory_space<vmem>>[vector<16xi32>, vector<16xi32>], vector<16xi32>,
    %swap3A_1087 = arith.constant 64 : index
    %swap3A_1088 = tpu.vector_load %arg7[%swap3A_1087] {strides = array<i32>} : memref<128xi32, #tpu.memory_space<vmem>>, vector<16xi32>,
    tpu.vector_store %arg7[%swap3A_1087], %gather3A_1086 {strides = array<i32>} : memref<128xi32, #tpu.memory_space<vmem>>, vector<16xi32>,
    %add3A_1089 = arith.constant 80 : i32
    %add3A_1090 = vector.broadcast %add3A_1089 : i32 to vector<16xi32>
    %add3A_1091 = arith.addi %add3A_1090, %iota3A : vector<16xi32>
    %gather3A_1092 = tpu.vector_load_idx %arg10[%add3A_1091, %add3A_1058] : memref<128x20xi32, #tpu.memory_space<vmem>>[vector<16xi32>, vector<16xi32>], vector<16xi32>,
    %swap3A_1093 = arith.constant 80 : index
    %swap3A_1094 = tpu.vector_load %arg7[%swap3A_1093] {strides = array<i32>} : memref<128xi32, #tpu.memory_space<vmem>>, vector<16xi32>,
    tpu.vector_store %arg7[%swap3A_1093], %gather3A_1092 {strides = array<i32>} : memref<128xi32, #tpu.memory_space<vmem>>, vector<16xi32>,
    %add3A_1095 = arith.constant 96 : i32
    %add3A_1096 = vector.broadcast %add3A_1095 : i32 to vector<16xi32>
    %add3A_1097 = arith.addi %add3A_1096, %iota3A : vector<16xi32>
    %gather3A_1098 = tpu.vector_load_idx %arg10[%add3A_1097, %add3A_1058] : memref<128x20xi32, #tpu.memory_space<vmem>>[vector<16xi32>, vector<16xi32>], vector<16xi32>,
    %swap3A_1099 = arith.constant 96 : index
    %swap3A_1100 = tpu.vector_load %arg7[%swap3A_1099] {strides = array<i32>} : memref<128xi32, #tpu.memory_space<vmem>>, vector<16xi32>,
    tpu.vector_store %arg7[%swap3A_1099], %gather3A_1098 {strides = array<i32>} : memref<128xi32, #tpu.memory_space<vmem>>, vector<16xi32>,
    %add3A_1101 = arith.constant 112 : i32
    %add3A_1102 = vector.broadcast %add3A_1101 : i32 to vector<16xi32>
    %add3A_1103 = arith.addi %add3A_1102, %iota3A : vector<16xi32>
    %gather3A_1104 = tpu.vector_load_idx %arg10[%add3A_1103, %add3A_1058] : memref<128x20xi32, #tpu.memory_space<vmem>>[vector<16xi32>, vector<16xi32>], vector<16xi32>,
    %swap3A_1105 = arith.constant 112 : index
    %swap3A_1106 = tpu.vector_load %arg7[%swap3A_1105] {strides = array<i32>} : memref<128xi32, #tpu.memory_space<vmem>>, vector<16xi32>,
    tpu.vector_store %arg7[%swap3A_1105], %gather3A_1104 {strides = array<i32>} : memref<128xi32, #tpu.memory_space<vmem>>, vector<16xi32>,
    %dma_start3A_1107 = arith.constant 0 : i32
    %dma_start3A_1108 = arith.constant 0 : i32
    %dma_start3A_1109 = tpu.memref_slice %arg3[%dma_start3A_1107, %dma_start3A_1108] : memref<1015808x128xf32, #tpu.memory_space<hbm>> -> memref<1015808x128xf32, #tpu.memory_space<hbm>>
    tpu.enqueue_indirect_dma source(%dma_start3A_1109 : memref<1015808x128xf32, #tpu.memory_space<hbm>>) target(%arg11 : memref<128x128xf32, #tpu.memory_space<vmem>>) offsets(%arg7 : memref<128xi32, #tpu.memory_space<vmem>>) semaphore(%arg14 : memref<!tpu.dma_semaphore, #tpu.memory_space<semaphore_mem>>)
    %dma_wait3A_1110 = arith.constant 0 : i32
    %dma_wait3A_1111 = arith.constant 0 : i32
    %dma_wait3A_1112 = tpu.memref_slice %arg3[%dma_wait3A_1110, %dma_wait3A_1111] : memref<1015808x128xf32, #tpu.memory_space<hbm>> -> memref<1015808x128xf32, #tpu.memory_space<hbm>>
    tpu.wait_indirect_dma semaphore(%arg15 : memref<!tpu.dma_semaphore, #tpu.memory_space<semaphore_mem>>) src(%dma_wait3A_1112 : memref<1015808x128xf32, #tpu.memory_space<hbm>>) dst(%arg12 : memref<128x128xf32, #tpu.memory_space<vmem>>)
    "tpu.region"() ({
      %run_scoped3A = tpu.sem_alloc : memref<!tpu.dma_semaphore, #tpu.memory_space<semaphore_mem>>
      %dma_start3A_1234 = arith.constant 0 : i32
      %dma_start3A_1235 = arith.constant 0 : i32
      %dma_start3A_1236 = tpu.memref_slice %arg13[%dma_start3A_1234, %dma_start3A_1235] : memref<2048x128xf32, #tpu.memory_space<vmem_shared>> -> memref<2048x128xf32, #tpu.memory_space<vmem_shared>>
      tpu.enqueue_indirect_dma source(%arg12 : memref<128x128xf32, #tpu.memory_space<vmem>>) target(%dma_start3A_1236 : memref<2048x128xf32, #tpu.memory_space<vmem_shared>>) offsets(%arg9 : memref<128xi32, #tpu.memory_space<vmem>>) semaphore(%run_scoped3A : memref<!tpu.dma_semaphore, #tpu.memory_space<semaphore_mem>>) {add = true}
      %dma_wait3A_1237 = arith.constant 0 : i32
      %dma_wait3A_1238 = arith.constant 0 : i32
      %dma_wait3A_1239 = tpu.memref_slice %arg13[%dma_wait3A_1237, %dma_wait3A_1238] : memref<2048x128xf32, #tpu.memory_space<vmem_shared>> -> memref<2048x128xf32, #tpu.memory_space<vmem_shared>>
      tpu.wait_indirect_dma semaphore(%run_scoped3A : memref<!tpu.dma_semaphore, #tpu.memory_space<semaphore_mem>>) src(%arg12 : memref<128x128xf32, #tpu.memory_space<vmem>>) dst(%dma_wait3A_1239 : memref<2048x128xf32, #tpu.memory_space<vmem_shared>>)
      tpu.yield
    }) : () -> ()
    %broadcast_in_dim3A_1113 = arith.constant 0 : i32
    %broadcast_in_dim3A_1114 = vector.broadcast %broadcast_in_dim3A_1113 : i32 to vector<16xi32>
    %add3A_1115 = arith.constant 18 : i32
    %add3A_1116 = vector.broadcast %add3A_1115 : i32 to vector<16xi32>
    %add3A_1117 = arith.addi %broadcast_in_dim3A_1114, %add3A_1116 : vector<16xi32>
    %add3A_1118 = arith.constant 0 : i32
    %add3A_1119 = vector.broadcast %add3A_1118 : i32 to vector<16xi32>
    %add3A_1120 = arith.addi %add3A_1119, %iota3A : vector<16xi32>
    %gather3A_1121 = tpu.vector_load_idx %arg10[%add3A_1120, %add3A_1117] : memref<128x20xi32, #tpu.memory_space<vmem>>[vector<16xi32>, vector<16xi32>], vector<16xi32>,
    %swap3A_1122 = arith.constant 0 : index
    %swap3A_1123 = tpu.vector_load %arg8[%swap3A_1122] {strides = array<i32>} : memref<128xi32, #tpu.memory_space<vmem>>, vector<16xi32>,
    tpu.vector_store %arg8[%swap3A_1122], %gather3A_1121 {strides = array<i32>} : memref<128xi32, #tpu.memory_space<vmem>>, vector<16xi32>,
    %add3A_1124 = arith.constant 16 : i32
    %add3A_1125 = vector.broadcast %add3A_1124 : i32 to vector<16xi32>
    %add3A_1126 = arith.addi %add3A_1125, %iota3A : vector<16xi32>
    %gather3A_1127 = tpu.vector_load_idx %arg10[%add3A_1126, %add3A_1117] : memref<128x20xi32, #tpu.memory_space<vmem>>[vector<16xi32>, vector<16xi32>], vector<16xi32>,
    %swap3A_1128 = arith.constant 16 : index
    %swap3A_1129 = tpu.vector_load %arg8[%swap3A_1128] {strides = array<i32>} : memref<128xi32, #tpu.memory_space<vmem>>, vector<16xi32>,
    tpu.vector_store %arg8[%swap3A_1128], %gather3A_1127 {strides = array<i32>} : memref<128xi32, #tpu.memory_space<vmem>>, vector<16xi32>,
    %add3A_1130 = arith.constant 32 : i32
    %add3A_1131 = vector.broadcast %add3A_1130 : i32 to vector<16xi32>
    %add3A_1132 = arith.addi %add3A_1131, %iota3A : vector<16xi32>
    %gather3A_1133 = tpu.vector_load_idx %arg10[%add3A_1132, %add3A_1117] : memref<128x20xi32, #tpu.memory_space<vmem>>[vector<16xi32>, vector<16xi32>], vector<16xi32>,
    %swap3A_1134 = arith.constant 32 : index
    %swap3A_1135 = tpu.vector_load %arg8[%swap3A_1134] {strides = array<i32>} : memref<128xi32, #tpu.memory_space<vmem>>, vector<16xi32>,
    tpu.vector_store %arg8[%swap3A_1134], %gather3A_1133 {strides = array<i32>} : memref<128xi32, #tpu.memory_space<vmem>>, vector<16xi32>,
    %add3A_1136 = arith.constant 48 : i32
    %add3A_1137 = vector.broadcast %add3A_1136 : i32 to vector<16xi32>
    %add3A_1138 = arith.addi %add3A_1137, %iota3A : vector<16xi32>
    %gather3A_1139 = tpu.vector_load_idx %arg10[%add3A_1138, %add3A_1117] : memref<128x20xi32, #tpu.memory_space<vmem>>[vector<16xi32>, vector<16xi32>], vector<16xi32>,
    %swap3A_1140 = arith.constant 48 : index
    %swap3A_1141 = tpu.vector_load %arg8[%swap3A_1140] {strides = array<i32>} : memref<128xi32, #tpu.memory_space<vmem>>, vector<16xi32>,
    tpu.vector_store %arg8[%swap3A_1140], %gather3A_1139 {strides = array<i32>} : memref<128xi32, #tpu.memory_space<vmem>>, vector<16xi32>,
    %add3A_1142 = arith.constant 64 : i32
    %add3A_1143 = vector.broadcast %add3A_1142 : i32 to vector<16xi32>
    %add3A_1144 = arith.addi %add3A_1143, %iota3A : vector<16xi32>
    %gather3A_1145 = tpu.vector_load_idx %arg10[%add3A_1144, %add3A_1117] : memref<128x20xi32, #tpu.memory_space<vmem>>[vector<16xi32>, vector<16xi32>], vector<16xi32>,
    %swap3A_1146 = arith.constant 64 : index
    %swap3A_1147 = tpu.vector_load %arg8[%swap3A_1146] {strides = array<i32>} : memref<128xi32, #tpu.memory_space<vmem>>, vector<16xi32>,
    tpu.vector_store %arg8[%swap3A_1146], %gather3A_1145 {strides = array<i32>} : memref<128xi32, #tpu.memory_space<vmem>>, vector<16xi32>,
    %add3A_1148 = arith.constant 80 : i32
    %add3A_1149 = vector.broadcast %add3A_1148 : i32 to vector<16xi32>
    %add3A_1150 = arith.addi %add3A_1149, %iota3A : vector<16xi32>
    %gather3A_1151 = tpu.vector_load_idx %arg10[%add3A_1150, %add3A_1117] : memref<128x20xi32, #tpu.memory_space<vmem>>[vector<16xi32>, vector<16xi32>], vector<16xi32>,
    %swap3A_1152 = arith.constant 80 : index
    %swap3A_1153 = tpu.vector_load %arg8[%swap3A_1152] {strides = array<i32>} : memref<128xi32, #tpu.memory_space<vmem>>, vector<16xi32>,
    tpu.vector_store %arg8[%swap3A_1152], %gather3A_1151 {strides = array<i32>} : memref<128xi32, #tpu.memory_space<vmem>>, vector<16xi32>,
    %add3A_1154 = arith.constant 96 : i32
    %add3A_1155 = vector.broadcast %add3A_1154 : i32 to vector<16xi32>
    %add3A_1156 = arith.addi %add3A_1155, %iota3A : vector<16xi32>
    %gather3A_1157 = tpu.vector_load_idx %arg10[%add3A_1156, %add3A_1117] : memref<128x20xi32, #tpu.memory_space<vmem>>[vector<16xi32>, vector<16xi32>], vector<16xi32>,
    %swap3A_1158 = arith.constant 96 : index
    %swap3A_1159 = tpu.vector_load %arg8[%swap3A_1158] {strides = array<i32>} : memref<128xi32, #tpu.memory_space<vmem>>, vector<16xi32>,
    tpu.vector_store %arg8[%swap3A_1158], %gather3A_1157 {strides = array<i32>} : memref<128xi32, #tpu.memory_space<vmem>>, vector<16xi32>,
    %add3A_1160 = arith.constant 112 : i32
    %add3A_1161 = vector.broadcast %add3A_1160 : i32 to vector<16xi32>
    %add3A_1162 = arith.addi %add3A_1161, %iota3A : vector<16xi32>
    %gather3A_1163 = tpu.vector_load_idx %arg10[%add3A_1162, %add3A_1117] : memref<128x20xi32, #tpu.memory_space<vmem>>[vector<16xi32>, vector<16xi32>], vector<16xi32>,
    %swap3A_1164 = arith.constant 112 : index
    %swap3A_1165 = tpu.vector_load %arg8[%swap3A_1164] {strides = array<i32>} : memref<128xi32, #tpu.memory_space<vmem>>, vector<16xi32>,
    tpu.vector_store %arg8[%swap3A_1164], %gather3A_1163 {strides = array<i32>} : memref<128xi32, #tpu.memory_space<vmem>>, vector<16xi32>,
    %dma_start3A_1166 = arith.constant 0 : i32
    %dma_start3A_1167 = arith.constant 0 : i32
    %dma_start3A_1168 = tpu.memref_slice %arg3[%dma_start3A_1166, %dma_start3A_1167] : memref<1015808x128xf32, #tpu.memory_space<hbm>> -> memref<1015808x128xf32, #tpu.memory_space<hbm>>
    tpu.enqueue_indirect_dma source(%dma_start3A_1168 : memref<1015808x128xf32, #tpu.memory_space<hbm>>) target(%arg12 : memref<128x128xf32, #tpu.memory_space<vmem>>) offsets(%arg8 : memref<128xi32, #tpu.memory_space<vmem>>) semaphore(%arg15 : memref<!tpu.dma_semaphore, #tpu.memory_space<semaphore_mem>>)
    %dma_wait3A_1169 = arith.constant 0 : i32
    %dma_wait3A_1170 = arith.constant 0 : i32
    %dma_wait3A_1171 = tpu.memref_slice %arg3[%dma_wait3A_1169, %dma_wait3A_1170] : memref<1015808x128xf32, #tpu.memory_space<hbm>> -> memref<1015808x128xf32, #tpu.memory_space<hbm>>
    tpu.wait_indirect_dma semaphore(%arg14 : memref<!tpu.dma_semaphore, #tpu.memory_space<semaphore_mem>>) src(%dma_wait3A_1171 : memref<1015808x128xf32, #tpu.memory_space<hbm>>) dst(%arg11 : memref<128x128xf32, #tpu.memory_space<vmem>>)
    "tpu.region"() ({
      %run_scoped3A = tpu.sem_alloc : memref<!tpu.dma_semaphore, #tpu.memory_space<semaphore_mem>>
      %dma_start3A_1234 = arith.constant 0 : i32
      %dma_start3A_1235 = arith.constant 0 : i32
      %dma_start3A_1236 = tpu.memref_slice %arg13[%dma_start3A_1234, %dma_start3A_1235] : memref<2048x128xf32, #tpu.memory_space<vmem_shared>> -> memref<2048x128xf32, #tpu.memory_space<vmem_shared>>
      tpu.enqueue_indirect_dma source(%arg11 : memref<128x128xf32, #tpu.memory_space<vmem>>) target(%dma_start3A_1236 : memref<2048x128xf32, #tpu.memory_space<vmem_shared>>) offsets(%arg9 : memref<128xi32, #tpu.memory_space<vmem>>) semaphore(%run_scoped3A : memref<!tpu.dma_semaphore, #tpu.memory_space<semaphore_mem>>) {add = true}
      %dma_wait3A_1237 = arith.constant 0 : i32
      %dma_wait3A_1238 = arith.constant 0 : i32
      %dma_wait3A_1239 = tpu.memref_slice %arg13[%dma_wait3A_1237, %dma_wait3A_1238] : memref<2048x128xf32, #tpu.memory_space<vmem_shared>> -> memref<2048x128xf32, #tpu.memory_space<vmem_shared>>
      tpu.wait_indirect_dma semaphore(%run_scoped3A : memref<!tpu.dma_semaphore, #tpu.memory_space<semaphore_mem>>) src(%arg11 : memref<128x128xf32, #tpu.memory_space<vmem>>) dst(%dma_wait3A_1239 : memref<2048x128xf32, #tpu.memory_space<vmem_shared>>)
      tpu.yield
    }) : () -> ()
    %broadcast_in_dim3A_1172 = arith.constant 0 : i32
    %broadcast_in_dim3A_1173 = vector.broadcast %broadcast_in_dim3A_1172 : i32 to vector<16xi32>
    %add3A_1174 = arith.constant 19 : i32
    %add3A_1175 = vector.broadcast %add3A_1174 : i32 to vector<16xi32>
    %add3A_1176 = arith.addi %broadcast_in_dim3A_1173, %add3A_1175 : vector<16xi32>
    %add3A_1177 = arith.constant 0 : i32
    %add3A_1178 = vector.broadcast %add3A_1177 : i32 to vector<16xi32>
    %add3A_1179 = arith.addi %add3A_1178, %iota3A : vector<16xi32>
    %gather3A_1180 = tpu.vector_load_idx %arg10[%add3A_1179, %add3A_1176] : memref<128x20xi32, #tpu.memory_space<vmem>>[vector<16xi32>, vector<16xi32>], vector<16xi32>,
    %swap3A_1181 = arith.constant 0 : index
    %swap3A_1182 = tpu.vector_load %arg7[%swap3A_1181] {strides = array<i32>} : memref<128xi32, #tpu.memory_space<vmem>>, vector<16xi32>,
    tpu.vector_store %arg7[%swap3A_1181], %gather3A_1180 {strides = array<i32>} : memref<128xi32, #tpu.memory_space<vmem>>, vector<16xi32>,
    %add3A_1183 = arith.constant 16 : i32
    %add3A_1184 = vector.broadcast %add3A_1183 : i32 to vector<16xi32>
    %add3A_1185 = arith.addi %add3A_1184, %iota3A : vector<16xi32>
    %gather3A_1186 = tpu.vector_load_idx %arg10[%add3A_1185, %add3A_1176] : memref<128x20xi32, #tpu.memory_space<vmem>>[vector<16xi32>, vector<16xi32>], vector<16xi32>,
    %swap3A_1187 = arith.constant 16 : index
    %swap3A_1188 = tpu.vector_load %arg7[%swap3A_1187] {strides = array<i32>} : memref<128xi32, #tpu.memory_space<vmem>>, vector<16xi32>,
    tpu.vector_store %arg7[%swap3A_1187], %gather3A_1186 {strides = array<i32>} : memref<128xi32, #tpu.memory_space<vmem>>, vector<16xi32>,
    %add3A_1189 = arith.constant 32 : i32
    %add3A_1190 = vector.broadcast %add3A_1189 : i32 to vector<16xi32>
    %add3A_1191 = arith.addi %add3A_1190, %iota3A : vector<16xi32>
    %gather3A_1192 = tpu.vector_load_idx %arg10[%add3A_1191, %add3A_1176] : memref<128x20xi32, #tpu.memory_space<vmem>>[vector<16xi32>, vector<16xi32>], vector<16xi32>,
    %swap3A_1193 = arith.constant 32 : index
    %swap3A_1194 = tpu.vector_load %arg7[%swap3A_1193] {strides = array<i32>} : memref<128xi32, #tpu.memory_space<vmem>>, vector<16xi32>,
    tpu.vector_store %arg7[%swap3A_1193], %gather3A_1192 {strides = array<i32>} : memref<128xi32, #tpu.memory_space<vmem>>, vector<16xi32>,
    %add3A_1195 = arith.constant 48 : i32
    %add3A_1196 = vector.broadcast %add3A_1195 : i32 to vector<16xi32>
    %add3A_1197 = arith.addi %add3A_1196, %iota3A : vector<16xi32>
    %gather3A_1198 = tpu.vector_load_idx %arg10[%add3A_1197, %add3A_1176] : memref<128x20xi32, #tpu.memory_space<vmem>>[vector<16xi32>, vector<16xi32>], vector<16xi32>,
    %swap3A_1199 = arith.constant 48 : index
    %swap3A_1200 = tpu.vector_load %arg7[%swap3A_1199] {strides = array<i32>} : memref<128xi32, #tpu.memory_space<vmem>>, vector<16xi32>,
    tpu.vector_store %arg7[%swap3A_1199], %gather3A_1198 {strides = array<i32>} : memref<128xi32, #tpu.memory_space<vmem>>, vector<16xi32>,
    %add3A_1201 = arith.constant 64 : i32
    %add3A_1202 = vector.broadcast %add3A_1201 : i32 to vector<16xi32>
    %add3A_1203 = arith.addi %add3A_1202, %iota3A : vector<16xi32>
    %gather3A_1204 = tpu.vector_load_idx %arg10[%add3A_1203, %add3A_1176] : memref<128x20xi32, #tpu.memory_space<vmem>>[vector<16xi32>, vector<16xi32>], vector<16xi32>,
    %swap3A_1205 = arith.constant 64 : index
    %swap3A_1206 = tpu.vector_load %arg7[%swap3A_1205] {strides = array<i32>} : memref<128xi32, #tpu.memory_space<vmem>>, vector<16xi32>,
    tpu.vector_store %arg7[%swap3A_1205], %gather3A_1204 {strides = array<i32>} : memref<128xi32, #tpu.memory_space<vmem>>, vector<16xi32>,
    %add3A_1207 = arith.constant 80 : i32
    %add3A_1208 = vector.broadcast %add3A_1207 : i32 to vector<16xi32>
    %add3A_1209 = arith.addi %add3A_1208, %iota3A : vector<16xi32>
    %gather3A_1210 = tpu.vector_load_idx %arg10[%add3A_1209, %add3A_1176] : memref<128x20xi32, #tpu.memory_space<vmem>>[vector<16xi32>, vector<16xi32>], vector<16xi32>,
    %swap3A_1211 = arith.constant 80 : index
    %swap3A_1212 = tpu.vector_load %arg7[%swap3A_1211] {strides = array<i32>} : memref<128xi32, #tpu.memory_space<vmem>>, vector<16xi32>,
    tpu.vector_store %arg7[%swap3A_1211], %gather3A_1210 {strides = array<i32>} : memref<128xi32, #tpu.memory_space<vmem>>, vector<16xi32>,
    %add3A_1213 = arith.constant 96 : i32
    %add3A_1214 = vector.broadcast %add3A_1213 : i32 to vector<16xi32>
    %add3A_1215 = arith.addi %add3A_1214, %iota3A : vector<16xi32>
    %gather3A_1216 = tpu.vector_load_idx %arg10[%add3A_1215, %add3A_1176] : memref<128x20xi32, #tpu.memory_space<vmem>>[vector<16xi32>, vector<16xi32>], vector<16xi32>,
    %swap3A_1217 = arith.constant 96 : index
    %swap3A_1218 = tpu.vector_load %arg7[%swap3A_1217] {strides = array<i32>} : memref<128xi32, #tpu.memory_space<vmem>>, vector<16xi32>,
    tpu.vector_store %arg7[%swap3A_1217], %gather3A_1216 {strides = array<i32>} : memref<128xi32, #tpu.memory_space<vmem>>, vector<16xi32>,
    %add3A_1219 = arith.constant 112 : i32
    %add3A_1220 = vector.broadcast %add3A_1219 : i32 to vector<16xi32>
    %add3A_1221 = arith.addi %add3A_1220, %iota3A : vector<16xi32>
    %gather3A_1222 = tpu.vector_load_idx %arg10[%add3A_1221, %add3A_1176] : memref<128x20xi32, #tpu.memory_space<vmem>>[vector<16xi32>, vector<16xi32>], vector<16xi32>,
    %swap3A_1223 = arith.constant 112 : index
    %swap3A_1224 = tpu.vector_load %arg7[%swap3A_1223] {strides = array<i32>} : memref<128xi32, #tpu.memory_space<vmem>>, vector<16xi32>,
    tpu.vector_store %arg7[%swap3A_1223], %gather3A_1222 {strides = array<i32>} : memref<128xi32, #tpu.memory_space<vmem>>, vector<16xi32>,
    %dma_start3A_1225 = arith.constant 0 : i32
    %dma_start3A_1226 = arith.constant 0 : i32
    %dma_start3A_1227 = tpu.memref_slice %arg3[%dma_start3A_1225, %dma_start3A_1226] : memref<1015808x128xf32, #tpu.memory_space<hbm>> -> memref<1015808x128xf32, #tpu.memory_space<hbm>>
    tpu.enqueue_indirect_dma source(%dma_start3A_1227 : memref<1015808x128xf32, #tpu.memory_space<hbm>>) target(%arg11 : memref<128x128xf32, #tpu.memory_space<vmem>>) offsets(%arg7 : memref<128xi32, #tpu.memory_space<vmem>>) semaphore(%arg14 : memref<!tpu.dma_semaphore, #tpu.memory_space<semaphore_mem>>)
    %dma_wait3A_1228 = arith.constant 0 : i32
    %dma_wait3A_1229 = arith.constant 0 : i32
    %dma_wait3A_1230 = tpu.memref_slice %arg3[%dma_wait3A_1228, %dma_wait3A_1229] : memref<1015808x128xf32, #tpu.memory_space<hbm>> -> memref<1015808x128xf32, #tpu.memory_space<hbm>>
    tpu.wait_indirect_dma semaphore(%arg15 : memref<!tpu.dma_semaphore, #tpu.memory_space<semaphore_mem>>) src(%dma_wait3A_1230 : memref<1015808x128xf32, #tpu.memory_space<hbm>>) dst(%arg12 : memref<128x128xf32, #tpu.memory_space<vmem>>)
    "tpu.region"() ({
      %run_scoped3A = tpu.sem_alloc : memref<!tpu.dma_semaphore, #tpu.memory_space<semaphore_mem>>
      %dma_start3A_1234 = arith.constant 0 : i32
      %dma_start3A_1235 = arith.constant 0 : i32
      %dma_start3A_1236 = tpu.memref_slice %arg13[%dma_start3A_1234, %dma_start3A_1235] : memref<2048x128xf32, #tpu.memory_space<vmem_shared>> -> memref<2048x128xf32, #tpu.memory_space<vmem_shared>>
      tpu.enqueue_indirect_dma source(%arg12 : memref<128x128xf32, #tpu.memory_space<vmem>>) target(%dma_start3A_1236 : memref<2048x128xf32, #tpu.memory_space<vmem_shared>>) offsets(%arg9 : memref<128xi32, #tpu.memory_space<vmem>>) semaphore(%run_scoped3A : memref<!tpu.dma_semaphore, #tpu.memory_space<semaphore_mem>>) {add = true}
      %dma_wait3A_1237 = arith.constant 0 : i32
      %dma_wait3A_1238 = arith.constant 0 : i32
      %dma_wait3A_1239 = tpu.memref_slice %arg13[%dma_wait3A_1237, %dma_wait3A_1238] : memref<2048x128xf32, #tpu.memory_space<vmem_shared>> -> memref<2048x128xf32, #tpu.memory_space<vmem_shared>>
      tpu.wait_indirect_dma semaphore(%run_scoped3A : memref<!tpu.dma_semaphore, #tpu.memory_space<semaphore_mem>>) src(%arg12 : memref<128x128xf32, #tpu.memory_space<vmem>>) dst(%dma_wait3A_1239 : memref<2048x128xf32, #tpu.memory_space<vmem_shared>>)
      tpu.yield
    }) : () -> ()
    %dma_wait3A_1231 = arith.constant 0 : i32
    %dma_wait3A_1232 = arith.constant 0 : i32
    %dma_wait3A_1233 = tpu.memref_slice %arg3[%dma_wait3A_1231, %dma_wait3A_1232] : memref<1015808x128xf32, #tpu.memory_space<hbm>> -> memref<1015808x128xf32, #tpu.memory_space<hbm>>
    tpu.wait_indirect_dma semaphore(%arg14 : memref<!tpu.dma_semaphore, #tpu.memory_space<semaphore_mem>>) src(%dma_wait3A_1233 : memref<1015808x128xf32, #tpu.memory_space<hbm>>) dst(%arg11 : memref<128x128xf32, #tpu.memory_space<vmem>>)
    "tpu.region"() ({
      %run_scoped3A = tpu.sem_alloc : memref<!tpu.dma_semaphore, #tpu.memory_space<semaphore_mem>>
      %dma_start3A_1234 = arith.constant 0 : i32
      %dma_start3A_1235 = arith.constant 0 : i32
      %dma_start3A_1236 = tpu.memref_slice %arg13[%dma_start3A_1234, %dma_start3A_1235] : memref<2048x128xf32, #tpu.memory_space<vmem_shared>> -> memref<2048x128xf32, #tpu.memory_space<vmem_shared>>
      tpu.enqueue_indirect_dma source(%arg11 : memref<128x128xf32, #tpu.memory_space<vmem>>) target(%dma_start3A_1236 : memref<2048x128xf32, #tpu.memory_space<vmem_shared>>) offsets(%arg9 : memref<128xi32, #tpu.memory_space<vmem>>) semaphore(%run_scoped3A : memref<!tpu.dma_semaphore, #tpu.memory_space<semaphore_mem>>) {add = true}
      %dma_wait3A_1237 = arith.constant 0 : i32
      %dma_wait3A_1238 = arith.constant 0 : i32
      %dma_wait3A_1239 = tpu.memref_slice %arg13[%dma_wait3A_1237, %dma_wait3A_1238] : memref<2048x128xf32, #tpu.memory_space<vmem_shared>> -> memref<2048x128xf32, #tpu.memory_space<vmem_shared>>
      tpu.wait_indirect_dma semaphore(%run_scoped3A : memref<!tpu.dma_semaphore, #tpu.memory_space<semaphore_mem>>) src(%arg11 : memref<128x128xf32, #tpu.memory_space<vmem>>) dst(%dma_wait3A_1239 : memref<2048x128xf32, #tpu.memory_space<vmem_shared>>)
      tpu.yield
    }) : () -> ()
    "tpu.region"() ({
      %run_scoped3A = tpu.sem_alloc : memref<!tpu.dma_semaphore, #tpu.memory_space<semaphore_mem>>
      %dma_start3A_1234 = arith.constant 0 : i32
      %dma_start3A_1235 = tpu.memref_slice %arg6[%mul3A_2, %dma_start3A_1234] : memref<4096x128xf32, #tpu.memory_space<hbm>> -> memref<128x128xf32, #tpu.memory_space<hbm>>
      %dma_start3A_1236 = arith.constant 0 : i32
      %dma_start3A_1237 = tpu.memref_slice %arg13[%mul3A_4, %dma_start3A_1236] : memref<2048x128xf32, #tpu.memory_space<vmem_shared>> -> memref<128x128xf32, #tpu.memory_space<vmem_shared>>
      tpu.enqueue_dma source(%dma_start3A_1237 : memref<128x128xf32, #tpu.memory_space<vmem_shared>>) target(%dma_start3A_1235 : memref<128x128xf32, #tpu.memory_space<hbm>>) target_semaphore(%run_scoped3A : memref<!tpu.dma_semaphore, #tpu.memory_space<semaphore_mem>>)
      %dma_wait3A_1238 = arith.constant 0 : i32
      %dma_wait3A_1239 = tpu.memref_slice %arg6[%mul3A_2, %dma_wait3A_1238] : memref<4096x128xf32, #tpu.memory_space<hbm>> -> memref<128x128xf32, #tpu.memory_space<hbm>>
      %dma_wait3A_1240 = arith.constant 0 : i32
      %dma_wait3A_1241 = tpu.memref_slice %arg13[%mul3A_4, %dma_wait3A_1240] : memref<2048x128xf32, #tpu.memory_space<vmem_shared>> -> memref<128x128xf32, #tpu.memory_space<vmem_shared>>
      tpu.wait_dma2 semaphore(%run_scoped3A : memref<!tpu.dma_semaphore, #tpu.memory_space<semaphore_mem>>) src(%dma_wait3A_1241 : memref<128x128xf32, #tpu.memory_space<vmem_shared>>) dst(%dma_wait3A_1239 : memref<128x128xf32, #tpu.memory_space<hbm>>)
      tpu.yield
    }) : () -> ()
    return
  }
}

</mosaic_0001>

<sc_bundles>
// kernel: _sc1_call.3.cloned.1.call-start
scs
__scs_entry_jumppad:
0x0: {  	(pc) =	sbr.rel $0x88, $3  }
0x1: {  	(tag) =	ssettag $0x0;
	lr =	simm.s32 $0x1  }
0x2: {  	[smem:$0x3F9D] =	sst lr;
	_ =	strace $0xD0000000  }
0x3: {  	_ = 	snop  }
0x4: {  	_ = 	snop  }
0x5: {  	_ = 	snop  }
0x6: {  	_ = 	snop  }
0x7: {  	_ = 	snop  }
__scs_overlays_trampoline_lowered:
0x8: {  	[smem:$0x3FAC] =	sst s0  }
0x9: {  	[smem:$0x3FAD] =	sst s1  }
0xa: {  	[smem:$0x3FAE] =	sst s2  }
0xb: {  	[smem:$0x3FAF] =	sst s3  }
0xc: {  	[smem:$0x3FB0] =	sst s4  }
0xd: {  	[smem:$0x3FB1] =	sst s5  }
0xe: {  	[smem:$0x3FB2] =	sst s6  }
0xf: {  	[smem:$0x3FB3] =	sst s7  }
0x10: {  	[smem:$0x3FB4] =	sst s8  }
0x11: {  	[smem:$0x3FB5] =	sst s9;
	s0 =	simm.s32 @!p0 $0x0  }
0x12: {  	s1 =	sld [smem:$0x3F9B];
	s0 =	simm.s32 @p0 $0x1  }
0x13: {  	[smem:$0x3FB6] =	sst s0;
	s0 =	simm.s32 @!p1 $0x0  }
0x14: {  	s2 =	sld [smem:$0x3F9A];
	s0 =	simm.s32 @p1 $0x1  }
0x15: {  	[smem:$0x3FB7] =	sst s0;
	s0 =	simm.s32 @!p2 $0x0  }
0x16: {  	s3 =	sld [smem:$0x3FDB];
	s0 =	simm.s32 @p2 $0x1  }
0x17: {  	s4 =	simm.s32 $0x1BF5;
	[smem:$0x3FB9] =	sst s0  }
0x18: {  	s0 =	sld [smem:$0x3F9C];
	_ =	swait.ge [sflag:s4], $0x0  }
0x19: {  	s7 =	sld [smem:$0x3F9D]  }
0x1a: {  	s8 =	sadd.s32 $0xFFFFE003, lr  }
0x1b: {  	s9 =	sadd.s32 $0xFFFFFEF7, lr;
	s5 =	simm.s32 $0xFFFFFFFF;
	p2 =	slt.u32 s8, $0xFFFFF086  }
0x1c: {  	p1 =	slt.u32 s9, $0xF7A;
	s5 =	simm.s32 @!p2 $0x0  }
0x1d: {  	s5 =	simm.s32 @p1 $0x1;
	p0 =	seq.s32 s7, s2  }
0x1e: {  	s7 =	smul.u32 @!p0 $0xF7A, s2;
	p2 =	seq.s32 @!p0 s5, $0x0  }
0x1f: {  	s9 =	smul.u32 $0xF7A, s1;
	s8 =	simm.s32 @!p0 $0x1BF5;
	p2 =	por !p2, p0  }
0x20: {  	[sflag:s8] =	ssyncset.s32 @!p0 $0xFFFFF086;
	s6 =	sadd.s32 @!p0 s3, s7;
	s7 =	simm.s32 @!p0 $0x108  }
0x21: {  	s3 =	sadd.s32 s3, s9;
	s6 =	sadd.s32 @!p0 $0x88, s6;
	s7 =	simm.s32 @p2 $0x1082  }
0x22: {  	[simem:s7], [sflag:s8] =	dma.local @!p0 [hbm:s6], $0xF7A  }
0x23: {  	s9 =	sor.u32 $0xD0000000, s2;
	s6 =	simm.s32 $0x108;
	_ =	swait.ge @!p0 [sflag:s8], $0x0  }
0x24: {  	s3 =	sadd.s32 $0x88, s3;
	s6 =	simm.s32 @!p1 $0x1082;
	[sflag:s4] =	ssyncset.s32 $0xFFFFF086  }
0x25: {  	[simem:s6], [sflag:s4] =	dma.local [hbm:s3], $0xF7A  }
0x26: {  	[smem:$0x3F9D] =	sst s1;
	(tag) =	ssettag s2;
	_ =	strace s9  }
0x27: {  	s1 =	sld [smem:$0x3FAD]  }
0x28: {  	s2 =	sld [smem:$0x3FAE]  }
0x29: {  	s4 =	sld [smem:$0x3FB0]  }
0x2a: {  	p0 =	seq.s32 s5, $0x0;
	s5 =	sld [smem:$0x3FB1]  }
0x2b: {  	s6 =	sld [smem:$0x3FB2]  }
0x2c: {  	s7 =	sld [smem:$0x3FB3]  }
0x2d: {  	s3 =	simm.s32 $0x108;
	s8 =	sld [smem:$0x3FB4]  }
0x2e: {  	s3 =	simm.s32 @!p0 $0x1082;
	s9 =	sld [smem:$0x3FB5]  }
0x2f: {  	lr =	sadd.s32 s0, s3;
	s0 =	sld [smem:$0x3FAC]  }
0x30: {  	s3 =	sld [smem:$0x3FAF]  }
0x31: {  	[smem:$0x3FB8] =	sst s10  }
0x32: {  	s10 =	sld [smem:$0x3FB6];
	_ =	sdelay $0x3  }
0x33: {  	p0 =	seq.s32 s10, $0x1;
	s10 =	sld [smem:$0x3FB8];
	_ =	sdelay $0x3  }
0x34: {  	[smem:$0x3FB8] =	sst s10  }
0x35: {  	s10 =	sld [smem:$0x3FB7];
	_ =	sdelay $0x3  }
0x36: {  	p1 =	seq.s32 s10, $0x1;
	s10 =	sld [smem:$0x3FB8];
	_ =	sdelay $0x3  }
0x37: {  	[smem:$0x3FB8] =	sst s10  }
0x38: {  	s10 =	sld [smem:$0x3FB9]  }
0x39: {  	_ = 	snop;
	(pc) =	sbr.ind lr, $3  }
0x3a: {  	_ = 	snop  }
0x3b: {  	_ = 	snop  }
0x3c: {  	p2 =	seq.s32 s10, $0x1;
	s10 =	sld [smem:$0x3FB8]  }
0x3d: {  	_ =	shalt  }
0x3e: {  	_ =	shalt  }
0x3f: {  	_ =	shalt  }
0x40: {  	_ =	shalt  }
0x41: {  	_ =	shalt  }
0x42: {  	_ =	shalt  }
0x43: {  	_ =	shalt  }
0x44: {  	_ =	shalt  }
0x45: {  	_ =	shalt  }
0x46: {  	_ =	shalt  }
0x47: {  	_ =	shalt  }
0x48: {  	_ =	shalt  }
0x49: {  	_ =	shalt  }
0x4a: {  	_ =	shalt  }
0x4b: {  	_ =	shalt  }
0x4c: {  	_ =	shalt  }
0x4d: {  	_ =	shalt  }
0x4e: {  	_ =	shalt  }
0x4f: {  	_ =	shalt  }
0x50: {  	_ =	shalt  }
0x51: {  	_ =	shalt  }
0x52: {  	_ =	shalt  }
0x53: {  	_ =	shalt  }
0x54: {  	_ =	shalt  }
0x55: {  	_ =	shalt  }
0x56: {  	_ =	shalt  }
0x57: {  	_ =	shalt  }
0x58: {  	_ =	shalt  }
0x59: {  	_ =	shalt  }
0x5a: {  	_ =	shalt  }
0x5b: {  	_ =	shalt  }
0x5c: {  	_ =	shalt  }
0x5d: {  	_ =	shalt  }
0x5e: {  	_ =	shalt  }
0x5f: {  	_ =	shalt  }
0x60: {  	_ =	shalt  }
0x61: {  	_ =	shalt  }
0x62: {  	_ =	shalt  }
0x63: {  	_ =	shalt  }
0x64: {  	_ =	shalt  }
0x65: {  	_ =	shalt  }
0x66: {  	_ =	shalt  }
0x67: {  	_ =	shalt  }
0x68: {  	_ =	shalt  }
0x69: {  	_ =	shalt  }
0x6a: {  	_ =	shalt  }
0x6b: {  	_ =	shalt  }
0x6c: {  	_ =	shalt  }
0x6d: {  	_ =	shalt  }
0x6e: {  	_ =	shalt  }
0x6f: {  	_ =	shalt  }
0x70: {  	_ =	shalt  }
0x71: {  	_ =	shalt  }
0x72: {  	_ =	shalt  }
0x73: {  	_ =	shalt  }
0x74: {  	_ =	shalt  }
0x75: {  	_ =	shalt  }
0x76: {  	_ =	shalt  }
0x77: {  	_ =	shalt  }
0x78: {  	_ =	shalt  }
0x79: {  	_ =	shalt  }
0x7a: {  	_ =	shalt  }
0x7b: {  	_ =	shalt  }
0x7c: {  	_ =	shalt  }
0x7d: {  	_ =	shalt  }
0x7e: {  	_ =	shalt  }
0x7f: {  	_ =	shalt  }
0x80: {  	_ =	shalt  }
0x81: {  	_ =	shalt  }
0x82: {  	_ =	shalt  }
0x83: {  	_ =	shalt  }
0x84: {  	_ =	shalt  }
0x85: {  	_ =	shalt  }
0x86: {  	_ =	shalt  }
0x87: {  	_ =	shalt  }
.Lfunc_end0:
.L_simem_size_0:
called_computation_lowered:
.L_overlay_start_0:
0x88: {  	s2 =	sld [smem:$0x3FD9]  }
0x89: {  	s3 =	sld [smem:$0x3FFE];
	_ =	sdelay $0x1  }
0x8a: {  	s1 =	srdreg.scid  }
0x8b: {  	s0 =	sand.u32 $0x1, s1  }
0x8c: {  	s17 =	sshll.u32 s0, $0xA;
	s2 =	sadd.s32 s3, s2  }
0x8d: {  	s2 =	sadd.s32 s2, s17  }
0x8e: {  	[smem:$0x3FC4] =	sst s2  }
0x8f: {  	_ = 	snop  }
0x90: {  	s2 =	sld [smem:$0x3FC9]  }
0x91: {  	s18 =	sld [smem:$0x3FC8]  }
0x92: {  	s4 =	sld [smem:$0x3FC7]  }
0x93: {  	s5 =	sld [smem:$0x3FD0];
	(tm) =	ssettm $0x1  }
0x94: {  	s6 =	sld [smem:$0x3FFB];
	_ =	sdelay $0x3  }
0x95: {  	_ =	strace s6  }
0x96: {  	s6 =	sld [smem:$0x3FFC];
	_ =	sdelay $0x3  }
0x97: {  	_ =	strace s6  }
0x98: {  	s6 =	sld [smem:$0x3FFD];
	_ =	sdelay $0x3  }
0x99: {  	_ =	strace s6  }
0x9a: {  	_ =	strace $0x8FFFFFFF  }
0x9b: {  	s19 =	sld [smem:$0x3FDB];
	_ =	sdelay $0x1  }
0x9c: {  	s7 =	simm.s32 $_scs_section_size  }
0x9d: {  	s8 =	simm.s32 $_size__tile_overlayer_lowered;
	s9 =	simm.s32 $_tile_overlayer_lowered  }
0x9e: {  	s22 =	simm.s32 $0x1BFF;
	s21 =	sshll.u32 s9, $0x1;
	s6 =	sadd.s32 s7, s19  }
0x9f: {  	s10 =	simm.s32 $0x0;
	s20 =	sshll.u32 s8, $0x1;
	s8 =	sadd.s32 s21, s6  }
0xa0: {  	[timem:s10], [sflag:s22] =	dma.local [hbm:s8], s20  }
0xa1: {  	_ =	swait.ge [sflag:s22], s20  }
0xa2: {  	s7 =	ssub.s32 $0x0, s20;
	[sflag:s22] =	ssyncset.done $0x0  }
0xa3: {  	[sflag:s22] =	ssyncadd.s32 s7;
	_ =	sdelay $0x1  }
0xa4: {  	s23 =	simm.s32 $0x1B8B  }
0xa5: {  	_ =	swait.ge [sflag:s23], $0x1  }
0xa6: {  	[sflag:s23] =	ssyncset.done $0x0  }
0xa7: {  	s25 =	simm.s32 $0x1B8E;
	s24 =	sld [smem:$0x3FFE];
	[sflag:s23] =	ssyncadd.s32 $0xFFFFFFFF  }
0xa8: {  	s26 =	simm.s32 $execute0_lowered;
	[smem:$0x3FD2] =	sst s25  }
0xa9: {  	s8 =	sshll.u32 s26, $0x1;
	_ =	strace $0x80000046;
	[dreg:$0x1] =	wrdreg $0xFFFFFFFF  }
0xaa: {  	s28 =	simm.s32 $_size_execute0_lowered;
	s6 =	sadd.s32 s6, s8;
	[dreg:$0x0] =	wrdreg $0x0  }
0xab: {  	s8 =	sshll.u32 s28, $0x1;
	[dreg:$0x2] =	wrdreg s6  }
0xac: {  	[dreg:$0x3] =	wrdreg s8  }
0xad: {  	[dreg:$0x4] =	wrdreg $0xC0  }
0xae: {  	_ =	task [dreg:s10], $0x5FFFF  }
0xaf: {  	[dreg:$0x1] =	wrdreg $0xFFFFFFFF  }
0xb0: {  	[dreg:$0x0] =	wrdreg $0x60  }
0xb1: {  	[dreg:$0x2] =	wrdreg s2  }
0xb2: {  	[dreg:$0x3] =	wrdreg s18  }
0xb3: {  	[dreg:$0x4] =	wrdreg s4  }
0xb4: {  	[dreg:$0x5] =	wrdreg s24  }
0xb5: {  	[dreg:$0x6] =	wrdreg s5  }
0xb6: {  	[dreg:$0x7] =	wrdreg $0x8D800  }
0xb7: {  	[dreg:$0x8] =	wrdreg $0x9  }
0xb8: {  	_ =	task.clear_ibuf [dreg:s10], $0x9FFFF;
	_ =	strace $0x90000046  }
0xb9: {  	s29 =	simm.s32 $0x9;
	_ =	strace $0x80000048  }
0xba: {  	_ =	swait.ge [sflag:s29], $0x1  }
0xbb: {  	[sflag:s29] =	ssyncadd.s32 $0xFFFFFFFF  }
0xbc: {  	_ =	strace $0x90000048  }
0xbd: {  	_ =	sfence  }
0xbe: {  	s30 =	sld [smem:$0x0];
	_ =	sdelay $0x2  }
0xbf: {  	s31 =	sshll.u32 s1, $0xD;
	s1 =	sshrl.u32 s1, $0x2  }
0xc0: {  	s3 =	sand.u32 $0x4000, s31;
	s1 =	sadd.s32 s1, s30  }
0xc1: {  	s0 =	sor.u32 s3, s0;
	s1 =	sshll.u32 s1, $0x11  }
0xc2: {  	s0 =	sor.u32 s1, s0  }
0xc3: {  	s0 =	sadd.s32 $0x8F2B, s0  }
0xc4: {  	[sflag:s0] =	ssyncadd.remote.s32 $0x1  }
0xc5: {  	_ =	sfence.sel $0xFFFF  }
0xc6: {  	[dreg:$0x0] =	wrdreg $0xFFFFFFFF;
	(pc) =	sbr.abs _section_cstart, $3  }
0xc7: {  	[dreg:$0x1] =	wrdreg $0xFFFFFFFF  }
0xc8: {  	_ =	task.clear_ibuf [dreg:s10], $0x2FFFF;
	_ =	strace $0x9FFFFFFF  }
0xc9: {  	(tm) =	ssettm $0x7FFFFFFF  }
tec
execute0_lowered:
.L_overlay_start_1:
0x0: {  	(tag) =	ssettag $0x1  }
0x1: {  	s0 =	stileid.u32  }
0x2: {  	s1 =	sshll.u32 s0, $0x7  }
0x3: {  	v8 =	vlaneseq.u32;
	s2 =	sor.u32 $0x10, s1  }
0x4: {  	v5 =	vmul.u32 $0x18, v8;
	s3 =	sor.u32 $0x20, s1;
	v0 =	vor.u32 s1, v8;
	s23 =	sor.u32 $0x30, s1;
	s24 =	sor.u32 $0x40, s1;
	v1 =	vor.u32 s2, v8  }
0x5: {  	s25 =	sor.u32 $0x50, s1;
	s26 =	sor.u32 $0x60, s1;
	s1 =	sor.u32 $0x70, s1;
	v2 =	vor.u32 s3, v8;
	v3 =	vor.u32 s23, v8;
	v4 =	vor.u32 s24, v8  }
0x6: {  	v6 =	vor.u32 s25, v8;
	v7 =	vor.u32 s26, v8;
	v8 =	vor.u32 s1, v8  }
0x7: {  	v9 =	vadd.s32 $0x180, v5;
	v10 =	vadd.s32 $0x300, v5;
	v11 =	vadd.s32 $0x480, v5  }
0x8: {  	v12 =	vor.u32 $0x600, v5;
	v13 =	vadd.s32 $0x780, v5;
	v14 =	vadd.s32 $0x900, v5  }
0x9: {  	v15 =	vadd.s32 $0xA80, v5;
	v16 =	vor.u32 $0x1, v5;
	v17 =	vadd.s32 $0x181, v5  }
0xa: {  	s6 =	rddreg [dreg:$0x2];
	v18 =	vadd.s32 $0x301, v5;
	v19 =	vadd.s32 $0x481, v5;
	v20 =	vor.u32 $0x601, v5  }
0xb: {  	s7 =	rddreg [dreg:$0x3];
	v21 =	vadd.s32 $0x781, v5;
	v22 =	vadd.s32 $0x901, v5;
	v23 =	vadd.s32 $0xA81, v5  }
0xc: {  	s9 =	rddreg [dreg:$0x4];
	v24 =	vor.u32 $0x2, v5;
	v25 =	vadd.s32 $0x182, v5;
	v26 =	vadd.s32 $0x302, v5  }
0xd: {  	s28 =	srdreg.scid;
	s4 =	rddreg [dreg:$0x5];
	s5 =	simm.s32 $0x0;
	v27 =	vadd.s32 $0x482, v5;
	v28 =	vor.u32 $0x602, v5;
	v29 =	vadd.s32 $0x782, v5  }
0xe: {  	s13 =	simm.s32 $0xD80;
	s14 =	simm.s32 $0x180;
	s15 =	simm.s32 $0x1;
	v30 =	vadd.s32 $0x902, v5;
	v31 =	vadd.s32 $0xA82, v5;
	v32 =	vor.u32 $0x3, v5  }
0xf: {  	s16 =	simm.s32 $0x4D80;
	s17 =	simm.s32 $0x2;
	s18 =	simm.s32 $0x100;
	v33 =	vadd.s32 $0x183, v5;
	v34 =	vadd.s32 $0x303, v5;
	v35 =	vadd.s32 $0x483, v5  }
0x10: {  	s8 =	sand.u32 $0x1, s28;
	s10 =	sshll.u32 s0, $0x8;
	[smem:$0x7FF] =	sst s5;
	v36 =	vor.u32 $0x603, v5;
	v37 =	vadd.s32 $0x783, v5;
	v38 =	vadd.s32 $0x903, v5  }
0x11: {  	s31 =	sshll.u32 s0, $0xE;
	s19 =	sshll.u32 s0, $0x6;
	s1 =	rddreg [dreg:$0x0];
	v39 =	vadd.s32 $0xA83, v5;
	v40 =	vor.u32 $0x4, v5;
	v41 =	vadd.s32 $0x184, v5  }
0x12: {  	s11 =	sshll.u32 s8, $0x7;
	s8 =	ssub.s32 $0x2, s8;
	s2 =	rddreg [dreg:$0x1];
	v42 =	vadd.s32 $0x304, v5;
	v43 =	vadd.s32 $0x484, v5;
	v44 =	vor.u32 $0x604, v5  }
0x13: {  	s19 =	sor.u32 $0x1C03, s19;
	[tilespmem:$0x1FFF0] =	vst v0;
	s3 =	rddreg [dreg:$0x6];
	s10 =	sor.u32 s11, s10;
	v45 =	vadd.s32 $0x784, v5;
	v46 =	vadd.s32 $0x904, v5;
	v47 =	vadd.s32 $0xA84, v5  }
0x14: {  	s12 =	sshrl.u32 s8, $0x1;
	v48 =	vor.u32 $0x5, v5;
	v49 =	vadd.s32 $0x185, v5;
	v50 =	vadd.s32 $0x305, v5;
	s11 =	smul.u32 $0x3, s10;
	_ =	strace $0x80000047  }
0x15: {  	v51 =	vadd.s32 $0x485, v5;
	v52 =	vor.u32 $0x605, v5;
	v53 =	vadd.s32 $0x785, v5;
	s29 =	ssub.s32 s8, s12;
	s30 =	sshrl.u32 s10, $0x3;
	s10 =	sshll.u32 s10, $0x4  }
0x16: {  	v54 =	vadd.s32 $0x905, v5;
	v55 =	vadd.s32 $0xA85, v5;
	v56 =	vor.u32 $0x6, v5;
	s8 =	sadd.s32 s31, s4;
	s12 =	simm.s32 $0x80;
	s6 =	sadd.s32 s6, s30  }
0x17: {  	v57 =	vadd.s32 $0x186, v5;
	v58 =	vadd.s32 $0x306, v5;
	v59 =	vadd.s32 $0x486, v5;
	s9 =	sadd.s32 s9, s10;
	s10 =	smax.u32 s29, $0x1;
	s7 =	sadd.s32 s11, s7  }
0x18: {  	v60 =	vor.u32 $0x606, v5;
	v61 =	vadd.s32 $0x786, v5;
	v62 =	vadd.s32 $0x906, v5;
	s20 =	sshrl.u32 s8, $0x3;
	s11 =	simm.s32 $0x3;
	s7 =	sadd.s32 $0x400, s7  }
.LBB2_1:
0x19: {  	[tilespmem:$0x110] =	vst v1  }
0x1a: {  	[tilespmem:$0x120] =	vst v2  }
0x1b: {  	v0 =	vld [tilespmem:$0x1FFF0];
	[tilespmem:$0x130] =	vst v3  }
0x1c: {  	[tilespmem:$0x140] =	vst v4  }
0x1d: {  	[tilespmem:$0x150] =	vst v6  }
0x1e: {  	[tilespmem:$0x160] =	vst v7  }
0x1f: {  	[tilespmem:$0x170] =	vst v8  }
0x20: {  	[tilespmem:$0x100] =	vst v0  }
0x21: {  	[tilespmem:s5], [sflag:$0x3] =	stream.linear.gather [hbm4b:s6+s5], $0x80, $0x38;
	[tilespmem:$0xCD80] =	vst v63  }
0x22: {  	_ =	swait.ge [sflag:s11], $0x80  }
0x23: {  	[sflag:s11] =	ssyncset.done $0x0  }
0x24: {  	[sflag:s11] =	ssyncadd.s32 $0xFFFFFF80  }
0x25: {  	[tilespmem:s13], [sflag:$0x1] =	stream.indirect.gather [hbm4b:s1+s12], $0x80, s5, s12, $0xb8;
	[tilespmem:$0xCD80] =	vst v63  }
0x26: {  	_ = 	snop  }
0x27: {  	[tilespmem:s14], [sflag:$0x3] =	stream.linear.gather [hbm4b:s7+s5], $0xC00, $0x38;
	[tilespmem:$0xCD80] =	vst v63  }
0x28: {  	_ =	swait.ge [sflag:s11], $0xC00  }
0x29: {  	[sflag:s11] =	ssyncset.done $0x0  }
0x2a: {  	[sflag:s11] =	ssyncadd.s32 $0xFFFFF400  }
0x2b: {  	v63 =	vld.idx.msk [tilespmem:v5+s14+$0x0], $0xffff;
	_ =	sdelay $0x4  }
0x2c: {  	[tilespmem:$0x80] =	vst v63  }
0x2d: {  	v63 =	vld.idx.msk [tilespmem:v9+s14+$0x0], $0xffff;
	_ =	sdelay $0x4  }
0x2e: {  	[tilespmem:$0x90] =	vst v63  }
0x2f: {  	v63 =	vld.idx.msk [tilespmem:v10+s14+$0x0], $0xffff;
	_ =	sdelay $0x4  }
0x30: {  	[tilespmem:$0xA0] =	vst v63  }
0x31: {  	v63 =	vld.idx.msk [tilespmem:v11+s14+$0x0], $0xffff;
	_ =	sdelay $0x4  }
0x32: {  	[tilespmem:$0xB0] =	vst v63  }
0x33: {  	v63 =	vld.idx.msk [tilespmem:v12+s14+$0x0], $0xffff;
	_ =	sdelay $0x4  }
0x34: {  	[tilespmem:$0xC0] =	vst v63  }
0x35: {  	v63 =	vld.idx.msk [tilespmem:v13+s14+$0x0], $0xffff;
	_ =	sdelay $0x4  }
0x36: {  	[tilespmem:$0xD0] =	vst v63  }
0x37: {  	v63 =	vld.idx.msk [tilespmem:v14+s14+$0x0], $0xffff;
	_ =	sdelay $0x4  }
0x38: {  	[tilespmem:$0xE0] =	vst v63  }
0x39: {  	v63 =	vld.idx.msk [tilespmem:v15+s14+$0x0], $0xffff;
	_ =	sdelay $0x4  }
0x3a: {  	[tilespmem:$0xF0] =	vst v63  }
0x3b: {  	_ =	swait.ge [sflag:s15], $0x4000  }
0x3c: {  	[sflag:s15] =	ssyncset.done $0x0  }
0x3d: {  	[sflag:s15] =	ssyncadd.s32 $0xFFFFC000  }
0x3e: {  	[spmem:s8] =	stream.linear.scatter [tilespmem:s13], [sflag:$0x3], $0x4000, $0x38;
	[tilespmem:$0xCD80] =	vst v63  }
0x3f: {  	_ =	swait.ge [sflag:s11], $0x4000  }
0x40: {  	[sflag:s11] =	ssyncset.done $0x0  }
0x41: {  	[sflag:s11] =	ssyncadd.s32 $0xFFFFC000  }
0x42: {  	[tilespmem:s16], [sflag:$0x2] =	stream.indirect.gather [hbm4b:s2+s12], $0x80, s12, s12, $0xb8;
	[tilespmem:$0xCD80] =	vst v63  }
0x43: {  	v63 =	vld.idx.msk [tilespmem:v16+s14+$0x0], $0xffff;
	_ =	sdelay $0x4  }
0x44: {  	[tilespmem:$0x0] =	vst v63  }
0x45: {  	v63 =	vld.idx.msk [tilespmem:v17+s14+$0x0], $0xffff;
	_ =	sdelay $0x4  }
0x46: {  	[tilespmem:$0x10] =	vst v63  }
0x47: {  	v63 =	vld.idx.msk [tilespmem:v18+s14+$0x0], $0xffff;
	_ =	sdelay $0x4  }
0x48: {  	[tilespmem:$0x20] =	vst v63  }
0x49: {  	v63 =	vld.idx.msk [tilespmem:v19+s14+$0x0], $0xffff;
	_ =	sdelay $0x4  }
0x4a: {  	[tilespmem:$0x30] =	vst v63  }
0x4b: {  	v63 =	vld.idx.msk [tilespmem:v20+s14+$0x0], $0xffff;
	_ =	sdelay $0x4  }
0x4c: {  	[tilespmem:$0x40] =	vst v63  }
0x4d: {  	v63 =	vld.idx.msk [tilespmem:v21+s14+$0x0], $0xffff;
	_ =	sdelay $0x4  }
0x4e: {  	[tilespmem:$0x50] =	vst v63  }
0x4f: {  	v63 =	vld.idx.msk [tilespmem:v22+s14+$0x0], $0xffff;
	_ =	sdelay $0x4  }
0x50: {  	[tilespmem:$0x60] =	vst v63  }
0x51: {  	v63 =	vld.idx.msk [tilespmem:v23+s14+$0x0], $0xffff;
	_ =	sdelay $0x4  }
0x52: {  	[tilespmem:$0x70] =	vst v63  }
0x53: {  	[tilespmem:s13], [sflag:$0x1] =	stream.indirect.gather [hbm4b:s2+s12], $0x80, s5, s12, $0xb8;
	[tilespmem:$0xCD80] =	vst v63  }
0x54: {  	_ =	swait.ge [sflag:s17], $0x4000  }
0x55: {  	[sflag:s17] =	ssyncset.done $0x0  }
0x56: {  	[sflag:s17] =	ssyncadd.s32 $0xFFFFC000  }
0x57: {  	[spmem:s4] =	stream.indirect.scatter.add.f32 [tilespmem:s16], [sflag:$0x3], $0x80, s18, s12, $0xb8;
	[tilespmem:$0xCD80] =	vst v63  }
0x58: {  	_ =	swait.ge [sflag:s11], $0x4000  }
0x59: {  	[sflag:s11] =	ssyncset.done $0x0  }
0x5a: {  	[sflag:s11] =	ssyncadd.s32 $0xFFFFC000  }
0x5b: {  	v63 =	vld.idx.msk [tilespmem:v24+s14+$0x0], $0xffff;
	_ =	sdelay $0x4  }
0x5c: {  	[tilespmem:$0x80] =	vst v63  }
0x5d: {  	v63 =	vld.idx.msk [tilespmem:v25+s14+$0x0], $0xffff;
	_ =	sdelay $0x4  }
0x5e: {  	[tilespmem:$0x90] =	vst v63  }
0x5f: {  	v63 =	vld.idx.msk [tilespmem:v26+s14+$0x0], $0xffff;
	_ =	sdelay $0x4  }
0x60: {  	[tilespmem:$0xA0] =	vst v63  }
0x61: {  	v63 =	vld.idx.msk [tilespmem:v27+s14+$0x0], $0xffff;
	_ =	sdelay $0x4  }
0x62: {  	[tilespmem:$0xB0] =	vst v63  }
0x63: {  	v63 =	vld.idx.msk [tilespmem:v28+s14+$0x0], $0xffff;
	_ =	sdelay $0x4  }
0x64: {  	[tilespmem:$0xC0] =	vst v63  }
0x65: {  	v63 =	vld.idx.msk [tilespmem:v29+s14+$0x0], $0xffff;
	_ =	sdelay $0x4  }
0x66: {  	[tilespmem:$0xD0] =	vst v63  }
0x67: {  	v63 =	vld.idx.msk [tilespmem:v30+s14+$0x0], $0xffff;
	_ =	sdelay $0x4  }
0x68: {  	[tilespmem:$0xE0] =	vst v63  }
0x69: {  	v63 =	vld.idx.msk [tilespmem:v31+s14+$0x0], $0xffff;
	_ =	sdelay $0x4  }
0x6a: {  	[tilespmem:$0xF0] =	vst v63  }
0x6b: {  	[tilespmem:s16], [sflag:$0x2] =	stream.indirect.gather [hbm4b:s2+s12], $0x80, s12, s12, $0xb8;
	[tilespmem:$0xCD80] =	vst v63  }
0x6c: {  	_ =	swait.ge [sflag:s15], $0x4000  }
0x6d: {  	[sflag:s15] =	ssyncset.done $0x0  }
0x6e: {  	[sflag:s15] =	ssyncadd.s32 $0xFFFFC000  }
0x6f: {  	[spmem:s4] =	stream.indirect.scatter.add.f32 [tilespmem:s13], [sflag:$0x3], $0x80, s18, s12, $0xb8;
	[tilespmem:$0xCD80] =	vst v63  }
0x70: {  	_ =	swait.ge [sflag:s11], $0x4000  }
0x71: {  	[sflag:s11] =	ssyncset.done $0x0  }
0x72: {  	[sflag:s11] =	ssyncadd.s32 $0xFFFFC000  }
0x73: {  	v63 =	vld.idx.msk [tilespmem:v32+s14+$0x0], $0xffff;
	_ =	sdelay $0x4  }
0x74: {  	[tilespmem:$0x0] =	vst v63  }
0x75: {  	v63 =	vld.idx.msk [tilespmem:v33+s14+$0x0], $0xffff;
	_ =	sdelay $0x4  }
0x76: {  	[tilespmem:$0x10] =	vst v63  }
0x77: {  	v63 =	vld.idx.msk [tilespmem:v34+s14+$0x0], $0xffff;
	_ =	sdelay $0x4  }
0x78: {  	[tilespmem:$0x20] =	vst v63  }
0x79: {  	v63 =	vld.idx.msk [tilespmem:v35+s14+$0x0], $0xffff;
	_ =	sdelay $0x4  }
0x7a: {  	[tilespmem:$0x30] =	vst v63  }
0x7b: {  	v63 =	vld.idx.msk [tilespmem:v36+s14+$0x0], $0xffff;
	_ =	sdelay $0x4  }
0x7c: {  	[tilespmem:$0x40] =	vst v63  }
0x7d: {  	v63 =	vld.idx.msk [tilespmem:v37+s14+$0x0], $0xffff;
	_ =	sdelay $0x4  }
0x7e: {  	[tilespmem:$0x50] =	vst v63  }
0x7f: {  	v63 =	vld.idx.msk [tilespmem:v38+s14+$0x0], $0xffff;
	_ =	sdelay $0x4  }
0x80: {  	[tilespmem:$0x60] =	vst v63  }
0x81: {  	v63 =	vld.idx.msk [tilespmem:v39+s14+$0x0], $0xffff;
	_ =	sdelay $0x4  }
0x82: {  	[tilespmem:$0x70] =	vst v63  }
0x83: {  	[tilespmem:s13], [sflag:$0x1] =	stream.indirect.gather [hbm4b:s2+s12], $0x80, s5, s12, $0xb8;
	[tilespmem:$0xCD80] =	vst v63  }
0x84: {  	_ =	swait.ge [sflag:s17], $0x4000  }
0x85: {  	[sflag:s17] =	ssyncset.done $0x0  }
0x86: {  	[sflag:s17] =	ssyncadd.s32 $0xFFFFC000  }
0x87: {  	[spmem:s4] =	stream.indirect.scatter.add.f32 [tilespmem:s16], [sflag:$0x3], $0x80, s18, s12, $0xb8;
	[tilespmem:$0xCD80] =	vst v63  }
0x88: {  	_ =	swait.ge [sflag:s11], $0x4000  }
0x89: {  	[sflag:s11] =	ssyncset.done $0x0  }
0x8a: {  	[sflag:s11] =	ssyncadd.s32 $0xFFFFC000  }
0x8b: {  	v63 =	vld.idx.msk [tilespmem:v40+s14+$0x0], $0xffff;
	_ =	sdelay $0x4  }
0x8c: {  	[tilespmem:$0x80] =	vst v63  }
0x8d: {  	v63 =	vld.idx.msk [tilespmem:v41+s14+$0x0], $0xffff;
	_ =	sdelay $0x4  }
0x8e: {  	[tilespmem:$0x90] =	vst v63  }
0x8f: {  	v63 =	vld.idx.msk [tilespmem:v42+s14+$0x0], $0xffff;
	_ =	sdelay $0x4  }
0x90: {  	[tilespmem:$0xA0] =	vst v63  }
0x91: {  	v63 =	vld.idx.msk [tilespmem:v43+s14+$0x0], $0xffff;
	_ =	sdelay $0x4  }
0x92: {  	[tilespmem:$0xB0] =	vst v63  }
0x93: {  	v63 =	vld.idx.msk [tilespmem:v44+s14+$0x0], $0xffff;
	_ =	sdelay $0x4  }
0x94: {  	[tilespmem:$0xC0] =	vst v63  }
0x95: {  	v63 =	vld.idx.msk [tilespmem:v45+s14+$0x0], $0xffff;
	_ =	sdelay $0x4  }
0x96: {  	[tilespmem:$0xD0] =	vst v63  }
0x97: {  	v63 =	vld.idx.msk [tilespmem:v46+s14+$0x0], $0xffff;
	_ =	sdelay $0x4  }
0x98: {  	[tilespmem:$0xE0] =	vst v63  }
0x99: {  	v63 =	vld.idx.msk [tilespmem:v47+s14+$0x0], $0xffff;
	_ =	sdelay $0x4  }
0x9a: {  	[tilespmem:$0xF0] =	vst v63  }
0x9b: {  	[tilespmem:s16], [sflag:$0x2] =	stream.indirect.gather [hbm4b:s2+s12], $0x80, s12, s12, $0xb8;
	[tilespmem:$0xCD80] =	vst v63  }
0x9c: {  	_ =	swait.ge [sflag:s15], $0x4000  }
0x9d: {  	[sflag:s15] =	ssyncset.done $0x0  }
0x9e: {  	[sflag:s15] =	ssyncadd.s32 $0xFFFFC000  }
0x9f: {  	[spmem:s4] =	stream.indirect.scatter.add.f32 [tilespmem:s13], [sflag:$0x3], $0x80, s18, s12, $0xb8;
	[tilespmem:$0xCD80] =	vst v63  }
0xa0: {  	_ =	swait.ge [sflag:s11], $0x4000  }
0xa1: {  	[sflag:s11] =	ssyncset.done $0x0  }
0xa2: {  	[sflag:s11] =	ssyncadd.s32 $0xFFFFC000  }
0xa3: {  	v63 =	vld.idx.msk [tilespmem:v48+s14+$0x0], $0xffff;
	_ =	sdelay $0x4  }
0xa4: {  	[tilespmem:$0x0] =	vst v63  }
0xa5: {  	v63 =	vld.idx.msk [tilespmem:v49+s14+$0x0], $0xffff;
	_ =	sdelay $0x4  }
0xa6: {  	[tilespmem:$0x10] =	vst v63  }
0xa7: {  	v63 =	vld.idx.msk [tilespmem:v50+s14+$0x0], $0xffff;
	_ =	sdelay $0x4  }
0xa8: {  	[tilespmem:$0x20] =	vst v63  }
0xa9: {  	v63 =	vld.idx.msk [tilespmem:v51+s14+$0x0], $0xffff;
	_ =	sdelay $0x4  }
0xaa: {  	[tilespmem:$0x30] =	vst v63  }
0xab: {  	v63 =	vld.idx.msk [tilespmem:v52+s14+$0x0], $0xffff;
	_ =	sdelay $0x4  }
0xac: {  	[tilespmem:$0x40] =	vst v63  }
0xad: {  	v63 =	vld.idx.msk [tilespmem:v53+s14+$0x0], $0xffff;
	_ =	sdelay $0x4  }
0xae: {  	[tilespmem:$0x50] =	vst v63  }
0xaf: {  	v63 =	vld.idx.msk [tilespmem:v54+s14+$0x0], $0xffff;
	_ =	sdelay $0x4  }
0xb0: {  	[tilespmem:$0x60] =	vst v63  }
0xb1: {  	v63 =	vld.idx.msk [tilespmem:v55+s14+$0x0], $0xffff;
	_ =	sdelay $0x4  }
0xb2: {  	[tilespmem:$0x70] =	vst v63  }
0xb3: {  	[tilespmem:s13], [sflag:$0x1] =	stream.indirect.gather [hbm4b:s2+s12], $0x80, s5, s12, $0xb8;
	[tilespmem:$0xCD80] =	vst v63  }
0xb4: {  	_ =	swait.ge [sflag:s17], $0x4000  }
0xb5: {  	[sflag:s17] =	ssyncset.done $0x0  }
0xb6: {  	[sflag:s17] =	ssyncadd.s32 $0xFFFFC000  }
0xb7: {  	[spmem:s4] =	stream.indirect.scatter.add.f32 [tilespmem:s16], [sflag:$0x3], $0x80, s18, s12, $0xb8;
	[tilespmem:$0xCD80] =	vst v63  }
0xb8: {  	_ =	swait.ge [sflag:s11], $0x4000  }
0xb9: {  	[sflag:s11] =	ssyncset.done $0x0  }
0xba: {  	[sflag:s11] =	ssyncadd.s32 $0xFFFFC000  }
0xbb: {  	v63 =	vld.idx.msk [tilespmem:v56+s14+$0x0], $0xffff;
	_ =	sdelay $0x4  }
0xbc: {  	[tilespmem:$0x80] =	vst v63  }
0xbd: {  	v63 =	vld.idx.msk [tilespmem:v57+s14+$0x0], $0xffff;
	_ =	sdelay $0x4  }
0xbe: {  	[tilespmem:$0x90] =	vst v63  }
0xbf: {  	v63 =	vld.idx.msk [tilespmem:v58+s14+$0x0], $0xffff;
	_ =	sdelay $0x4  }
0xc0: {  	[tilespmem:$0xA0] =	vst v63  }
0xc1: {  	v63 =	vld.idx.msk [tilespmem:v59+s14+$0x0], $0xffff;
	_ =	sdelay $0x4  }
0xc2: {  	[tilespmem:$0xB0] =	vst v63  }
0xc3: {  	v63 =	vld.idx.msk [tilespmem:v60+s14+$0x0], $0xffff;
	_ =	sdelay $0x4  }
0xc4: {  	[tilespmem:$0xC0] =	vst v63  }
0xc5: {  	v63 =	vld.idx.msk [tilespmem:v61+s14+$0x0], $0xffff;
	_ =	sdelay $0x4  }
0xc6: {  	[tilespmem:$0xD0] =	vst v63  }
0xc7: {  	v63 =	vld.idx.msk [tilespmem:v62+s14+$0x0], $0xffff  }
0xc8: {  	v0 =	vadd.s32 $0xA86, v5;
	_ =	sdelay $0x3  }
0xc9: {  	[tilespmem:$0xE0] =	vst v63  }
0xca: {  	v0 =	vld.idx.msk [tilespmem:v0+s14+$0x0], $0xffff;
	_ =	sdelay $0x4  }
0xcb: {  	[tilespmem:$0xF0] =	vst v0  }
0xcc: {  	[tilespmem:s16], [sflag:$0x2] =	stream.indirect.gather [hbm4b:s2+s12], $0x80, s12, s12, $0xb8;
	[tilespmem:$0xCD80] =	vst v63  }
0xcd: {  	_ =	swait.ge [sflag:s15], $0x4000  }
0xce: {  	[sflag:s15] =	ssyncset.done $0x0  }
0xcf: {  	v0 =	vor.u32 $0x7, v5;
	[sflag:s15] =	ssyncadd.s32 $0xFFFFC000  }
0xd0: {  	[spmem:s4] =	stream.indirect.scatter.add.f32 [tilespmem:s13], [sflag:$0x3], $0x80, s18, s12, $0xb8;
	[tilespmem:$0xCD80] =	vst v63  }
0xd1: {  	_ =	swait.ge [sflag:s11], $0x4000  }
0xd2: {  	[sflag:s11] =	ssyncset.done $0x0  }
0xd3: {  	[sflag:s11] =	ssyncadd.s32 $0xFFFFC000  }
0xd4: {  	v0 =	vld.idx.msk [tilespmem:v0+s14+$0x0], $0xffff  }
0xd5: {  	v63 =	vadd.s32 $0x187, v5;
	_ =	sdelay $0x3  }
0xd6: {  	[tilespmem:$0x0] =	vst v0  }
0xd7: {  	v0 =	vld.idx.msk [tilespmem:v63+s14+$0x0], $0xffff  }
0xd8: {  	v63 =	vadd.s32 $0x307, v5;
	_ =	sdelay $0x3  }
0xd9: {  	[tilespmem:$0x10] =	vst v0  }
0xda: {  	v0 =	vld.idx.msk [tilespmem:v63+s14+$0x0], $0xffff  }
0xdb: {  	v63 =	vadd.s32 $0x487, v5;
	_ =	sdelay $0x3  }
0xdc: {  	[tilespmem:$0x20] =	vst v0  }
0xdd: {  	v0 =	vld.idx.msk [tilespmem:v63+s14+$0x0], $0xffff  }
0xde: {  	v63 =	vor.u32 $0x607, v5;
	_ =	sdelay $0x3  }
0xdf: {  	[tilespmem:$0x30] =	vst v0  }
0xe0: {  	v0 =	vld.idx.msk [tilespmem:v63+s14+$0x0], $0xffff  }
0xe1: {  	v63 =	vadd.s32 $0x787, v5;
	_ =	sdelay $0x3  }
0xe2: {  	[tilespmem:$0x40] =	vst v0  }
0xe3: {  	v0 =	vld.idx.msk [tilespmem:v63+s14+$0x0], $0xffff  }
0xe4: {  	v63 =	vadd.s32 $0x907, v5;
	_ =	sdelay $0x3  }
0xe5: {  	[tilespmem:$0x50] =	vst v0  }
0xe6: {  	v0 =	vld.idx.msk [tilespmem:v63+s14+$0x0], $0xffff  }
0xe7: {  	v63 =	vadd.s32 $0xA87, v5;
	_ =	sdelay $0x3  }
0xe8: {  	[tilespmem:$0x60] =	vst v0  }
0xe9: {  	v0 =	vld.idx.msk [tilespmem:v63+s14+$0x0], $0xffff;
	_ =	sdelay $0x4  }
0xea: {  	[tilespmem:$0x70] =	vst v0  }
0xeb: {  	[tilespmem:s13], [sflag:$0x1] =	stream.indirect.gather [hbm4b:s2+s12], $0x80, s5, s12, $0xb8;
	[tilespmem:$0xCD80] =	vst v63  }
0xec: {  	_ =	swait.ge [sflag:s17], $0x4000  }
0xed: {  	[sflag:s17] =	ssyncset.done $0x0  }
0xee: {  	v0 =	vadd.s32 $0x8, v5;
	[sflag:s17] =	ssyncadd.s32 $0xFFFFC000  }
0xef: {  	[spmem:s4] =	stream.indirect.scatter.add.f32 [tilespmem:s16], [sflag:$0x3], $0x80, s18, s12, $0xb8;
	[tilespmem:$0xCD80] =	vst v63  }
0xf0: {  	_ =	swait.ge [sflag:s11], $0x4000  }
0xf1: {  	[sflag:s11] =	ssyncset.done $0x0  }
0xf2: {  	[sflag:s11] =	ssyncadd.s32 $0xFFFFC000  }
0xf3: {  	v0 =	vld.idx.msk [tilespmem:v0+s14+$0x0], $0xffff  }
0xf4: {  	v63 =	vadd.s32 $0x188, v5;
	_ =	sdelay $0x3  }
0xf5: {  	[tilespmem:$0x80] =	vst v0  }
0xf6: {  	v0 =	vld.idx.msk [tilespmem:v63+s14+$0x0], $0xffff  }
0xf7: {  	v63 =	vadd.s32 $0x308, v5;
	_ =	sdelay $0x3  }
0xf8: {  	[tilespmem:$0x90] =	vst v0  }
0xf9: {  	v0 =	vld.idx.msk [tilespmem:v63+s14+$0x0], $0xffff  }
0xfa: {  	v63 =	vadd.s32 $0x488, v5;
	_ =	sdelay $0x3  }
0xfb: {  	[tilespmem:$0xA0] =	vst v0  }
0xfc: {  	v0 =	vld.idx.msk [tilespmem:v63+s14+$0x0], $0xffff  }
0xfd: {  	v63 =	vadd.s32 $0x608, v5;
	_ =	sdelay $0x3  }
0xfe: {  	[tilespmem:$0xB0] =	vst v0  }
0xff: {  	v0 =	vld.idx.msk [tilespmem:v63+s14+$0x0], $0xffff  }
0x100: {  	v63 =	vadd.s32 $0x788, v5;
	_ =	sdelay $0x3  }
0x101: {  	[tilespmem:$0xC0] =	vst v0  }
0x102: {  	v0 =	vld.idx.msk [tilespmem:v63+s14+$0x0], $0xffff  }
0x103: {  	v63 =	vadd.s32 $0x908, v5;
	_ =	sdelay $0x3  }
0x104: {  	[tilespmem:$0xD0] =	vst v0  }
0x105: {  	v0 =	vld.idx.msk [tilespmem:v63+s14+$0x0], $0xffff  }
0x106: {  	v63 =	vadd.s32 $0xA88, v5;
	_ =	sdelay $0x3  }
0x107: {  	[tilespmem:$0xE0] =	vst v0  }
0x108: {  	v0 =	vld.idx.msk [tilespmem:v63+s14+$0x0], $0xffff;
	_ =	sdelay $0x4  }
0x109: {  	[tilespmem:$0xF0] =	vst v0  }
0x10a: {  	[tilespmem:s16], [sflag:$0x2] =	stream.indirect.gather [hbm4b:s2+s12], $0x80, s12, s12, $0xb8;
	[tilespmem:$0xCD80] =	vst v63  }
0x10b: {  	_ =	swait.ge [sflag:s15], $0x4000  }
0x10c: {  	[sflag:s15] =	ssyncset.done $0x0  }
0x10d: {  	v0 =	vadd.s32 $0x9, v5;
	[sflag:s15] =	ssyncadd.s32 $0xFFFFC000  }
0x10e: {  	[spmem:s4] =	stream.indirect.scatter.add.f32 [tilespmem:s13], [sflag:$0x3], $0x80, s18, s12, $0xb8;
	[tilespmem:$0xCD80] =	vst v63  }
0x10f: {  	_ =	swait.ge [sflag:s11], $0x4000  }
0x110: {  	[sflag:s11] =	ssyncset.done $0x0  }
0x111: {  	[sflag:s11] =	ssyncadd.s32 $0xFFFFC000  }
0x112: {  	v0 =	vld.idx.msk [tilespmem:v0+s14+$0x0], $0xffff  }
0x113: {  	v63 =	vadd.s32 $0x189, v5;
	_ =	sdelay $0x3  }
0x114: {  	[tilespmem:$0x0] =	vst v0  }
0x115: {  	v0 =	vld.idx.msk [tilespmem:v63+s14+$0x0], $0xffff  }
0x116: {  	v63 =	vadd.s32 $0x309, v5;
	_ =	sdelay $0x3  }
0x117: {  	[tilespmem:$0x10] =	vst v0  }
0x118: {  	v0 =	vld.idx.msk [tilespmem:v63+s14+$0x0], $0xffff  }
0x119: {  	v63 =	vadd.s32 $0x489, v5;
	_ =	sdelay $0x3  }
0x11a: {  	[tilespmem:$0x20] =	vst v0  }
0x11b: {  	v0 =	vld.idx.msk [tilespmem:v63+s14+$0x0], $0xffff  }
0x11c: {  	v63 =	vadd.s32 $0x609, v5;
	_ =	sdelay $0x3  }
0x11d: {  	[tilespmem:$0x30] =	vst v0  }
0x11e: {  	v0 =	vld.idx.msk [tilespmem:v63+s14+$0x0], $0xffff  }
0x11f: {  	v63 =	vadd.s32 $0x789, v5;
	_ =	sdelay $0x3  }
0x120: {  	[tilespmem:$0x40] =	vst v0  }
0x121: {  	v0 =	vld.idx.msk [tilespmem:v63+s14+$0x0], $0xffff  }
0x122: {  	v63 =	vadd.s32 $0x909, v5;
	_ =	sdelay $0x3  }
0x123: {  	[tilespmem:$0x50] =	vst v0  }
0x124: {  	v0 =	vld.idx.msk [tilespmem:v63+s14+$0x0], $0xffff  }
0x125: {  	v63 =	vadd.s32 $0xA89, v5;
	_ =	sdelay $0x3  }
0x126: {  	[tilespmem:$0x60] =	vst v0  }
0x127: {  	v0 =	vld.idx.msk [tilespmem:v63+s14+$0x0], $0xffff;
	_ =	sdelay $0x4  }
0x128: {  	[tilespmem:$0x70] =	vst v0  }
0x129: {  	[tilespmem:s13], [sflag:$0x1] =	stream.indirect.gather [hbm4b:s2+s12], $0x80, s5, s12, $0xb8;
	[tilespmem:$0xCD80] =	vst v63  }
0x12a: {  	_ =	swait.ge [sflag:s17], $0x4000  }
0x12b: {  	[sflag:s17] =	ssyncset.done $0x0  }
0x12c: {  	v0 =	vadd.s32 $0xA, v5;
	[sflag:s17] =	ssyncadd.s32 $0xFFFFC000  }
0x12d: {  	[spmem:s4] =	stream.indirect.scatter.add.f32 [tilespmem:s16], [sflag:$0x3], $0x80, s18, s12, $0xb8;
	[tilespmem:$0xCD80] =	vst v63  }
0x12e: {  	_ =	swait.ge [sflag:s11], $0x4000  }
0x12f: {  	[sflag:s11] =	ssyncset.done $0x0  }
0x130: {  	[sflag:s11] =	ssyncadd.s32 $0xFFFFC000  }
0x131: {  	v0 =	vld.idx.msk [tilespmem:v0+s14+$0x0], $0xffff  }
0x132: {  	v63 =	vadd.s32 $0x18A, v5;
	_ =	sdelay $0x3  }
0x133: {  	[tilespmem:$0x80] =	vst v0  }
0x134: {  	v0 =	vld.idx.msk [tilespmem:v63+s14+$0x0], $0xffff  }
0x135: {  	v63 =	vadd.s32 $0x30A, v5;
	_ =	sdelay $0x3  }
0x136: {  	[tilespmem:$0x90] =	vst v0  }
0x137: {  	v0 =	vld.idx.msk [tilespmem:v63+s14+$0x0], $0xffff  }
0x138: {  	v63 =	vadd.s32 $0x48A, v5;
	_ =	sdelay $0x3  }
0x139: {  	[tilespmem:$0xA0] =	vst v0  }
0x13a: {  	v0 =	vld.idx.msk [tilespmem:v63+s14+$0x0], $0xffff  }
0x13b: {  	v63 =	vadd.s32 $0x60A, v5;
	_ =	sdelay $0x3  }
0x13c: {  	[tilespmem:$0xB0] =	vst v0  }
0x13d: {  	v0 =	vld.idx.msk [tilespmem:v63+s14+$0x0], $0xffff  }
0x13e: {  	v63 =	vadd.s32 $0x78A, v5;
	_ =	sdelay $0x3  }
0x13f: {  	[tilespmem:$0xC0] =	vst v0  }
0x140: {  	v0 =	vld.idx.msk [tilespmem:v63+s14+$0x0], $0xffff  }
0x141: {  	v63 =	vadd.s32 $0x90A, v5;
	_ =	sdelay $0x3  }
0x142: {  	[tilespmem:$0xD0] =	vst v0  }
0x143: {  	v0 =	vld.idx.msk [tilespmem:v63+s14+$0x0], $0xffff  }
0x144: {  	v63 =	vadd.s32 $0xA8A, v5;
	_ =	sdelay $0x3  }
0x145: {  	[tilespmem:$0xE0] =	vst v0  }
0x146: {  	v0 =	vld.idx.msk [tilespmem:v63+s14+$0x0], $0xffff;
	_ =	sdelay $0x4  }
0x147: {  	[tilespmem:$0xF0] =	vst v0  }
0x148: {  	[tilespmem:s16], [sflag:$0x2] =	stream.indirect.gather [hbm4b:s2+s12], $0x80, s12, s12, $0xb8;
	[tilespmem:$0xCD80] =	vst v63  }
0x149: {  	_ =	swait.ge [sflag:s15], $0x4000  }
0x14a: {  	[sflag:s15] =	ssyncset.done $0x0  }
0x14b: {  	v0 =	vadd.s32 $0xB, v5;
	[sflag:s15] =	ssyncadd.s32 $0xFFFFC000  }
0x14c: {  	[spmem:s4] =	stream.indirect.scatter.add.f32 [tilespmem:s13], [sflag:$0x3], $0x80, s18, s12, $0xb8;
	[tilespmem:$0xCD80] =	vst v63  }
0x14d: {  	_ =	swait.ge [sflag:s11], $0x4000  }
0x14e: {  	[sflag:s11] =	ssyncset.done $0x0  }
0x14f: {  	[sflag:s11] =	ssyncadd.s32 $0xFFFFC000  }
0x150: {  	v0 =	vld.idx.msk [tilespmem:v0+s14+$0x0], $0xffff  }
0x151: {  	v63 =	vadd.s32 $0x18B, v5;
	_ =	sdelay $0x3  }
0x152: {  	[tilespmem:$0x0] =	vst v0  }
0x153: {  	v0 =	vld.idx.msk [tilespmem:v63+s14+$0x0], $0xffff  }
0x154: {  	v63 =	vadd.s32 $0x30B, v5;
	_ =	sdelay $0x3  }
0x155: {  	[tilespmem:$0x10] =	vst v0  }
0x156: {  	v0 =	vld.idx.msk [tilespmem:v63+s14+$0x0], $0xffff  }
0x157: {  	v63 =	vadd.s32 $0x48B, v5;
	_ =	sdelay $0x3  }
0x158: {  	[tilespmem:$0x20] =	vst v0  }
0x159: {  	v0 =	vld.idx.msk [tilespmem:v63+s14+$0x0], $0xffff  }
0x15a: {  	v63 =	vadd.s32 $0x60B, v5;
	_ =	sdelay $0x3  }
0x15b: {  	[tilespmem:$0x30] =	vst v0  }
0x15c: {  	v0 =	vld.idx.msk [tilespmem:v63+s14+$0x0], $0xffff  }
0x15d: {  	v63 =	vadd.s32 $0x78B, v5;
	_ =	sdelay $0x3  }
0x15e: {  	[tilespmem:$0x40] =	vst v0  }
0x15f: {  	v0 =	vld.idx.msk [tilespmem:v63+s14+$0x0], $0xffff  }
0x160: {  	v63 =	vadd.s32 $0x90B, v5;
	_ =	sdelay $0x3  }
0x161: {  	[tilespmem:$0x50] =	vst v0  }
0x162: {  	v0 =	vld.idx.msk [tilespmem:v63+s14+$0x0], $0xffff  }
0x163: {  	v63 =	vadd.s32 $0xA8B, v5;
	_ =	sdelay $0x3  }
0x164: {  	[tilespmem:$0x60] =	vst v0  }
0x165: {  	v0 =	vld.idx.msk [tilespmem:v63+s14+$0x0], $0xffff;
	_ =	sdelay $0x4  }
0x166: {  	[tilespmem:$0x70] =	vst v0  }
0x167: {  	[tilespmem:s13], [sflag:$0x1] =	stream.indirect.gather [hbm4b:s2+s12], $0x80, s5, s12, $0xb8;
	[tilespmem:$0xCD80] =	vst v63  }
0x168: {  	_ =	swait.ge [sflag:s17], $0x4000  }
0x169: {  	[sflag:s17] =	ssyncset.done $0x0  }
0x16a: {  	v0 =	vadd.s32 $0xC, v5;
	[sflag:s17] =	ssyncadd.s32 $0xFFFFC000  }
0x16b: {  	[spmem:s4] =	stream.indirect.scatter.add.f32 [tilespmem:s16], [sflag:$0x3], $0x80, s18, s12, $0xb8;
	[tilespmem:$0xCD80] =	vst v63  }
0x16c: {  	_ =	swait.ge [sflag:s11], $0x4000  }
0x16d: {  	[sflag:s11] =	ssyncset.done $0x0  }
0x16e: {  	[sflag:s11] =	ssyncadd.s32 $0xFFFFC000  }
0x16f: {  	v0 =	vld.idx.msk [tilespmem:v0+s14+$0x0], $0xffff  }
0x170: {  	v63 =	vadd.s32 $0x18C, v5;
	_ =	sdelay $0x3  }
0x171: {  	[tilespmem:$0x80] =	vst v0  }
0x172: {  	v0 =	vld.idx.msk [tilespmem:v63+s14+$0x0], $0xffff  }
0x173: {  	v63 =	vadd.s32 $0x30C, v5;
	_ =	sdelay $0x3  }
0x174: {  	[tilespmem:$0x90] =	vst v0  }
0x175: {  	v0 =	vld.idx.msk [tilespmem:v63+s14+$0x0], $0xffff  }
0x176: {  	v63 =	vadd.s32 $0x48C, v5;
	_ =	sdelay $0x3  }
0x177: {  	[tilespmem:$0xA0] =	vst v0  }
0x178: {  	v0 =	vld.idx.msk [tilespmem:v63+s14+$0x0], $0xffff  }
0x179: {  	v63 =	vadd.s32 $0x60C, v5;
	_ =	sdelay $0x3  }
0x17a: {  	[tilespmem:$0xB0] =	vst v0  }
0x17b: {  	v0 =	vld.idx.msk [tilespmem:v63+s14+$0x0], $0xffff  }
0x17c: {  	v63 =	vadd.s32 $0x78C, v5;
	_ =	sdelay $0x3  }
0x17d: {  	[tilespmem:$0xC0] =	vst v0  }
0x17e: {  	v0 =	vld.idx.msk [tilespmem:v63+s14+$0x0], $0xffff  }
0x17f: {  	v63 =	vadd.s32 $0x90C, v5;
	_ =	sdelay $0x3  }
0x180: {  	[tilespmem:$0xD0] =	vst v0  }
0x181: {  	v0 =	vld.idx.msk [tilespmem:v63+s14+$0x0], $0xffff  }
0x182: {  	v63 =	vadd.s32 $0xA8C, v5;
	_ =	sdelay $0x3  }
0x183: {  	[tilespmem:$0xE0] =	vst v0  }
0x184: {  	v0 =	vld.idx.msk [tilespmem:v63+s14+$0x0], $0xffff;
	_ =	sdelay $0x4  }
0x185: {  	[tilespmem:$0xF0] =	vst v0  }
0x186: {  	[tilespmem:s16], [sflag:$0x2] =	stream.indirect.gather [hbm4b:s2+s12], $0x80, s12, s12, $0xb8;
	[tilespmem:$0xCD80] =	vst v63  }
0x187: {  	_ =	swait.ge [sflag:s15], $0x4000  }
0x188: {  	[sflag:s15] =	ssyncset.done $0x0  }
0x189: {  	v0 =	vadd.s32 $0xD, v5;
	[sflag:s15] =	ssyncadd.s32 $0xFFFFC000  }
0x18a: {  	[spmem:s4] =	stream.indirect.scatter.add.f32 [tilespmem:s13], [sflag:$0x3], $0x80, s18, s12, $0xb8;
	[tilespmem:$0xCD80] =	vst v63  }
0x18b: {  	_ =	swait.ge [sflag:s11], $0x4000  }
0x18c: {  	[sflag:s11] =	ssyncset.done $0x0  }
0x18d: {  	[sflag:s11] =	ssyncadd.s32 $0xFFFFC000  }
0x18e: {  	v0 =	vld.idx.msk [tilespmem:v0+s14+$0x0], $0xffff  }
0x18f: {  	v63 =	vadd.s32 $0x18D, v5;
	_ =	sdelay $0x3  }
0x190: {  	[tilespmem:$0x0] =	vst v0  }
0x191: {  	v0 =	vld.idx.msk [tilespmem:v63+s14+$0x0], $0xffff  }
0x192: {  	v63 =	vadd.s32 $0x30D, v5;
	_ =	sdelay $0x3  }
0x193: {  	[tilespmem:$0x10] =	vst v0  }
0x194: {  	v0 =	vld.idx.msk [tilespmem:v63+s14+$0x0], $0xffff  }
0x195: {  	v63 =	vadd.s32 $0x48D, v5;
	_ =	sdelay $0x3  }
0x196: {  	[tilespmem:$0x20] =	vst v0  }
0x197: {  	v0 =	vld.idx.msk [tilespmem:v63+s14+$0x0], $0xffff  }
0x198: {  	v63 =	vadd.s32 $0x60D, v5;
	_ =	sdelay $0x3  }
0x199: {  	[tilespmem:$0x30] =	vst v0  }
0x19a: {  	v0 =	vld.idx.msk [tilespmem:v63+s14+$0x0], $0xffff  }
0x19b: {  	v63 =	vadd.s32 $0x78D, v5;
	_ =	sdelay $0x3  }
0x19c: {  	[tilespmem:$0x40] =	vst v0  }
0x19d: {  	v0 =	vld.idx.msk [tilespmem:v63+s14+$0x0], $0xffff  }
0x19e: {  	v63 =	vadd.s32 $0x90D, v5;
	_ =	sdelay $0x3  }
0x19f: {  	[tilespmem:$0x50] =	vst v0  }
0x1a0: {  	v0 =	vld.idx.msk [tilespmem:v63+s14+$0x0], $0xffff  }
0x1a1: {  	v63 =	vadd.s32 $0xA8D, v5;
	_ =	sdelay $0x3  }
0x1a2: {  	[tilespmem:$0x60] =	vst v0  }
0x1a3: {  	v0 =	vld.idx.msk [tilespmem:v63+s14+$0x0], $0xffff;
	_ =	sdelay $0x4  }
0x1a4: {  	[tilespmem:$0x70] =	vst v0  }
0x1a5: {  	[tilespmem:s13], [sflag:$0x1] =	stream.indirect.gather [hbm4b:s2+s12], $0x80, s5, s12, $0xb8;
	[tilespmem:$0xCD80] =	vst v63  }
0x1a6: {  	_ =	swait.ge [sflag:s17], $0x4000  }
0x1a7: {  	[sflag:s17] =	ssyncset.done $0x0  }
0x1a8: {  	v0 =	vadd.s32 $0xE, v5;
	[sflag:s17] =	ssyncadd.s32 $0xFFFFC000  }
0x1a9: {  	[spmem:s4] =	stream.indirect.scatter.add.f32 [tilespmem:s16], [sflag:$0x3], $0x80, s18, s12, $0xb8;
	[tilespmem:$0xCD80] =	vst v63  }
0x1aa: {  	_ =	swait.ge [sflag:s11], $0x4000  }
0x1ab: {  	[sflag:s11] =	ssyncset.done $0x0  }
0x1ac: {  	[sflag:s11] =	ssyncadd.s32 $0xFFFFC000  }
0x1ad: {  	v0 =	vld.idx.msk [tilespmem:v0+s14+$0x0], $0xffff  }
0x1ae: {  	v63 =	vadd.s32 $0x18E, v5;
	_ =	sdelay $0x3  }
0x1af: {  	[tilespmem:$0x80] =	vst v0  }
0x1b0: {  	v0 =	vld.idx.msk [tilespmem:v63+s14+$0x0], $0xffff  }
0x1b1: {  	v63 =	vadd.s32 $0x30E, v5;
	_ =	sdelay $0x3  }
0x1b2: {  	[tilespmem:$0x90] =	vst v0  }
0x1b3: {  	v0 =	vld.idx.msk [tilespmem:v63+s14+$0x0], $0xffff  }
0x1b4: {  	v63 =	vadd.s32 $0x48E, v5;
	_ =	sdelay $0x3  }
0x1b5: {  	[tilespmem:$0xA0] =	vst v0  }
0x1b6: {  	v0 =	vld.idx.msk [tilespmem:v63+s14+$0x0], $0xffff  }
0x1b7: {  	v63 =	vadd.s32 $0x60E, v5;
	_ =	sdelay $0x3  }
0x1b8: {  	[tilespmem:$0xB0] =	vst v0  }
0x1b9: {  	v0 =	vld.idx.msk [tilespmem:v63+s14+$0x0], $0xffff  }
0x1ba: {  	v63 =	vadd.s32 $0x78E, v5;
	_ =	sdelay $0x3  }
0x1bb: {  	[tilespmem:$0xC0] =	vst v0  }
0x1bc: {  	v0 =	vld.idx.msk [tilespmem:v63+s14+$0x0], $0xffff  }
0x1bd: {  	v63 =	vadd.s32 $0x90E, v5;
	_ =	sdelay $0x3  }
0x1be: {  	[tilespmem:$0xD0] =	vst v0  }
0x1bf: {  	v0 =	vld.idx.msk [tilespmem:v63+s14+$0x0], $0xffff  }
0x1c0: {  	v63 =	vadd.s32 $0xA8E, v5;
	_ =	sdelay $0x3  }
0x1c1: {  	[tilespmem:$0xE0] =	vst v0  }
0x1c2: {  	v0 =	vld.idx.msk [tilespmem:v63+s14+$0x0], $0xffff;
	_ =	sdelay $0x4  }
0x1c3: {  	[tilespmem:$0xF0] =	vst v0  }
0x1c4: {  	[tilespmem:s16], [sflag:$0x2] =	stream.indirect.gather [hbm4b:s2+s12], $0x80, s12, s12, $0xb8;
	[tilespmem:$0xCD80] =	vst v63  }
0x1c5: {  	_ =	swait.ge [sflag:s15], $0x4000  }
0x1c6: {  	[sflag:s15] =	ssyncset.done $0x0  }
0x1c7: {  	v0 =	vadd.s32 $0xF, v5;
	[sflag:s15] =	ssyncadd.s32 $0xFFFFC000  }
0x1c8: {  	[spmem:s4] =	stream.indirect.scatter.add.f32 [tilespmem:s13], [sflag:$0x3], $0x80, s18, s12, $0xb8;
	[tilespmem:$0xCD80] =	vst v63  }
0x1c9: {  	_ =	swait.ge [sflag:s11], $0x4000  }
0x1ca: {  	[sflag:s11] =	ssyncset.done $0x0  }
0x1cb: {  	[sflag:s11] =	ssyncadd.s32 $0xFFFFC000  }
0x1cc: {  	v0 =	vld.idx.msk [tilespmem:v0+s14+$0x0], $0xffff  }
0x1cd: {  	v63 =	vadd.s32 $0x18F, v5;
	_ =	sdelay $0x3  }
0x1ce: {  	[tilespmem:$0x0] =	vst v0  }
0x1cf: {  	v0 =	vld.idx.msk [tilespmem:v63+s14+$0x0], $0xffff  }
0x1d0: {  	v63 =	vadd.s32 $0x30F, v5;
	_ =	sdelay $0x3  }
0x1d1: {  	[tilespmem:$0x10] =	vst v0  }
0x1d2: {  	v0 =	vld.idx.msk [tilespmem:v63+s14+$0x0], $0xffff  }
0x1d3: {  	v63 =	vadd.s32 $0x48F, v5;
	_ =	sdelay $0x3  }
0x1d4: {  	[tilespmem:$0x20] =	vst v0  }
0x1d5: {  	v0 =	vld.idx.msk [tilespmem:v63+s14+$0x0], $0xffff  }
0x1d6: {  	v63 =	vadd.s32 $0x60F, v5;
	_ =	sdelay $0x3  }
0x1d7: {  	[tilespmem:$0x30] =	vst v0  }
0x1d8: {  	v0 =	vld.idx.msk [tilespmem:v63+s14+$0x0], $0xffff  }
0x1d9: {  	v63 =	vadd.s32 $0x78F, v5;
	_ =	sdelay $0x3  }
0x1da: {  	[tilespmem:$0x40] =	vst v0  }
0x1db: {  	v0 =	vld.idx.msk [tilespmem:v63+s14+$0x0], $0xffff  }
0x1dc: {  	v63 =	vadd.s32 $0x90F, v5;
	_ =	sdelay $0x3  }
0x1dd: {  	[tilespmem:$0x50] =	vst v0  }
0x1de: {  	v0 =	vld.idx.msk [tilespmem:v63+s14+$0x0], $0xffff  }
0x1df: {  	v63 =	vadd.s32 $0xA8F, v5;
	_ =	sdelay $0x3  }
0x1e0: {  	[tilespmem:$0x60] =	vst v0  }
0x1e1: {  	v0 =	vld.idx.msk [tilespmem:v63+s14+$0x0], $0xffff;
	_ =	sdelay $0x4  }
0x1e2: {  	[tilespmem:$0x70] =	vst v0  }
0x1e3: {  	[tilespmem:s13], [sflag:$0x1] =	stream.indirect.gather [hbm4b:s2+s12], $0x80, s5, s12, $0xb8;
	[tilespmem:$0xCD80] =	vst v63  }
0x1e4: {  	_ =	swait.ge [sflag:s17], $0x4000  }
0x1e5: {  	[sflag:s17] =	ssyncset.done $0x0  }
0x1e6: {  	v0 =	vadd.s32 $0x10, v5;
	[sflag:s17] =	ssyncadd.s32 $0xFFFFC000  }
0x1e7: {  	[spmem:s4] =	stream.indirect.scatter.add.f32 [tilespmem:s16], [sflag:$0x3], $0x80, s18, s12, $0xb8;
	[tilespmem:$0xCD80] =	vst v63  }
0x1e8: {  	_ =	swait.ge [sflag:s11], $0x4000  }
0x1e9: {  	[sflag:s11] =	ssyncset.done $0x0  }
0x1ea: {  	[sflag:s11] =	ssyncadd.s32 $0xFFFFC000  }
0x1eb: {  	v0 =	vld.idx.msk [tilespmem:v0+s14+$0x0], $0xffff  }
0x1ec: {  	v63 =	vadd.s32 $0x190, v5;
	_ =	sdelay $0x3  }
0x1ed: {  	[tilespmem:$0x80] =	vst v0  }
0x1ee: {  	v0 =	vld.idx.msk [tilespmem:v63+s14+$0x0], $0xffff  }
0x1ef: {  	v63 =	vadd.s32 $0x310, v5;
	_ =	sdelay $0x3  }
0x1f0: {  	[tilespmem:$0x90] =	vst v0  }
0x1f1: {  	v0 =	vld.idx.msk [tilespmem:v63+s14+$0x0], $0xffff  }
0x1f2: {  	v63 =	vadd.s32 $0x490, v5;
	_ =	sdelay $0x3  }
0x1f3: {  	[tilespmem:$0xA0] =	vst v0  }
0x1f4: {  	v0 =	vld.idx.msk [tilespmem:v63+s14+$0x0], $0xffff  }
0x1f5: {  	v63 =	vadd.s32 $0x610, v5;
	_ =	sdelay $0x3  }
0x1f6: {  	[tilespmem:$0xB0] =	vst v0  }
0x1f7: {  	v0 =	vld.idx.msk [tilespmem:v63+s14+$0x0], $0xffff  }
0x1f8: {  	v63 =	vadd.s32 $0x790, v5;
	_ =	sdelay $0x3  }
0x1f9: {  	[tilespmem:$0xC0] =	vst v0  }
0x1fa: {  	v0 =	vld.idx.msk [tilespmem:v63+s14+$0x0], $0xffff  }
0x1fb: {  	v63 =	vadd.s32 $0x910, v5;
	_ =	sdelay $0x3  }
0x1fc: {  	[tilespmem:$0xD0] =	vst v0  }
0x1fd: {  	v0 =	vld.idx.msk [tilespmem:v63+s14+$0x0], $0xffff  }
0x1fe: {  	v63 =	vadd.s32 $0xA90, v5;
	_ =	sdelay $0x3  }
0x1ff: {  	[tilespmem:$0xE0] =	vst v0  }
0x200: {  	v0 =	vld.idx.msk [tilespmem:v63+s14+$0x0], $0xffff;
	_ =	sdelay $0x4  }
0x201: {  	[tilespmem:$0xF0] =	vst v0  }
0x202: {  	[tilespmem:s16], [sflag:$0x2] =	stream.indirect.gather [hbm4b:s2+s12], $0x80, s12, s12, $0xb8;
	[tilespmem:$0xCD80] =	vst v63  }
0x203: {  	_ =	swait.ge [sflag:s15], $0x4000  }
0x204: {  	[sflag:s15] =	ssyncset.done $0x0  }
0x205: {  	v0 =	vadd.s32 $0x11, v5;
	[sflag:s15] =	ssyncadd.s32 $0xFFFFC000  }
0x206: {  	[spmem:s4] =	stream.indirect.scatter.add.f32 [tilespmem:s13], [sflag:$0x3], $0x80, s18, s12, $0xb8;
	[tilespmem:$0xCD80] =	vst v63  }
0x207: {  	_ =	swait.ge [sflag:s11], $0x4000  }
0x208: {  	[sflag:s11] =	ssyncset.done $0x0  }
0x209: {  	[sflag:s11] =	ssyncadd.s32 $0xFFFFC000  }
0x20a: {  	v0 =	vld.idx.msk [tilespmem:v0+s14+$0x0], $0xffff  }
0x20b: {  	v63 =	vadd.s32 $0x191, v5;
	_ =	sdelay $0x3  }
0x20c: {  	[tilespmem:$0x0] =	vst v0  }
0x20d: {  	v0 =	vld.idx.msk [tilespmem:v63+s14+$0x0], $0xffff  }
0x20e: {  	v63 =	vadd.s32 $0x311, v5;
	_ =	sdelay $0x3  }
0x20f: {  	[tilespmem:$0x10] =	vst v0  }
0x210: {  	v0 =	vld.idx.msk [tilespmem:v63+s14+$0x0], $0xffff  }
0x211: {  	v63 =	vadd.s32 $0x491, v5;
	_ =	sdelay $0x3  }
0x212: {  	[tilespmem:$0x20] =	vst v0  }
0x213: {  	v0 =	vld.idx.msk [tilespmem:v63+s14+$0x0], $0xffff  }
0x214: {  	v63 =	vadd.s32 $0x611, v5;
	_ =	sdelay $0x3  }
0x215: {  	[tilespmem:$0x30] =	vst v0  }
0x216: {  	v0 =	vld.idx.msk [tilespmem:v63+s14+$0x0], $0xffff  }
0x217: {  	v63 =	vadd.s32 $0x791, v5;
	_ =	sdelay $0x3  }
0x218: {  	[tilespmem:$0x40] =	vst v0  }
0x219: {  	v0 =	vld.idx.msk [tilespmem:v63+s14+$0x0], $0xffff  }
0x21a: {  	v63 =	vadd.s32 $0x911, v5;
	_ =	sdelay $0x3  }
0x21b: {  	[tilespmem:$0x50] =	vst v0  }
0x21c: {  	v0 =	vld.idx.msk [tilespmem:v63+s14+$0x0], $0xffff  }
0x21d: {  	v63 =	vadd.s32 $0xA91, v5;
	_ =	sdelay $0x3  }
0x21e: {  	[tilespmem:$0x60] =	vst v0  }
0x21f: {  	v0 =	vld.idx.msk [tilespmem:v63+s14+$0x0], $0xffff;
	_ =	sdelay $0x4  }
0x220: {  	[tilespmem:$0x70] =	vst v0  }
0x221: {  	[tilespmem:s13], [sflag:$0x1] =	stream.indirect.gather [hbm4b:s2+s12], $0x80, s5, s12, $0xb8;
	[tilespmem:$0xCD80] =	vst v63  }
0x222: {  	_ =	swait.ge [sflag:s17], $0x4000  }
0x223: {  	[sflag:s17] =	ssyncset.done $0x0  }
0x224: {  	v0 =	vadd.s32 $0x12, v5;
	[sflag:s17] =	ssyncadd.s32 $0xFFFFC000  }
0x225: {  	[spmem:s4] =	stream.indirect.scatter.add.f32 [tilespmem:s16], [sflag:$0x3], $0x80, s18, s12, $0xb8;
	[tilespmem:$0xCD80] =	vst v63  }
0x226: {  	_ =	swait.ge [sflag:s11], $0x4000  }
0x227: {  	[sflag:s11] =	ssyncset.done $0x0  }
0x228: {  	[sflag:s11] =	ssyncadd.s32 $0xFFFFC000  }
0x229: {  	v0 =	vld.idx.msk [tilespmem:v0+s14+$0x0], $0xffff  }
0x22a: {  	v63 =	vadd.s32 $0x192, v5;
	_ =	sdelay $0x3  }
0x22b: {  	[tilespmem:$0x80] =	vst v0  }
0x22c: {  	v0 =	vld.idx.msk [tilespmem:v63+s14+$0x0], $0xffff  }
0x22d: {  	v63 =	vadd.s32 $0x312, v5;
	_ =	sdelay $0x3  }
0x22e: {  	[tilespmem:$0x90] =	vst v0  }
0x22f: {  	v0 =	vld.idx.msk [tilespmem:v63+s14+$0x0], $0xffff  }
0x230: {  	v63 =	vadd.s32 $0x492, v5;
	_ =	sdelay $0x3  }
0x231: {  	[tilespmem:$0xA0] =	vst v0  }
0x232: {  	v0 =	vld.idx.msk [tilespmem:v63+s14+$0x0], $0xffff  }
0x233: {  	v63 =	vadd.s32 $0x612, v5;
	_ =	sdelay $0x3  }
0x234: {  	[tilespmem:$0xB0] =	vst v0  }
0x235: {  	v0 =	vld.idx.msk [tilespmem:v63+s14+$0x0], $0xffff  }
0x236: {  	v63 =	vadd.s32 $0x792, v5;
	_ =	sdelay $0x3  }
0x237: {  	[tilespmem:$0xC0] =	vst v0  }
0x238: {  	v0 =	vld.idx.msk [tilespmem:v63+s14+$0x0], $0xffff  }
0x239: {  	v63 =	vadd.s32 $0x912, v5;
	_ =	sdelay $0x3  }
0x23a: {  	[tilespmem:$0xD0] =	vst v0  }
0x23b: {  	v0 =	vld.idx.msk [tilespmem:v63+s14+$0x0], $0xffff  }
0x23c: {  	v63 =	vadd.s32 $0xA92, v5;
	_ =	sdelay $0x3  }
0x23d: {  	[tilespmem:$0xE0] =	vst v0  }
0x23e: {  	v0 =	vld.idx.msk [tilespmem:v63+s14+$0x0], $0xffff;
	_ =	sdelay $0x4  }
0x23f: {  	[tilespmem:$0xF0] =	vst v0  }
0x240: {  	[tilespmem:s16], [sflag:$0x2] =	stream.indirect.gather [hbm4b:s2+s12], $0x80, s12, s12, $0xb8;
	[tilespmem:$0xCD80] =	vst v63  }
0x241: {  	_ =	swait.ge [sflag:s15], $0x4000  }
0x242: {  	[sflag:s15] =	ssyncset.done $0x0  }
0x243: {  	v0 =	vadd.s32 $0x13, v5;
	[sflag:s15] =	ssyncadd.s32 $0xFFFFC000  }
0x244: {  	[spmem:s4] =	stream.indirect.scatter.add.f32 [tilespmem:s13], [sflag:$0x3], $0x80, s18, s12, $0xb8;
	[tilespmem:$0xCD80] =	vst v63  }
0x245: {  	_ =	swait.ge [sflag:s11], $0x4000  }
0x246: {  	[sflag:s11] =	ssyncset.done $0x0  }
0x247: {  	[sflag:s11] =	ssyncadd.s32 $0xFFFFC000  }
0x248: {  	v0 =	vld.idx.msk [tilespmem:v0+s14+$0x0], $0xffff  }
0x249: {  	v63 =	vadd.s32 $0x193, v5;
	_ =	sdelay $0x3  }
0x24a: {  	[tilespmem:$0x0] =	vst v0  }
0x24b: {  	v0 =	vld.idx.msk [tilespmem:v63+s14+$0x0], $0xffff  }
0x24c: {  	v63 =	vadd.s32 $0x313, v5;
	_ =	sdelay $0x3  }
0x24d: {  	[tilespmem:$0x10] =	vst v0  }
0x24e: {  	v0 =	vld.idx.msk [tilespmem:v63+s14+$0x0], $0xffff  }
0x24f: {  	v63 =	vadd.s32 $0x493, v5;
	_ =	sdelay $0x3  }
0x250: {  	[tilespmem:$0x20] =	vst v0  }
0x251: {  	v0 =	vld.idx.msk [tilespmem:v63+s14+$0x0], $0xffff  }
0x252: {  	v63 =	vadd.s32 $0x613, v5;
	_ =	sdelay $0x3  }
0x253: {  	[tilespmem:$0x30] =	vst v0  }
0x254: {  	v0 =	vld.idx.msk [tilespmem:v63+s14+$0x0], $0xffff  }
0x255: {  	v63 =	vadd.s32 $0x793, v5;
	_ =	sdelay $0x3  }
0x256: {  	[tilespmem:$0x40] =	vst v0  }
0x257: {  	v0 =	vld.idx.msk [tilespmem:v63+s14+$0x0], $0xffff  }
0x258: {  	v63 =	vadd.s32 $0x913, v5;
	_ =	sdelay $0x3  }
0x259: {  	[tilespmem:$0x50] =	vst v0  }
0x25a: {  	v0 =	vld.idx.msk [tilespmem:v63+s14+$0x0], $0xffff  }
0x25b: {  	v63 =	vadd.s32 $0xA93, v5;
	_ =	sdelay $0x3  }
0x25c: {  	[tilespmem:$0x60] =	vst v0  }
0x25d: {  	v0 =	vld.idx.msk [tilespmem:v63+s14+$0x0], $0xffff;
	_ =	sdelay $0x4  }
0x25e: {  	[tilespmem:$0x70] =	vst v0  }
0x25f: {  	[tilespmem:s13], [sflag:$0x1] =	stream.indirect.gather [hbm4b:s2+s12], $0x80, s5, s12, $0xb8;
	[tilespmem:$0xCD80] =	vst v63  }
0x260: {  	_ =	swait.ge [sflag:s17], $0x4000  }
0x261: {  	[sflag:s17] =	ssyncset.done $0x0  }
0x262: {  	[sflag:s17] =	ssyncadd.s32 $0xFFFFC000  }
0x263: {  	[spmem:s4] =	stream.indirect.scatter.add.f32 [tilespmem:s16], [sflag:$0x3], $0x80, s18, s12, $0xb8;
	[tilespmem:$0xCD80] =	vst v63  }
0x264: {  	_ =	swait.ge [sflag:s11], $0x4000  }
0x265: {  	[sflag:s11] =	ssyncset.done $0x0  }
0x266: {  	[sflag:s11] =	ssyncadd.s32 $0xFFFFC000  }
0x267: {  	_ =	swait.ge [sflag:s15], $0x4000  }
0x268: {  	[sflag:s15] =	ssyncset.done $0x0  }
0x269: {  	[sflag:s15] =	ssyncadd.s32 $0xFFFFC000  }
0x26a: {  	[spmem:s4] =	stream.indirect.scatter.add.f32 [tilespmem:s13], [sflag:$0x3], $0x80, s18, s12, $0xb8;
	[tilespmem:$0xCD80] =	vst v63  }
0x26b: {  	_ =	swait.ge [sflag:s11], $0x4000  }
0x26c: {  	p0 =	sne.s32 s10, $0x1;
	[sflag:s11] =	ssyncset.done $0x0  }
.Ltmp0:
0x26d: {  	[sflag:s11] =	ssyncadd.s32 $0xFFFFC000;
	(pc) =	sbr.rel @p0 .LBB2_1-.Ltmp0, $4  }
0x26e: {  	[hbm:s9], [sflag:s19] =	dma.local [spmem:s20], $0x800  }
0x26f: {  	_ =	swait.ge [sflag:s11], $0x800  }
0x270: {  	[sflag:s11] =	ssyncset.done $0x0  }
0x271: {  	s10 =	sadd.s32 $0xFFFFFFFF, s10;
	[sflag:s11] =	ssyncadd.s32 $0xFFFFF800  }
0x272: {  	_ =	sfence.sel $0x180000  }
0x273: {  	[bflag:$0x0] =	sbarrier.arrive $0xFFFF  }
0x274: {  	p0 =	sne.s32 s0, $0x0;
	_ =	strace $0x90000047  }
0x275: {  	s0 =	sadd.s32 @!p0 $0x100000, s3;
	[bflag:$0x2] =	sbarrier.arrive $0xFFFF  }
0x276: {  	[sflag:s0] =	ssyncadd.tile.s32 @!p0 $0x1;
	_ =	shalt  }
.Lfunc_end2:
_tile_overlayer_lowered:
.L_overlay_start_2:
0x277: {  	(tag) =	ssettag $0x2  }
0x278: {  	s0 =	rddreg [dreg:$0x0];
	s2 =	stileid.u32  }
0x279: {  	s1 =	rddreg [dreg:$0x1];
	p0 =	sne.s32 s2, $0x0  }
0x27a: {  	s3 =	rddreg [dreg:$0x2];
	[bflag:$0x3] =	sbarrier.arrive $0xFFFF;
	s2 =	simm.s32 @!p0 $0x1C03  }
0x27b: {  	[timem:s3], [sflag:s2] =	dma.local @!p0 [hbm:s0], s1  }
0x27c: {  	s0 =	simm.s32 @!p0 $0x3  }
0x27d: {  	_ =	swait.ge @!p0 [sflag:s0], s1  }
0x27e: {  	s1 =	ssub.s32 @!p0 $0x0, s1;
	[sflag:s0] =	ssyncset.done @!p0 $0x0  }
0x27f: {  	[sflag:s0] =	ssyncadd.s32 @!p0 s1  }
0x280: {  	[bflag:$0x3] =	sbarrier.arrive $0xFFFF  }
0x281: {  	_ =	shalt  }

</sc_bundles>
